<compile_context>
chip_gen: v7x
topology: tpu7x:2x2x1
jax: 0.10.2.dev20260603
libtpu: 0.0.44.dev20260713+nightly
codegen_flags: <defaults>
</compile_context>

<pallas_src>
import functools

import jax
import jax.numpy as jnp
from jax import lax
from jax.experimental import pallas as pl
from jax.experimental.pallas import tpu as pltpu
from jax.experimental.pallas import tpu_sc as plsc

_B = 1024
_F = 330
_L = 20
_E = 16
_V = 10614790
_SEG = _B * _F
_NW = 32

_CBLK = 256
_NBLK = _V // _CBLK
_ORPB = _CBLK // 8
_OROWS = _NBLK * _ORPB + 1
_VTAIL = _V - _NBLK * _CBLK
_OFPB = _ORPB * 128

_SEG_W = _SEG // _NW
_S = 96
_IDS_CHUNK = _S * _L
_DMA_ROWS = 128
_NDMA = _IDS_CHUNK // _DMA_ROWS
_NCHUNK = _SEG_W // _S
_NPAIR = _NCHUNK // 2


def _relayout_body(tt_hbm, tail_hbm, o_hbm,
                   in0, in1, ob0, ob1, tail_v,
                   sem_i0, sem_i1, sem_o0, sem_o1):
    nc = 2
    wid = lax.axis_index("s") * nc + lax.axis_index("c")
    nb = (_NBLK - wid + _NW - 1) // _NW

    iota = lax.iota(jnp.int32, 16)

    def in_copy(j, buf, sem):
        blk = wid + j * _NW
        return pltpu.make_async_copy(
            tt_hbm.at[:, pl.ds(blk * _CBLK, _CBLK)], buf, sem)

    def in_start(j, buf, sem):
        in_copy(j, buf, sem).start()

    def in_wait(j, buf, sem):
        in_copy(j, buf, sem).wait()

    def out_copy(j, buf, sem):
        blk = wid + j * _NW
        return pltpu.make_async_copy(
            buf, o_hbm.at[pl.ds(blk * _OFPB, _OFPB)], sem)

    def transpose(inb, ob):
        @plsc.parallel_loop(0, _CBLK, unroll=32)
        def _(d):
            c = (d + iota) & (_CBLK - 1)
            col = plsc.load_gather(inb, [iota, c])
            oaddr = (c << 4) + iota
            plsc.store_scatter(ob, [oaddr], col)

    @pl.when(wid == 0)
    def _():
        pltpu.sync_copy(tail_hbm, tail_v)
        pltpu.sync_copy(tail_v, o_hbm.at[pl.ds((_OROWS - 1) * 128, 128)])

    in_start(0, in0, sem_i0)

    def pair_body(t, carry):
        ja = 2 * t

        @pl.when(ja + 1 < nb)
        def _():
            in_start(ja + 1, in1, sem_i1)

        in_wait(ja, in0, sem_i0)

        @pl.when(ja >= 2)
        def _():
            out_copy(ja - 2, ob0, sem_o0).wait()

        transpose(in0, ob0)
        out_copy(ja, ob0, sem_o0).start()

        @pl.when(ja + 2 < nb)
        def _():
            in_start(ja + 2, in0, sem_i0)

        @pl.when(ja + 1 < nb)
        def _():
            in_wait(ja + 1, in1, sem_i1)

            @pl.when(ja >= 2)
            def _():
                out_copy(ja - 1, ob1, sem_o1).wait()

            transpose(in1, ob1)
            out_copy(ja + 1, ob1, sem_o1).start()

        return carry

    npair = (nb + 1) // 2
    lax.fori_loop(0, npair, pair_body, 0)

    out_copy(0, ob0, sem_o0).wait()

    @pl.when(nb >= 2)
    def _():
        out_copy(1, ob1, sem_o1).wait()


def _lookup_body(x_hbm, table_hbm, out_hbm,
                 idx0, idx1, rows0, rows1, acc_v, sem0, sem1):
    nc = 2
    wid = lax.axis_index("s") * nc + lax.axis_index("c")
    i0 = wid * _SEG_W * _L
    o0 = wid * _SEG_W * _E

    def load_idx(g, idx_v):
        pltpu.sync_copy(x_hbm.at[pl.ds(i0 + g * _IDS_CHUNK, _IDS_CHUNK)], idx_v)

    def fire(idx_v, rows_v, sem):
        for j in range(_NDMA):
            pltpu.async_copy(
                table_hbm.at[idx_v.at[pl.ds(j * _DMA_ROWS, _DMA_ROWS)]],
                rows_v.at[pl.ds(j * _DMA_ROWS, _DMA_ROWS)],
                sem,
            )

    def drain(idx_v, rows_v, sem):
        for j in range(_NDMA):
            pltpu.make_async_copy(
                table_hbm.at[idx_v.at[pl.ds(j * _DMA_ROWS, _DMA_ROWS)]],
                rows_v.at[pl.ds(j * _DMA_ROWS, _DMA_ROWS)],
                sem,
            ).wait()

    def pool(g, rows_v):
        def seg_body(i, c):
            base = i * _L
            acc = rows_v[base, :]
            for l in range(1, _L):
                acc = acc + rows_v[base + l, :]
            acc_v[pl.ds(i * _E, _E)] = acc
            return c

        lax.fori_loop(0, _S, seg_body, 0)
        pltpu.sync_copy(acc_v, out_hbm.at[pl.ds(o0 + g * _S * _E, _S * _E)])

    load_idx(0, idx0)
    fire(idx0, rows0, sem0)

    def pair_body(t, carry):
        a = 2 * t
        load_idx(a + 1, idx1)
        fire(idx1, rows1, sem1)
        drain(idx0, rows0, sem0)
        pool(a, rows0)

        @pl.when(t < _NPAIR - 1)
        def _():
            load_idx(a + 2, idx0)
            fire(idx0, rows0, sem0)

        drain(idx1, rows1, sem1)
        pool(a + 1, rows1)
        return carry

    lax.fori_loop(0, _NPAIR, pair_body, 0)


@jax.jit
def _emb_lookup(x, table):
    mesh = plsc.VectorSubcoreMesh(core_axis_name="c", subcore_axis_name="s")

    tt = table.T
    tail = jnp.concatenate(
        [lax.slice(table, (_NBLK * _CBLK, 0), (_V, _E)).reshape(-1),
         jnp.zeros((128 - (_V - _NBLK * _CBLK) * _E,), jnp.float32)]
    )

    relayout = pl.kernel(
        _relayout_body,
        out_type=jax.ShapeDtypeStruct((_OROWS * 128,), jnp.float32),
        mesh=mesh,
        scratch_types=[
            pltpu.VMEM((_E, _CBLK), jnp.float32),
            pltpu.VMEM((_E, _CBLK), jnp.float32),
            pltpu.VMEM((_OFPB,), jnp.float32),
            pltpu.VMEM((_OFPB,), jnp.float32),
            pltpu.VMEM((128,), jnp.float32),
            pltpu.SemaphoreType.DMA,
            pltpu.SemaphoreType.DMA,
            pltpu.SemaphoreType.DMA,
            pltpu.SemaphoreType.DMA,
        ],
        compiler_params=pltpu.CompilerParams(needs_layout_passes=False),
    )
    rowtab = relayout(tt, tail)
    rowtab2 = rowtab.reshape(_OROWS * 8, _E)

    lookup = pl.kernel(
        _lookup_body,
        out_type=jax.ShapeDtypeStruct((_SEG * _E,), jnp.float32),
        mesh=mesh,
        scratch_types=[
            pltpu.VMEM((_IDS_CHUNK,), jnp.int32),
            pltpu.VMEM((_IDS_CHUNK,), jnp.int32),
            pltpu.VMEM((_IDS_CHUNK, _E), jnp.float32),
            pltpu.VMEM((_IDS_CHUNK, _E), jnp.float32),
            pltpu.VMEM((_S * _E,), jnp.float32),
            pltpu.SemaphoreType.DMA,
            pltpu.SemaphoreType.DMA,
        ],
        compiler_params=pltpu.CompilerParams(use_tc_tiling_on_sc=False),
    )
    return lookup(x.reshape(-1), rowtab2)


def kernel(x, table):
    out = _emb_lookup(x, table)
    return out.reshape(_B, _F * _E)

# --- scband reference (transcript-rebuilt; emitter-appended) ---
"""Pipeline reference for scband-alldata-embedding-layer-23527830847568 (READ-ONLY COPY).

The authoritative reference and input builder live on the scoring server;
editing this copy changes nothing except your own understanding.
"""

import jax, jax.numpy as jnp
import numpy as np

VOCAB = 10614790
EMB = 16
N_FEAT = 330
BATCH = 1024
HIST = 20

def setup_inputs(seed: int = 0) -> dict:
    key = jax.random.key(seed)
    k1, k2 = jax.random.split(key)
    x = jax.random.randint(k1, (BATCH, N_FEAT, HIST), 0, VOCAB, dtype=jnp.int32)
    # xavier_uniform init for the embedding table (fan_in=VOCAB, fan_out=EMB)
    bound = float(np.sqrt(6.0 / (VOCAB + EMB)))
    table = jax.random.uniform(k2, (VOCAB, EMB), minval=-bound, maxval=bound, dtype=jnp.float32)
    return {"x": x, "table": table}

def reference(x, table):
    # For batch_type='in': for each of the 330 fields, embed the hist_len ids,
    # sum over the hist dimension, then concatenate fields along dim 1.
    emb = jnp.take(table, x, axis=0)          # [B, F, L, E] gather
    summed = jnp.sum(emb, axis=2)             # [B, F, E] sum over hist ids
    out = summed.reshape(summed.shape[0], N_FEAT * EMB)  # concat over fields -> [B, F*E]
    return out

if __name__ == "__main__":
    import jax
    _d = setup_inputs()
    print(jax.jit(kernel)(*tuple(_d.values())))

</pallas_src>

<mosaic_0001>
#map = affine_map<(d0, d1) -> (0)>
#map1 = affine_map<(d0, d1) -> (0, 0)>
module attributes {stable_mosaic.version = 14 : i64} {
  func.func @_lookup_body(%arg0: i32, %arg1: i32, %arg2: memref<6758400xi32, #tpu.memory_space<hbm>>, %arg3: memref<10614792x16xf32, #tpu.memory_space<hbm>>, %arg4: memref<5406720xf32, #tpu.memory_space<hbm>>, %arg5: memref<1920xi32, #tpu.memory_space<vmem>>, %arg6: memref<1920xi32, #tpu.memory_space<vmem>>, %arg7: memref<1920x16xf32, #tpu.memory_space<vmem>>, %arg8: memref<1920x16xf32, #tpu.memory_space<vmem>>, %arg9: memref<1536xf32, #tpu.memory_space<vmem>>, %arg10: memref<!tpu.dma_semaphore, #tpu.memory_space<semaphore_mem>>, %arg11: memref<!tpu.dma_semaphore, #tpu.memory_space<semaphore_mem>>) attributes {dimension_semantics = [#tpu.dimension_semantics<core_parallel>, #tpu.dimension_semantics<subcore_parallel>], iteration_bounds = array<i64: 2, 16>, scalar_prefetch = 0 : i64, scratch_operands = 7 : i64, tpu.core_type = #tpu.core_type<sc_vector_subcore>, window_params = [{transform_indices = #map}, {transform_indices = #map1}, {transform_indices = #map}]} {
    %mul3A = arith.constant 2 : i32
    %mul3A_0 = arith.muli %arg1, %mul3A : i32
    %add3A = arith.addi %mul3A_0, %arg0 : i32
    %mul3A_1 = arith.constant 10560 : i32
    %mul3A_2 = arith.muli %add3A, %mul3A_1 : i32
    %mul3A_3 = arith.constant 20 : i32
    %mul3A_4 = arith.muli %mul3A_2, %mul3A_3 : i32
    %mul3A_5 = arith.constant 10560 : i32
    %mul3A_6 = arith.muli %add3A, %mul3A_5 : i32
    %mul3A_7 = arith.constant 16 : i32
    %mul3A_8 = arith.muli %mul3A_6, %mul3A_7 : i32
    %add3A_9 = arith.constant 0 : i32
    %add3A_10 = arith.addi %mul3A_4, %add3A_9 : i32
    "tpu.region"() ({
      %run_scoped3A = tpu.sem_alloc : memref<!tpu.dma_semaphore, #tpu.memory_space<semaphore_mem>>
      %dma_start3A_135 = tpu.memref_slice %arg2[%add3A_10] : memref<6758400xi32, #tpu.memory_space<hbm>> -> memref<1920xi32, #tpu.memory_space<hbm>>
      %dma_start3A_136 = tpu.memref_slice %arg2[%add3A_10] : memref<6758400xi32, #tpu.memory_space<hbm>> -> memref<1920xi32, #tpu.memory_space<hbm>>
      tpu.enqueue_dma source(%dma_start3A_136 : memref<1920xi32, #tpu.memory_space<hbm>>) target(%arg5 : memref<1920xi32, #tpu.memory_space<vmem>>) target_semaphore(%run_scoped3A : memref<!tpu.dma_semaphore, #tpu.memory_space<semaphore_mem>>)
      %dma_wait3A = tpu.memref_slice %arg2[%add3A_10] : memref<6758400xi32, #tpu.memory_space<hbm>> -> memref<1920xi32, #tpu.memory_space<hbm>>
      %dma_wait3A_137 = tpu.memref_slice %arg2[%add3A_10] : memref<6758400xi32, #tpu.memory_space<hbm>> -> memref<1920xi32, #tpu.memory_space<hbm>>
      tpu.wait_dma2 semaphore(%run_scoped3A : memref<!tpu.dma_semaphore, #tpu.memory_space<semaphore_mem>>) src(%dma_wait3A_137 : memref<1920xi32, #tpu.memory_space<hbm>>) dst(%arg5 : memref<1920xi32, #tpu.memory_space<vmem>>)
      tpu.yield
    }) : () -> ()
    %dma_start3A = arith.constant 0 : i32
    %dma_start3A_11 = arith.constant 0 : i32
    %dma_start3A_12 = tpu.memref_slice %arg7[%dma_start3A, %dma_start3A_11] : memref<1920x16xf32, #tpu.memory_space<vmem>> -> memref<128x16xf32, #tpu.memory_space<vmem>>
    %dma_start3A_13 = arith.constant 0 : i32
    %dma_start3A_14 = tpu.memref_slice %arg5[%dma_start3A_13] : memref<1920xi32, #tpu.memory_space<vmem>> -> memref<128xi32, #tpu.memory_space<vmem>>
    %dma_start3A_15 = arith.constant 0 : i32
    %dma_start3A_16 = arith.constant 0 : i32
    %dma_start3A_17 = tpu.memref_slice %arg3[%dma_start3A_15, %dma_start3A_16] : memref<10614792x16xf32, #tpu.memory_space<hbm>> -> memref<10614792x16xf32, #tpu.memory_space<hbm>>
    tpu.enqueue_indirect_dma source(%dma_start3A_17 : memref<10614792x16xf32, #tpu.memory_space<hbm>>) target(%dma_start3A_12 : memref<128x16xf32, #tpu.memory_space<vmem>>) offsets(%dma_start3A_14 : memref<128xi32, #tpu.memory_space<vmem>>) semaphore(%arg10 : memref<!tpu.dma_semaphore, #tpu.memory_space<semaphore_mem>>)
    %dma_start3A_18 = arith.constant 128 : i32
    %dma_start3A_19 = arith.constant 0 : i32
    %dma_start3A_20 = tpu.memref_slice %arg7[%dma_start3A_18, %dma_start3A_19] : memref<1920x16xf32, #tpu.memory_space<vmem>> -> memref<128x16xf32, #tpu.memory_space<vmem>>
    %dma_start3A_21 = arith.constant 128 : i32
    %dma_start3A_22 = tpu.memref_slice %arg5[%dma_start3A_21] : memref<1920xi32, #tpu.memory_space<vmem>> -> memref<128xi32, #tpu.memory_space<vmem>>
    %dma_start3A_23 = arith.constant 0 : i32
    %dma_start3A_24 = arith.constant 0 : i32
    %dma_start3A_25 = tpu.memref_slice %arg3[%dma_start3A_23, %dma_start3A_24] : memref<10614792x16xf32, #tpu.memory_space<hbm>> -> memref<10614792x16xf32, #tpu.memory_space<hbm>>
    tpu.enqueue_indirect_dma source(%dma_start3A_25 : memref<10614792x16xf32, #tpu.memory_space<hbm>>) target(%dma_start3A_20 : memref<128x16xf32, #tpu.memory_space<vmem>>) offsets(%dma_start3A_22 : memref<128xi32, #tpu.memory_space<vmem>>) semaphore(%arg10 : memref<!tpu.dma_semaphore, #tpu.memory_space<semaphore_mem>>)
    %dma_start3A_26 = arith.constant 256 : i32
    %dma_start3A_27 = arith.constant 0 : i32
    %dma_start3A_28 = tpu.memref_slice %arg7[%dma_start3A_26, %dma_start3A_27] : memref<1920x16xf32, #tpu.memory_space<vmem>> -> memref<128x16xf32, #tpu.memory_space<vmem>>
    %dma_start3A_29 = arith.constant 256 : i32
    %dma_start3A_30 = tpu.memref_slice %arg5[%dma_start3A_29] : memref<1920xi32, #tpu.memory_space<vmem>> -> memref<128xi32, #tpu.memory_space<vmem>>
    %dma_start3A_31 = arith.constant 0 : i32
    %dma_start3A_32 = arith.constant 0 : i32
    %dma_start3A_33 = tpu.memref_slice %arg3[%dma_start3A_31, %dma_start3A_32] : memref<10614792x16xf32, #tpu.memory_space<hbm>> -> memref<10614792x16xf32, #tpu.memory_space<hbm>>
    tpu.enqueue_indirect_dma source(%dma_start3A_33 : memref<10614792x16xf32, #tpu.memory_space<hbm>>) target(%dma_start3A_28 : memref<128x16xf32, #tpu.memory_space<vmem>>) offsets(%dma_start3A_30 : memref<128xi32, #tpu.memory_space<vmem>>) semaphore(%arg10 : memref<!tpu.dma_semaphore, #tpu.memory_space<semaphore_mem>>)
    %dma_start3A_34 = arith.constant 384 : i32
    %dma_start3A_35 = arith.constant 0 : i32
    %dma_start3A_36 = tpu.memref_slice %arg7[%dma_start3A_34, %dma_start3A_35] : memref<1920x16xf32, #tpu.memory_space<vmem>> -> memref<128x16xf32, #tpu.memory_space<vmem>>
    %dma_start3A_37 = arith.constant 384 : i32
    %dma_start3A_38 = tpu.memref_slice %arg5[%dma_start3A_37] : memref<1920xi32, #tpu.memory_space<vmem>> -> memref<128xi32, #tpu.memory_space<vmem>>
    %dma_start3A_39 = arith.constant 0 : i32
    %dma_start3A_40 = arith.constant 0 : i32
    %dma_start3A_41 = tpu.memref_slice %arg3[%dma_start3A_39, %dma_start3A_40] : memref<10614792x16xf32, #tpu.memory_space<hbm>> -> memref<10614792x16xf32, #tpu.memory_space<hbm>>
    tpu.enqueue_indirect_dma source(%dma_start3A_41 : memref<10614792x16xf32, #tpu.memory_space<hbm>>) target(%dma_start3A_36 : memref<128x16xf32, #tpu.memory_space<vmem>>) offsets(%dma_start3A_38 : memref<128xi32, #tpu.memory_space<vmem>>) semaphore(%arg10 : memref<!tpu.dma_semaphore, #tpu.memory_space<semaphore_mem>>)
    %dma_start3A_42 = arith.constant 512 : i32
    %dma_start3A_43 = arith.constant 0 : i32
    %dma_start3A_44 = tpu.memref_slice %arg7[%dma_start3A_42, %dma_start3A_43] : memref<1920x16xf32, #tpu.memory_space<vmem>> -> memref<128x16xf32, #tpu.memory_space<vmem>>
    %dma_start3A_45 = arith.constant 512 : i32
    %dma_start3A_46 = tpu.memref_slice %arg5[%dma_start3A_45] : memref<1920xi32, #tpu.memory_space<vmem>> -> memref<128xi32, #tpu.memory_space<vmem>>
    %dma_start3A_47 = arith.constant 0 : i32
    %dma_start3A_48 = arith.constant 0 : i32
    %dma_start3A_49 = tpu.memref_slice %arg3[%dma_start3A_47, %dma_start3A_48] : memref<10614792x16xf32, #tpu.memory_space<hbm>> -> memref<10614792x16xf32, #tpu.memory_space<hbm>>
    tpu.enqueue_indirect_dma source(%dma_start3A_49 : memref<10614792x16xf32, #tpu.memory_space<hbm>>) target(%dma_start3A_44 : memref<128x16xf32, #tpu.memory_space<vmem>>) offsets(%dma_start3A_46 : memref<128xi32, #tpu.memory_space<vmem>>) semaphore(%arg10 : memref<!tpu.dma_semaphore, #tpu.memory_space<semaphore_mem>>)
    %dma_start3A_50 = arith.constant 640 : i32
    %dma_start3A_51 = arith.constant 0 : i32
    %dma_start3A_52 = tpu.memref_slice %arg7[%dma_start3A_50, %dma_start3A_51] : memref<1920x16xf32, #tpu.memory_space<vmem>> -> memref<128x16xf32, #tpu.memory_space<vmem>>
    %dma_start3A_53 = arith.constant 640 : i32
    %dma_start3A_54 = tpu.memref_slice %arg5[%dma_start3A_53] : memref<1920xi32, #tpu.memory_space<vmem>> -> memref<128xi32, #tpu.memory_space<vmem>>
    %dma_start3A_55 = arith.constant 0 : i32
    %dma_start3A_56 = arith.constant 0 : i32
    %dma_start3A_57 = tpu.memref_slice %arg3[%dma_start3A_55, %dma_start3A_56] : memref<10614792x16xf32, #tpu.memory_space<hbm>> -> memref<10614792x16xf32, #tpu.memory_space<hbm>>
    tpu.enqueue_indirect_dma source(%dma_start3A_57 : memref<10614792x16xf32, #tpu.memory_space<hbm>>) target(%dma_start3A_52 : memref<128x16xf32, #tpu.memory_space<vmem>>) offsets(%dma_start3A_54 : memref<128xi32, #tpu.memory_space<vmem>>) semaphore(%arg10 : memref<!tpu.dma_semaphore, #tpu.memory_space<semaphore_mem>>)
    %dma_start3A_58 = arith.constant 768 : i32
    %dma_start3A_59 = arith.constant 0 : i32
    %dma_start3A_60 = tpu.memref_slice %arg7[%dma_start3A_58, %dma_start3A_59] : memref<1920x16xf32, #tpu.memory_space<vmem>> -> memref<128x16xf32, #tpu.memory_space<vmem>>
    %dma_start3A_61 = arith.constant 768 : i32
    %dma_start3A_62 = tpu.memref_slice %arg5[%dma_start3A_61] : memref<1920xi32, #tpu.memory_space<vmem>> -> memref<128xi32, #tpu.memory_space<vmem>>
    %dma_start3A_63 = arith.constant 0 : i32
    %dma_start3A_64 = arith.constant 0 : i32
    %dma_start3A_65 = tpu.memref_slice %arg3[%dma_start3A_63, %dma_start3A_64] : memref<10614792x16xf32, #tpu.memory_space<hbm>> -> memref<10614792x16xf32, #tpu.memory_space<hbm>>
    tpu.enqueue_indirect_dma source(%dma_start3A_65 : memref<10614792x16xf32, #tpu.memory_space<hbm>>) target(%dma_start3A_60 : memref<128x16xf32, #tpu.memory_space<vmem>>) offsets(%dma_start3A_62 : memref<128xi32, #tpu.memory_space<vmem>>) semaphore(%arg10 : memref<!tpu.dma_semaphore, #tpu.memory_space<semaphore_mem>>)
    %dma_start3A_66 = arith.constant 896 : i32
    %dma_start3A_67 = arith.constant 0 : i32
    %dma_start3A_68 = tpu.memref_slice %arg7[%dma_start3A_66, %dma_start3A_67] : memref<1920x16xf32, #tpu.memory_space<vmem>> -> memref<128x16xf32, #tpu.memory_space<vmem>>
    %dma_start3A_69 = arith.constant 896 : i32
    %dma_start3A_70 = tpu.memref_slice %arg5[%dma_start3A_69] : memref<1920xi32, #tpu.memory_space<vmem>> -> memref<128xi32, #tpu.memory_space<vmem>>
    %dma_start3A_71 = arith.constant 0 : i32
    %dma_start3A_72 = arith.constant 0 : i32
    %dma_start3A_73 = tpu.memref_slice %arg3[%dma_start3A_71, %dma_start3A_72] : memref<10614792x16xf32, #tpu.memory_space<hbm>> -> memref<10614792x16xf32, #tpu.memory_space<hbm>>
    tpu.enqueue_indirect_dma source(%dma_start3A_73 : memref<10614792x16xf32, #tpu.memory_space<hbm>>) target(%dma_start3A_68 : memref<128x16xf32, #tpu.memory_space<vmem>>) offsets(%dma_start3A_70 : memref<128xi32, #tpu.memory_space<vmem>>) semaphore(%arg10 : memref<!tpu.dma_semaphore, #tpu.memory_space<semaphore_mem>>)
    %dma_start3A_74 = arith.constant 1024 : i32
    %dma_start3A_75 = arith.constant 0 : i32
    %dma_start3A_76 = tpu.memref_slice %arg7[%dma_start3A_74, %dma_start3A_75] : memref<1920x16xf32, #tpu.memory_space<vmem>> -> memref<128x16xf32, #tpu.memory_space<vmem>>
    %dma_start3A_77 = arith.constant 1024 : i32
    %dma_start3A_78 = tpu.memref_slice %arg5[%dma_start3A_77] : memref<1920xi32, #tpu.memory_space<vmem>> -> memref<128xi32, #tpu.memory_space<vmem>>
    %dma_start3A_79 = arith.constant 0 : i32
    %dma_start3A_80 = arith.constant 0 : i32
    %dma_start3A_81 = tpu.memref_slice %arg3[%dma_start3A_79, %dma_start3A_80] : memref<10614792x16xf32, #tpu.memory_space<hbm>> -> memref<10614792x16xf32, #tpu.memory_space<hbm>>
    tpu.enqueue_indirect_dma source(%dma_start3A_81 : memref<10614792x16xf32, #tpu.memory_space<hbm>>) target(%dma_start3A_76 : memref<128x16xf32, #tpu.memory_space<vmem>>) offsets(%dma_start3A_78 : memref<128xi32, #tpu.memory_space<vmem>>) semaphore(%arg10 : memref<!tpu.dma_semaphore, #tpu.memory_space<semaphore_mem>>)
    %dma_start3A_82 = arith.constant 1152 : i32
    %dma_start3A_83 = arith.constant 0 : i32
    %dma_start3A_84 = tpu.memref_slice %arg7[%dma_start3A_82, %dma_start3A_83] : memref<1920x16xf32, #tpu.memory_space<vmem>> -> memref<128x16xf32, #tpu.memory_space<vmem>>
    %dma_start3A_85 = arith.constant 1152 : i32
    %dma_start3A_86 = tpu.memref_slice %arg5[%dma_start3A_85] : memref<1920xi32, #tpu.memory_space<vmem>> -> memref<128xi32, #tpu.memory_space<vmem>>
    %dma_start3A_87 = arith.constant 0 : i32
    %dma_start3A_88 = arith.constant 0 : i32
    %dma_start3A_89 = tpu.memref_slice %arg3[%dma_start3A_87, %dma_start3A_88] : memref<10614792x16xf32, #tpu.memory_space<hbm>> -> memref<10614792x16xf32, #tpu.memory_space<hbm>>
    tpu.enqueue_indirect_dma source(%dma_start3A_89 : memref<10614792x16xf32, #tpu.memory_space<hbm>>) target(%dma_start3A_84 : memref<128x16xf32, #tpu.memory_space<vmem>>) offsets(%dma_start3A_86 : memref<128xi32, #tpu.memory_space<vmem>>) semaphore(%arg10 : memref<!tpu.dma_semaphore, #tpu.memory_space<semaphore_mem>>)
    %dma_start3A_90 = arith.constant 1280 : i32
    %dma_start3A_91 = arith.constant 0 : i32
    %dma_start3A_92 = tpu.memref_slice %arg7[%dma_start3A_90, %dma_start3A_91] : memref<1920x16xf32, #tpu.memory_space<vmem>> -> memref<128x16xf32, #tpu.memory_space<vmem>>
    %dma_start3A_93 = arith.constant 1280 : i32
    %dma_start3A_94 = tpu.memref_slice %arg5[%dma_start3A_93] : memref<1920xi32, #tpu.memory_space<vmem>> -> memref<128xi32, #tpu.memory_space<vmem>>
    %dma_start3A_95 = arith.constant 0 : i32
    %dma_start3A_96 = arith.constant 0 : i32
    %dma_start3A_97 = tpu.memref_slice %arg3[%dma_start3A_95, %dma_start3A_96] : memref<10614792x16xf32, #tpu.memory_space<hbm>> -> memref<10614792x16xf32, #tpu.memory_space<hbm>>
    tpu.enqueue_indirect_dma source(%dma_start3A_97 : memref<10614792x16xf32, #tpu.memory_space<hbm>>) target(%dma_start3A_92 : memref<128x16xf32, #tpu.memory_space<vmem>>) offsets(%dma_start3A_94 : memref<128xi32, #tpu.memory_space<vmem>>) semaphore(%arg10 : memref<!tpu.dma_semaphore, #tpu.memory_space<semaphore_mem>>)
    %dma_start3A_98 = arith.constant 1408 : i32
    %dma_start3A_99 = arith.constant 0 : i32
    %dma_start3A_100 = tpu.memref_slice %arg7[%dma_start3A_98, %dma_start3A_99] : memref<1920x16xf32, #tpu.memory_space<vmem>> -> memref<128x16xf32, #tpu.memory_space<vmem>>
    %dma_start3A_101 = arith.constant 1408 : i32
    %dma_start3A_102 = tpu.memref_slice %arg5[%dma_start3A_101] : memref<1920xi32, #tpu.memory_space<vmem>> -> memref<128xi32, #tpu.memory_space<vmem>>
    %dma_start3A_103 = arith.constant 0 : i32
    %dma_start3A_104 = arith.constant 0 : i32
    %dma_start3A_105 = tpu.memref_slice %arg3[%dma_start3A_103, %dma_start3A_104] : memref<10614792x16xf32, #tpu.memory_space<hbm>> -> memref<10614792x16xf32, #tpu.memory_space<hbm>>
    tpu.enqueue_indirect_dma source(%dma_start3A_105 : memref<10614792x16xf32, #tpu.memory_space<hbm>>) target(%dma_start3A_100 : memref<128x16xf32, #tpu.memory_space<vmem>>) offsets(%dma_start3A_102 : memref<128xi32, #tpu.memory_space<vmem>>) semaphore(%arg10 : memref<!tpu.dma_semaphore, #tpu.memory_space<semaphore_mem>>)
    %dma_start3A_106 = arith.constant 1536 : i32
    %dma_start3A_107 = arith.constant 0 : i32
    %dma_start3A_108 = tpu.memref_slice %arg7[%dma_start3A_106, %dma_start3A_107] : memref<1920x16xf32, #tpu.memory_space<vmem>> -> memref<128x16xf32, #tpu.memory_space<vmem>>
    %dma_start3A_109 = arith.constant 1536 : i32
    %dma_start3A_110 = tpu.memref_slice %arg5[%dma_start3A_109] : memref<1920xi32, #tpu.memory_space<vmem>> -> memref<128xi32, #tpu.memory_space<vmem>>
    %dma_start3A_111 = arith.constant 0 : i32
    %dma_start3A_112 = arith.constant 0 : i32
    %dma_start3A_113 = tpu.memref_slice %arg3[%dma_start3A_111, %dma_start3A_112] : memref<10614792x16xf32, #tpu.memory_space<hbm>> -> memref<10614792x16xf32, #tpu.memory_space<hbm>>
    tpu.enqueue_indirect_dma source(%dma_start3A_113 : memref<10614792x16xf32, #tpu.memory_space<hbm>>) target(%dma_start3A_108 : memref<128x16xf32, #tpu.memory_space<vmem>>) offsets(%dma_start3A_110 : memref<128xi32, #tpu.memory_space<vmem>>) semaphore(%arg10 : memref<!tpu.dma_semaphore, #tpu.memory_space<semaphore_mem>>)
    %dma_start3A_114 = arith.constant 1664 : i32
    %dma_start3A_115 = arith.constant 0 : i32
    %dma_start3A_116 = tpu.memref_slice %arg7[%dma_start3A_114, %dma_start3A_115] : memref<1920x16xf32, #tpu.memory_space<vmem>> -> memref<128x16xf32, #tpu.memory_space<vmem>>
    %dma_start3A_117 = arith.constant 1664 : i32
    %dma_start3A_118 = tpu.memref_slice %arg5[%dma_start3A_117] : memref<1920xi32, #tpu.memory_space<vmem>> -> memref<128xi32, #tpu.memory_space<vmem>>
    %dma_start3A_119 = arith.constant 0 : i32
    %dma_start3A_120 = arith.constant 0 : i32
    %dma_start3A_121 = tpu.memref_slice %arg3[%dma_start3A_119, %dma_start3A_120] : memref<10614792x16xf32, #tpu.memory_space<hbm>> -> memref<10614792x16xf32, #tpu.memory_space<hbm>>
    tpu.enqueue_indirect_dma source(%dma_start3A_121 : memref<10614792x16xf32, #tpu.memory_space<hbm>>) target(%dma_start3A_116 : memref<128x16xf32, #tpu.memory_space<vmem>>) offsets(%dma_start3A_118 : memref<128xi32, #tpu.memory_space<vmem>>) semaphore(%arg10 : memref<!tpu.dma_semaphore, #tpu.memory_space<semaphore_mem>>)
    %dma_start3A_122 = arith.constant 1792 : i32
    %dma_start3A_123 = arith.constant 0 : i32
    %dma_start3A_124 = tpu.memref_slice %arg7[%dma_start3A_122, %dma_start3A_123] : memref<1920x16xf32, #tpu.memory_space<vmem>> -> memref<128x16xf32, #tpu.memory_space<vmem>>
    %dma_start3A_125 = arith.constant 1792 : i32
    %dma_start3A_126 = tpu.memref_slice %arg5[%dma_start3A_125] : memref<1920xi32, #tpu.memory_space<vmem>> -> memref<128xi32, #tpu.memory_space<vmem>>
    %dma_start3A_127 = arith.constant 0 : i32
    %dma_start3A_128 = arith.constant 0 : i32
    %dma_start3A_129 = tpu.memref_slice %arg3[%dma_start3A_127, %dma_start3A_128] : memref<10614792x16xf32, #tpu.memory_space<hbm>> -> memref<10614792x16xf32, #tpu.memory_space<hbm>>
    tpu.enqueue_indirect_dma source(%dma_start3A_129 : memref<10614792x16xf32, #tpu.memory_space<hbm>>) target(%dma_start3A_124 : memref<128x16xf32, #tpu.memory_space<vmem>>) offsets(%dma_start3A_126 : memref<128xi32, #tpu.memory_space<vmem>>) semaphore(%arg10 : memref<!tpu.dma_semaphore, #tpu.memory_space<semaphore_mem>>)
    %scan3A = arith.constant 0 : i32
    %scan3A_130 = arith.constant 0 : i32
    %scan3A_131 = arith.constant 55 : i32
    %scan3A_132 = arith.addi %scan3A_130, %scan3A_131 : i32
    %scan3A_133 = arith.constant 1 : i32
    scf.for %scan3A_135 = %scan3A_130 to %scan3A_132 step %scan3A_133  : i32 {
      %mul3A_136 = arith.constant 2 : i32
      %mul3A_137 = arith.muli %mul3A_136, %scan3A_135 : i32
      %add3A_138 = arith.constant 1 : i32
      %add3A_139 = arith.addi %mul3A_137, %add3A_138 : i32
      %mul3A_140 = arith.constant 1920 : i32
      %mul3A_141 = arith.muli %add3A_139, %mul3A_140 : i32
      %add3A_142 = arith.addi %mul3A_4, %mul3A_141 : i32
      "tpu.region"() ({
        %run_scoped3A = tpu.sem_alloc : memref<!tpu.dma_semaphore, #tpu.memory_space<semaphore_mem>>
        %dma_start3A_528 = tpu.memref_slice %arg2[%add3A_142] : memref<6758400xi32, #tpu.memory_space<hbm>> -> memref<1920xi32, #tpu.memory_space<hbm>>
        %dma_start3A_529 = tpu.memref_slice %arg2[%add3A_142] : memref<6758400xi32, #tpu.memory_space<hbm>> -> memref<1920xi32, #tpu.memory_space<hbm>>
        tpu.enqueue_dma source(%dma_start3A_529 : memref<1920xi32, #tpu.memory_space<hbm>>) target(%arg6 : memref<1920xi32, #tpu.memory_space<vmem>>) target_semaphore(%run_scoped3A : memref<!tpu.dma_semaphore, #tpu.memory_space<semaphore_mem>>)
        %dma_wait3A_530 = tpu.memref_slice %arg2[%add3A_142] : memref<6758400xi32, #tpu.memory_space<hbm>> -> memref<1920xi32, #tpu.memory_space<hbm>>
        %dma_wait3A_531 = tpu.memref_slice %arg2[%add3A_142] : memref<6758400xi32, #tpu.memory_space<hbm>> -> memref<1920xi32, #tpu.memory_space<hbm>>
        tpu.wait_dma2 semaphore(%run_scoped3A : memref<!tpu.dma_semaphore, #tpu.memory_space<semaphore_mem>>) src(%dma_wait3A_531 : memref<1920xi32, #tpu.memory_space<hbm>>) dst(%arg6 : memref<1920xi32, #tpu.memory_space<vmem>>)
        tpu.yield
      }) : () -> ()
      %dma_start3A_143 = arith.constant 0 : i32
      %dma_start3A_144 = arith.constant 0 : i32
      %dma_start3A_145 = tpu.memref_slice %arg8[%dma_start3A_143, %dma_start3A_144] : memref<1920x16xf32, #tpu.memory_space<vmem>> -> memref<128x16xf32, #tpu.memory_space<vmem>>
      %dma_start3A_146 = arith.constant 0 : i32
      %dma_start3A_147 = tpu.memref_slice %arg6[%dma_start3A_146] : memref<1920xi32, #tpu.memory_space<vmem>> -> memref<128xi32, #tpu.memory_space<vmem>>
      %dma_start3A_148 = arith.constant 0 : i32
      %dma_start3A_149 = arith.constant 0 : i32
      %dma_start3A_150 = tpu.memref_slice %arg3[%dma_start3A_148, %dma_start3A_149] : memref<10614792x16xf32, #tpu.memory_space<hbm>> -> memref<10614792x16xf32, #tpu.memory_space<hbm>>
      tpu.enqueue_indirect_dma source(%dma_start3A_150 : memref<10614792x16xf32, #tpu.memory_space<hbm>>) target(%dma_start3A_145 : memref<128x16xf32, #tpu.memory_space<vmem>>) offsets(%dma_start3A_147 : memref<128xi32, #tpu.memory_space<vmem>>) semaphore(%arg11 : memref<!tpu.dma_semaphore, #tpu.memory_space<semaphore_mem>>)
      %dma_start3A_151 = arith.constant 128 : i32
      %dma_start3A_152 = arith.constant 0 : i32
      %dma_start3A_153 = tpu.memref_slice %arg8[%dma_start3A_151, %dma_start3A_152] : memref<1920x16xf32, #tpu.memory_space<vmem>> -> memref<128x16xf32, #tpu.memory_space<vmem>>
      %dma_start3A_154 = arith.constant 128 : i32
      %dma_start3A_155 = tpu.memref_slice %arg6[%dma_start3A_154] : memref<1920xi32, #tpu.memory_space<vmem>> -> memref<128xi32, #tpu.memory_space<vmem>>
      %dma_start3A_156 = arith.constant 0 : i32
      %dma_start3A_157 = arith.constant 0 : i32
      %dma_start3A_158 = tpu.memref_slice %arg3[%dma_start3A_156, %dma_start3A_157] : memref<10614792x16xf32, #tpu.memory_space<hbm>> -> memref<10614792x16xf32, #tpu.memory_space<hbm>>
      tpu.enqueue_indirect_dma source(%dma_start3A_158 : memref<10614792x16xf32, #tpu.memory_space<hbm>>) target(%dma_start3A_153 : memref<128x16xf32, #tpu.memory_space<vmem>>) offsets(%dma_start3A_155 : memref<128xi32, #tpu.memory_space<vmem>>) semaphore(%arg11 : memref<!tpu.dma_semaphore, #tpu.memory_space<semaphore_mem>>)
      %dma_start3A_159 = arith.constant 256 : i32
      %dma_start3A_160 = arith.constant 0 : i32
      %dma_start3A_161 = tpu.memref_slice %arg8[%dma_start3A_159, %dma_start3A_160] : memref<1920x16xf32, #tpu.memory_space<vmem>> -> memref<128x16xf32, #tpu.memory_space<vmem>>
      %dma_start3A_162 = arith.constant 256 : i32
      %dma_start3A_163 = tpu.memref_slice %arg6[%dma_start3A_162] : memref<1920xi32, #tpu.memory_space<vmem>> -> memref<128xi32, #tpu.memory_space<vmem>>
      %dma_start3A_164 = arith.constant 0 : i32
      %dma_start3A_165 = arith.constant 0 : i32
      %dma_start3A_166 = tpu.memref_slice %arg3[%dma_start3A_164, %dma_start3A_165] : memref<10614792x16xf32, #tpu.memory_space<hbm>> -> memref<10614792x16xf32, #tpu.memory_space<hbm>>
      tpu.enqueue_indirect_dma source(%dma_start3A_166 : memref<10614792x16xf32, #tpu.memory_space<hbm>>) target(%dma_start3A_161 : memref<128x16xf32, #tpu.memory_space<vmem>>) offsets(%dma_start3A_163 : memref<128xi32, #tpu.memory_space<vmem>>) semaphore(%arg11 : memref<!tpu.dma_semaphore, #tpu.memory_space<semaphore_mem>>)
      %dma_start3A_167 = arith.constant 384 : i32
      %dma_start3A_168 = arith.constant 0 : i32
      %dma_start3A_169 = tpu.memref_slice %arg8[%dma_start3A_167, %dma_start3A_168] : memref<1920x16xf32, #tpu.memory_space<vmem>> -> memref<128x16xf32, #tpu.memory_space<vmem>>
      %dma_start3A_170 = arith.constant 384 : i32
      %dma_start3A_171 = tpu.memref_slice %arg6[%dma_start3A_170] : memref<1920xi32, #tpu.memory_space<vmem>> -> memref<128xi32, #tpu.memory_space<vmem>>
      %dma_start3A_172 = arith.constant 0 : i32
      %dma_start3A_173 = arith.constant 0 : i32
      %dma_start3A_174 = tpu.memref_slice %arg3[%dma_start3A_172, %dma_start3A_173] : memref<10614792x16xf32, #tpu.memory_space<hbm>> -> memref<10614792x16xf32, #tpu.memory_space<hbm>>
      tpu.enqueue_indirect_dma source(%dma_start3A_174 : memref<10614792x16xf32, #tpu.memory_space<hbm>>) target(%dma_start3A_169 : memref<128x16xf32, #tpu.memory_space<vmem>>) offsets(%dma_start3A_171 : memref<128xi32, #tpu.memory_space<vmem>>) semaphore(%arg11 : memref<!tpu.dma_semaphore, #tpu.memory_space<semaphore_mem>>)
      %dma_start3A_175 = arith.constant 512 : i32
      %dma_start3A_176 = arith.constant 0 : i32
      %dma_start3A_177 = tpu.memref_slice %arg8[%dma_start3A_175, %dma_start3A_176] : memref<1920x16xf32, #tpu.memory_space<vmem>> -> memref<128x16xf32, #tpu.memory_space<vmem>>
      %dma_start3A_178 = arith.constant 512 : i32
      %dma_start3A_179 = tpu.memref_slice %arg6[%dma_start3A_178] : memref<1920xi32, #tpu.memory_space<vmem>> -> memref<128xi32, #tpu.memory_space<vmem>>
      %dma_start3A_180 = arith.constant 0 : i32
      %dma_start3A_181 = arith.constant 0 : i32
      %dma_start3A_182 = tpu.memref_slice %arg3[%dma_start3A_180, %dma_start3A_181] : memref<10614792x16xf32, #tpu.memory_space<hbm>> -> memref<10614792x16xf32, #tpu.memory_space<hbm>>
      tpu.enqueue_indirect_dma source(%dma_start3A_182 : memref<10614792x16xf32, #tpu.memory_space<hbm>>) target(%dma_start3A_177 : memref<128x16xf32, #tpu.memory_space<vmem>>) offsets(%dma_start3A_179 : memref<128xi32, #tpu.memory_space<vmem>>) semaphore(%arg11 : memref<!tpu.dma_semaphore, #tpu.memory_space<semaphore_mem>>)
      %dma_start3A_183 = arith.constant 640 : i32
      %dma_start3A_184 = arith.constant 0 : i32
      %dma_start3A_185 = tpu.memref_slice %arg8[%dma_start3A_183, %dma_start3A_184] : memref<1920x16xf32, #tpu.memory_space<vmem>> -> memref<128x16xf32, #tpu.memory_space<vmem>>
      %dma_start3A_186 = arith.constant 640 : i32
      %dma_start3A_187 = tpu.memref_slice %arg6[%dma_start3A_186] : memref<1920xi32, #tpu.memory_space<vmem>> -> memref<128xi32, #tpu.memory_space<vmem>>
      %dma_start3A_188 = arith.constant 0 : i32
      %dma_start3A_189 = arith.constant 0 : i32
      %dma_start3A_190 = tpu.memref_slice %arg3[%dma_start3A_188, %dma_start3A_189] : memref<10614792x16xf32, #tpu.memory_space<hbm>> -> memref<10614792x16xf32, #tpu.memory_space<hbm>>
      tpu.enqueue_indirect_dma source(%dma_start3A_190 : memref<10614792x16xf32, #tpu.memory_space<hbm>>) target(%dma_start3A_185 : memref<128x16xf32, #tpu.memory_space<vmem>>) offsets(%dma_start3A_187 : memref<128xi32, #tpu.memory_space<vmem>>) semaphore(%arg11 : memref<!tpu.dma_semaphore, #tpu.memory_space<semaphore_mem>>)
      %dma_start3A_191 = arith.constant 768 : i32
      %dma_start3A_192 = arith.constant 0 : i32
      %dma_start3A_193 = tpu.memref_slice %arg8[%dma_start3A_191, %dma_start3A_192] : memref<1920x16xf32, #tpu.memory_space<vmem>> -> memref<128x16xf32, #tpu.memory_space<vmem>>
      %dma_start3A_194 = arith.constant 768 : i32
      %dma_start3A_195 = tpu.memref_slice %arg6[%dma_start3A_194] : memref<1920xi32, #tpu.memory_space<vmem>> -> memref<128xi32, #tpu.memory_space<vmem>>
      %dma_start3A_196 = arith.constant 0 : i32
      %dma_start3A_197 = arith.constant 0 : i32
      %dma_start3A_198 = tpu.memref_slice %arg3[%dma_start3A_196, %dma_start3A_197] : memref<10614792x16xf32, #tpu.memory_space<hbm>> -> memref<10614792x16xf32, #tpu.memory_space<hbm>>
      tpu.enqueue_indirect_dma source(%dma_start3A_198 : memref<10614792x16xf32, #tpu.memory_space<hbm>>) target(%dma_start3A_193 : memref<128x16xf32, #tpu.memory_space<vmem>>) offsets(%dma_start3A_195 : memref<128xi32, #tpu.memory_space<vmem>>) semaphore(%arg11 : memref<!tpu.dma_semaphore, #tpu.memory_space<semaphore_mem>>)
      %dma_start3A_199 = arith.constant 896 : i32
      %dma_start3A_200 = arith.constant 0 : i32
      %dma_start3A_201 = tpu.memref_slice %arg8[%dma_start3A_199, %dma_start3A_200] : memref<1920x16xf32, #tpu.memory_space<vmem>> -> memref<128x16xf32, #tpu.memory_space<vmem>>
      %dma_start3A_202 = arith.constant 896 : i32
      %dma_start3A_203 = tpu.memref_slice %arg6[%dma_start3A_202] : memref<1920xi32, #tpu.memory_space<vmem>> -> memref<128xi32, #tpu.memory_space<vmem>>
      %dma_start3A_204 = arith.constant 0 : i32
      %dma_start3A_205 = arith.constant 0 : i32
      %dma_start3A_206 = tpu.memref_slice %arg3[%dma_start3A_204, %dma_start3A_205] : memref<10614792x16xf32, #tpu.memory_space<hbm>> -> memref<10614792x16xf32, #tpu.memory_space<hbm>>
      tpu.enqueue_indirect_dma source(%dma_start3A_206 : memref<10614792x16xf32, #tpu.memory_space<hbm>>) target(%dma_start3A_201 : memref<128x16xf32, #tpu.memory_space<vmem>>) offsets(%dma_start3A_203 : memref<128xi32, #tpu.memory_space<vmem>>) semaphore(%arg11 : memref<!tpu.dma_semaphore, #tpu.memory_space<semaphore_mem>>)
      %dma_start3A_207 = arith.constant 1024 : i32
      %dma_start3A_208 = arith.constant 0 : i32
      %dma_start3A_209 = tpu.memref_slice %arg8[%dma_start3A_207, %dma_start3A_208] : memref<1920x16xf32, #tpu.memory_space<vmem>> -> memref<128x16xf32, #tpu.memory_space<vmem>>
      %dma_start3A_210 = arith.constant 1024 : i32
      %dma_start3A_211 = tpu.memref_slice %arg6[%dma_start3A_210] : memref<1920xi32, #tpu.memory_space<vmem>> -> memref<128xi32, #tpu.memory_space<vmem>>
      %dma_start3A_212 = arith.constant 0 : i32
      %dma_start3A_213 = arith.constant 0 : i32
      %dma_start3A_214 = tpu.memref_slice %arg3[%dma_start3A_212, %dma_start3A_213] : memref<10614792x16xf32, #tpu.memory_space<hbm>> -> memref<10614792x16xf32, #tpu.memory_space<hbm>>
      tpu.enqueue_indirect_dma source(%dma_start3A_214 : memref<10614792x16xf32, #tpu.memory_space<hbm>>) target(%dma_start3A_209 : memref<128x16xf32, #tpu.memory_space<vmem>>) offsets(%dma_start3A_211 : memref<128xi32, #tpu.memory_space<vmem>>) semaphore(%arg11 : memref<!tpu.dma_semaphore, #tpu.memory_space<semaphore_mem>>)
      %dma_start3A_215 = arith.constant 1152 : i32
      %dma_start3A_216 = arith.constant 0 : i32
      %dma_start3A_217 = tpu.memref_slice %arg8[%dma_start3A_215, %dma_start3A_216] : memref<1920x16xf32, #tpu.memory_space<vmem>> -> memref<128x16xf32, #tpu.memory_space<vmem>>
      %dma_start3A_218 = arith.constant 1152 : i32
      %dma_start3A_219 = tpu.memref_slice %arg6[%dma_start3A_218] : memref<1920xi32, #tpu.memory_space<vmem>> -> memref<128xi32, #tpu.memory_space<vmem>>
      %dma_start3A_220 = arith.constant 0 : i32
      %dma_start3A_221 = arith.constant 0 : i32
      %dma_start3A_222 = tpu.memref_slice %arg3[%dma_start3A_220, %dma_start3A_221] : memref<10614792x16xf32, #tpu.memory_space<hbm>> -> memref<10614792x16xf32, #tpu.memory_space<hbm>>
      tpu.enqueue_indirect_dma source(%dma_start3A_222 : memref<10614792x16xf32, #tpu.memory_space<hbm>>) target(%dma_start3A_217 : memref<128x16xf32, #tpu.memory_space<vmem>>) offsets(%dma_start3A_219 : memref<128xi32, #tpu.memory_space<vmem>>) semaphore(%arg11 : memref<!tpu.dma_semaphore, #tpu.memory_space<semaphore_mem>>)
      %dma_start3A_223 = arith.constant 1280 : i32
      %dma_start3A_224 = arith.constant 0 : i32
      %dma_start3A_225 = tpu.memref_slice %arg8[%dma_start3A_223, %dma_start3A_224] : memref<1920x16xf32, #tpu.memory_space<vmem>> -> memref<128x16xf32, #tpu.memory_space<vmem>>
      %dma_start3A_226 = arith.constant 1280 : i32
      %dma_start3A_227 = tpu.memref_slice %arg6[%dma_start3A_226] : memref<1920xi32, #tpu.memory_space<vmem>> -> memref<128xi32, #tpu.memory_space<vmem>>
      %dma_start3A_228 = arith.constant 0 : i32
      %dma_start3A_229 = arith.constant 0 : i32
      %dma_start3A_230 = tpu.memref_slice %arg3[%dma_start3A_228, %dma_start3A_229] : memref<10614792x16xf32, #tpu.memory_space<hbm>> -> memref<10614792x16xf32, #tpu.memory_space<hbm>>
      tpu.enqueue_indirect_dma source(%dma_start3A_230 : memref<10614792x16xf32, #tpu.memory_space<hbm>>) target(%dma_start3A_225 : memref<128x16xf32, #tpu.memory_space<vmem>>) offsets(%dma_start3A_227 : memref<128xi32, #tpu.memory_space<vmem>>) semaphore(%arg11 : memref<!tpu.dma_semaphore, #tpu.memory_space<semaphore_mem>>)
      %dma_start3A_231 = arith.constant 1408 : i32
      %dma_start3A_232 = arith.constant 0 : i32
      %dma_start3A_233 = tpu.memref_slice %arg8[%dma_start3A_231, %dma_start3A_232] : memref<1920x16xf32, #tpu.memory_space<vmem>> -> memref<128x16xf32, #tpu.memory_space<vmem>>
      %dma_start3A_234 = arith.constant 1408 : i32
      %dma_start3A_235 = tpu.memref_slice %arg6[%dma_start3A_234] : memref<1920xi32, #tpu.memory_space<vmem>> -> memref<128xi32, #tpu.memory_space<vmem>>
      %dma_start3A_236 = arith.constant 0 : i32
      %dma_start3A_237 = arith.constant 0 : i32
      %dma_start3A_238 = tpu.memref_slice %arg3[%dma_start3A_236, %dma_start3A_237] : memref<10614792x16xf32, #tpu.memory_space<hbm>> -> memref<10614792x16xf32, #tpu.memory_space<hbm>>
      tpu.enqueue_indirect_dma source(%dma_start3A_238 : memref<10614792x16xf32, #tpu.memory_space<hbm>>) target(%dma_start3A_233 : memref<128x16xf32, #tpu.memory_space<vmem>>) offsets(%dma_start3A_235 : memref<128xi32, #tpu.memory_space<vmem>>) semaphore(%arg11 : memref<!tpu.dma_semaphore, #tpu.memory_space<semaphore_mem>>)
      %dma_start3A_239 = arith.constant 1536 : i32
      %dma_start3A_240 = arith.constant 0 : i32
      %dma_start3A_241 = tpu.memref_slice %arg8[%dma_start3A_239, %dma_start3A_240] : memref<1920x16xf32, #tpu.memory_space<vmem>> -> memref<128x16xf32, #tpu.memory_space<vmem>>
      %dma_start3A_242 = arith.constant 1536 : i32
      %dma_start3A_243 = tpu.memref_slice %arg6[%dma_start3A_242] : memref<1920xi32, #tpu.memory_space<vmem>> -> memref<128xi32, #tpu.memory_space<vmem>>
      %dma_start3A_244 = arith.constant 0 : i32
      %dma_start3A_245 = arith.constant 0 : i32
      %dma_start3A_246 = tpu.memref_slice %arg3[%dma_start3A_244, %dma_start3A_245] : memref<10614792x16xf32, #tpu.memory_space<hbm>> -> memref<10614792x16xf32, #tpu.memory_space<hbm>>
      tpu.enqueue_indirect_dma source(%dma_start3A_246 : memref<10614792x16xf32, #tpu.memory_space<hbm>>) target(%dma_start3A_241 : memref<128x16xf32, #tpu.memory_space<vmem>>) offsets(%dma_start3A_243 : memref<128xi32, #tpu.memory_space<vmem>>) semaphore(%arg11 : memref<!tpu.dma_semaphore, #tpu.memory_space<semaphore_mem>>)
      %dma_start3A_247 = arith.constant 1664 : i32
      %dma_start3A_248 = arith.constant 0 : i32
      %dma_start3A_249 = tpu.memref_slice %arg8[%dma_start3A_247, %dma_start3A_248] : memref<1920x16xf32, #tpu.memory_space<vmem>> -> memref<128x16xf32, #tpu.memory_space<vmem>>
      %dma_start3A_250 = arith.constant 1664 : i32
      %dma_start3A_251 = tpu.memref_slice %arg6[%dma_start3A_250] : memref<1920xi32, #tpu.memory_space<vmem>> -> memref<128xi32, #tpu.memory_space<vmem>>
      %dma_start3A_252 = arith.constant 0 : i32
      %dma_start3A_253 = arith.constant 0 : i32
      %dma_start3A_254 = tpu.memref_slice %arg3[%dma_start3A_252, %dma_start3A_253] : memref<10614792x16xf32, #tpu.memory_space<hbm>> -> memref<10614792x16xf32, #tpu.memory_space<hbm>>
      tpu.enqueue_indirect_dma source(%dma_start3A_254 : memref<10614792x16xf32, #tpu.memory_space<hbm>>) target(%dma_start3A_249 : memref<128x16xf32, #tpu.memory_space<vmem>>) offsets(%dma_start3A_251 : memref<128xi32, #tpu.memory_space<vmem>>) semaphore(%arg11 : memref<!tpu.dma_semaphore, #tpu.memory_space<semaphore_mem>>)
      %dma_start3A_255 = arith.constant 1792 : i32
      %dma_start3A_256 = arith.constant 0 : i32
      %dma_start3A_257 = tpu.memref_slice %arg8[%dma_start3A_255, %dma_start3A_256] : memref<1920x16xf32, #tpu.memory_space<vmem>> -> memref<128x16xf32, #tpu.memory_space<vmem>>
      %dma_start3A_258 = arith.constant 1792 : i32
      %dma_start3A_259 = tpu.memref_slice %arg6[%dma_start3A_258] : memref<1920xi32, #tpu.memory_space<vmem>> -> memref<128xi32, #tpu.memory_space<vmem>>
      %dma_start3A_260 = arith.constant 0 : i32
      %dma_start3A_261 = arith.constant 0 : i32
      %dma_start3A_262 = tpu.memref_slice %arg3[%dma_start3A_260, %dma_start3A_261] : memref<10614792x16xf32, #tpu.memory_space<hbm>> -> memref<10614792x16xf32, #tpu.memory_space<hbm>>
      tpu.enqueue_indirect_dma source(%dma_start3A_262 : memref<10614792x16xf32, #tpu.memory_space<hbm>>) target(%dma_start3A_257 : memref<128x16xf32, #tpu.memory_space<vmem>>) offsets(%dma_start3A_259 : memref<128xi32, #tpu.memory_space<vmem>>) semaphore(%arg11 : memref<!tpu.dma_semaphore, #tpu.memory_space<semaphore_mem>>)
      %dma_wait3A = arith.constant 0 : i32
      %dma_wait3A_263 = arith.constant 0 : i32
      %dma_wait3A_264 = tpu.memref_slice %arg7[%dma_wait3A, %dma_wait3A_263] : memref<1920x16xf32, #tpu.memory_space<vmem>> -> memref<128x16xf32, #tpu.memory_space<vmem>>
      %dma_wait3A_265 = arith.constant 0 : i32
      %dma_wait3A_266 = tpu.memref_slice %arg5[%dma_wait3A_265] : memref<1920xi32, #tpu.memory_space<vmem>> -> memref<128xi32, #tpu.memory_space<vmem>>
      %dma_wait3A_267 = arith.constant 0 : i32
      %dma_wait3A_268 = arith.constant 0 : i32
      %dma_wait3A_269 = tpu.memref_slice %arg3[%dma_wait3A_267, %dma_wait3A_268] : memref<10614792x16xf32, #tpu.memory_space<hbm>> -> memref<10614792x16xf32, #tpu.memory_space<hbm>>
      tpu.wait_indirect_dma semaphore(%arg10 : memref<!tpu.dma_semaphore, #tpu.memory_space<semaphore_mem>>) src(%dma_wait3A_269 : memref<10614792x16xf32, #tpu.memory_space<hbm>>) dst(%dma_wait3A_264 : memref<128x16xf32, #tpu.memory_space<vmem>>)
      %dma_wait3A_270 = arith.constant 128 : i32
      %dma_wait3A_271 = arith.constant 0 : i32
      %dma_wait3A_272 = tpu.memref_slice %arg7[%dma_wait3A_270, %dma_wait3A_271] : memref<1920x16xf32, #tpu.memory_space<vmem>> -> memref<128x16xf32, #tpu.memory_space<vmem>>
      %dma_wait3A_273 = arith.constant 128 : i32
      %dma_wait3A_274 = tpu.memref_slice %arg5[%dma_wait3A_273] : memref<1920xi32, #tpu.memory_space<vmem>> -> memref<128xi32, #tpu.memory_space<vmem>>
      %dma_wait3A_275 = arith.constant 0 : i32
      %dma_wait3A_276 = arith.constant 0 : i32
      %dma_wait3A_277 = tpu.memref_slice %arg3[%dma_wait3A_275, %dma_wait3A_276] : memref<10614792x16xf32, #tpu.memory_space<hbm>> -> memref<10614792x16xf32, #tpu.memory_space<hbm>>
      tpu.wait_indirect_dma semaphore(%arg10 : memref<!tpu.dma_semaphore, #tpu.memory_space<semaphore_mem>>) src(%dma_wait3A_277 : memref<10614792x16xf32, #tpu.memory_space<hbm>>) dst(%dma_wait3A_272 : memref<128x16xf32, #tpu.memory_space<vmem>>)
      %dma_wait3A_278 = arith.constant 256 : i32
      %dma_wait3A_279 = arith.constant 0 : i32
      %dma_wait3A_280 = tpu.memref_slice %arg7[%dma_wait3A_278, %dma_wait3A_279] : memref<1920x16xf32, #tpu.memory_space<vmem>> -> memref<128x16xf32, #tpu.memory_space<vmem>>
      %dma_wait3A_281 = arith.constant 256 : i32
      %dma_wait3A_282 = tpu.memref_slice %arg5[%dma_wait3A_281] : memref<1920xi32, #tpu.memory_space<vmem>> -> memref<128xi32, #tpu.memory_space<vmem>>
      %dma_wait3A_283 = arith.constant 0 : i32
      %dma_wait3A_284 = arith.constant 0 : i32
      %dma_wait3A_285 = tpu.memref_slice %arg3[%dma_wait3A_283, %dma_wait3A_284] : memref<10614792x16xf32, #tpu.memory_space<hbm>> -> memref<10614792x16xf32, #tpu.memory_space<hbm>>
      tpu.wait_indirect_dma semaphore(%arg10 : memref<!tpu.dma_semaphore, #tpu.memory_space<semaphore_mem>>) src(%dma_wait3A_285 : memref<10614792x16xf32, #tpu.memory_space<hbm>>) dst(%dma_wait3A_280 : memref<128x16xf32, #tpu.memory_space<vmem>>)
      %dma_wait3A_286 = arith.constant 384 : i32
      %dma_wait3A_287 = arith.constant 0 : i32
      %dma_wait3A_288 = tpu.memref_slice %arg7[%dma_wait3A_286, %dma_wait3A_287] : memref<1920x16xf32, #tpu.memory_space<vmem>> -> memref<128x16xf32, #tpu.memory_space<vmem>>
      %dma_wait3A_289 = arith.constant 384 : i32
      %dma_wait3A_290 = tpu.memref_slice %arg5[%dma_wait3A_289] : memref<1920xi32, #tpu.memory_space<vmem>> -> memref<128xi32, #tpu.memory_space<vmem>>
      %dma_wait3A_291 = arith.constant 0 : i32
      %dma_wait3A_292 = arith.constant 0 : i32
      %dma_wait3A_293 = tpu.memref_slice %arg3[%dma_wait3A_291, %dma_wait3A_292] : memref<10614792x16xf32, #tpu.memory_space<hbm>> -> memref<10614792x16xf32, #tpu.memory_space<hbm>>
      tpu.wait_indirect_dma semaphore(%arg10 : memref<!tpu.dma_semaphore, #tpu.memory_space<semaphore_mem>>) src(%dma_wait3A_293 : memref<10614792x16xf32, #tpu.memory_space<hbm>>) dst(%dma_wait3A_288 : memref<128x16xf32, #tpu.memory_space<vmem>>)
      %dma_wait3A_294 = arith.constant 512 : i32
      %dma_wait3A_295 = arith.constant 0 : i32
      %dma_wait3A_296 = tpu.memref_slice %arg7[%dma_wait3A_294, %dma_wait3A_295] : memref<1920x16xf32, #tpu.memory_space<vmem>> -> memref<128x16xf32, #tpu.memory_space<vmem>>
      %dma_wait3A_297 = arith.constant 512 : i32
      %dma_wait3A_298 = tpu.memref_slice %arg5[%dma_wait3A_297] : memref<1920xi32, #tpu.memory_space<vmem>> -> memref<128xi32, #tpu.memory_space<vmem>>
      %dma_wait3A_299 = arith.constant 0 : i32
      %dma_wait3A_300 = arith.constant 0 : i32
      %dma_wait3A_301 = tpu.memref_slice %arg3[%dma_wait3A_299, %dma_wait3A_300] : memref<10614792x16xf32, #tpu.memory_space<hbm>> -> memref<10614792x16xf32, #tpu.memory_space<hbm>>
      tpu.wait_indirect_dma semaphore(%arg10 : memref<!tpu.dma_semaphore, #tpu.memory_space<semaphore_mem>>) src(%dma_wait3A_301 : memref<10614792x16xf32, #tpu.memory_space<hbm>>) dst(%dma_wait3A_296 : memref<128x16xf32, #tpu.memory_space<vmem>>)
      %dma_wait3A_302 = arith.constant 640 : i32
      %dma_wait3A_303 = arith.constant 0 : i32
      %dma_wait3A_304 = tpu.memref_slice %arg7[%dma_wait3A_302, %dma_wait3A_303] : memref<1920x16xf32, #tpu.memory_space<vmem>> -> memref<128x16xf32, #tpu.memory_space<vmem>>
      %dma_wait3A_305 = arith.constant 640 : i32
      %dma_wait3A_306 = tpu.memref_slice %arg5[%dma_wait3A_305] : memref<1920xi32, #tpu.memory_space<vmem>> -> memref<128xi32, #tpu.memory_space<vmem>>
      %dma_wait3A_307 = arith.constant 0 : i32
      %dma_wait3A_308 = arith.constant 0 : i32
      %dma_wait3A_309 = tpu.memref_slice %arg3[%dma_wait3A_307, %dma_wait3A_308] : memref<10614792x16xf32, #tpu.memory_space<hbm>> -> memref<10614792x16xf32, #tpu.memory_space<hbm>>
      tpu.wait_indirect_dma semaphore(%arg10 : memref<!tpu.dma_semaphore, #tpu.memory_space<semaphore_mem>>) src(%dma_wait3A_309 : memref<10614792x16xf32, #tpu.memory_space<hbm>>) dst(%dma_wait3A_304 : memref<128x16xf32, #tpu.memory_space<vmem>>)
      %dma_wait3A_310 = arith.constant 768 : i32
      %dma_wait3A_311 = arith.constant 0 : i32
      %dma_wait3A_312 = tpu.memref_slice %arg7[%dma_wait3A_310, %dma_wait3A_311] : memref<1920x16xf32, #tpu.memory_space<vmem>> -> memref<128x16xf32, #tpu.memory_space<vmem>>
      %dma_wait3A_313 = arith.constant 768 : i32
      %dma_wait3A_314 = tpu.memref_slice %arg5[%dma_wait3A_313] : memref<1920xi32, #tpu.memory_space<vmem>> -> memref<128xi32, #tpu.memory_space<vmem>>
      %dma_wait3A_315 = arith.constant 0 : i32
      %dma_wait3A_316 = arith.constant 0 : i32
      %dma_wait3A_317 = tpu.memref_slice %arg3[%dma_wait3A_315, %dma_wait3A_316] : memref<10614792x16xf32, #tpu.memory_space<hbm>> -> memref<10614792x16xf32, #tpu.memory_space<hbm>>
      tpu.wait_indirect_dma semaphore(%arg10 : memref<!tpu.dma_semaphore, #tpu.memory_space<semaphore_mem>>) src(%dma_wait3A_317 : memref<10614792x16xf32, #tpu.memory_space<hbm>>) dst(%dma_wait3A_312 : memref<128x16xf32, #tpu.memory_space<vmem>>)
      %dma_wait3A_318 = arith.constant 896 : i32
      %dma_wait3A_319 = arith.constant 0 : i32
      %dma_wait3A_320 = tpu.memref_slice %arg7[%dma_wait3A_318, %dma_wait3A_319] : memref<1920x16xf32, #tpu.memory_space<vmem>> -> memref<128x16xf32, #tpu.memory_space<vmem>>
      %dma_wait3A_321 = arith.constant 896 : i32
      %dma_wait3A_322 = tpu.memref_slice %arg5[%dma_wait3A_321] : memref<1920xi32, #tpu.memory_space<vmem>> -> memref<128xi32, #tpu.memory_space<vmem>>
      %dma_wait3A_323 = arith.constant 0 : i32
      %dma_wait3A_324 = arith.constant 0 : i32
      %dma_wait3A_325 = tpu.memref_slice %arg3[%dma_wait3A_323, %dma_wait3A_324] : memref<10614792x16xf32, #tpu.memory_space<hbm>> -> memref<10614792x16xf32, #tpu.memory_space<hbm>>
      tpu.wait_indirect_dma semaphore(%arg10 : memref<!tpu.dma_semaphore, #tpu.memory_space<semaphore_mem>>) src(%dma_wait3A_325 : memref<10614792x16xf32, #tpu.memory_space<hbm>>) dst(%dma_wait3A_320 : memref<128x16xf32, #tpu.memory_space<vmem>>)
      %dma_wait3A_326 = arith.constant 1024 : i32
      %dma_wait3A_327 = arith.constant 0 : i32
      %dma_wait3A_328 = tpu.memref_slice %arg7[%dma_wait3A_326, %dma_wait3A_327] : memref<1920x16xf32, #tpu.memory_space<vmem>> -> memref<128x16xf32, #tpu.memory_space<vmem>>
      %dma_wait3A_329 = arith.constant 1024 : i32
      %dma_wait3A_330 = tpu.memref_slice %arg5[%dma_wait3A_329] : memref<1920xi32, #tpu.memory_space<vmem>> -> memref<128xi32, #tpu.memory_space<vmem>>
      %dma_wait3A_331 = arith.constant 0 : i32
      %dma_wait3A_332 = arith.constant 0 : i32
      %dma_wait3A_333 = tpu.memref_slice %arg3[%dma_wait3A_331, %dma_wait3A_332] : memref<10614792x16xf32, #tpu.memory_space<hbm>> -> memref<10614792x16xf32, #tpu.memory_space<hbm>>
      tpu.wait_indirect_dma semaphore(%arg10 : memref<!tpu.dma_semaphore, #tpu.memory_space<semaphore_mem>>) src(%dma_wait3A_333 : memref<10614792x16xf32, #tpu.memory_space<hbm>>) dst(%dma_wait3A_328 : memref<128x16xf32, #tpu.memory_space<vmem>>)
      %dma_wait3A_334 = arith.constant 1152 : i32
      %dma_wait3A_335 = arith.constant 0 : i32
      %dma_wait3A_336 = tpu.memref_slice %arg7[%dma_wait3A_334, %dma_wait3A_335] : memref<1920x16xf32, #tpu.memory_space<vmem>> -> memref<128x16xf32, #tpu.memory_space<vmem>>
      %dma_wait3A_337 = arith.constant 1152 : i32
      %dma_wait3A_338 = tpu.memref_slice %arg5[%dma_wait3A_337] : memref<1920xi32, #tpu.memory_space<vmem>> -> memref<128xi32, #tpu.memory_space<vmem>>
      %dma_wait3A_339 = arith.constant 0 : i32
      %dma_wait3A_340 = arith.constant 0 : i32
      %dma_wait3A_341 = tpu.memref_slice %arg3[%dma_wait3A_339, %dma_wait3A_340] : memref<10614792x16xf32, #tpu.memory_space<hbm>> -> memref<10614792x16xf32, #tpu.memory_space<hbm>>
      tpu.wait_indirect_dma semaphore(%arg10 : memref<!tpu.dma_semaphore, #tpu.memory_space<semaphore_mem>>) src(%dma_wait3A_341 : memref<10614792x16xf32, #tpu.memory_space<hbm>>) dst(%dma_wait3A_336 : memref<128x16xf32, #tpu.memory_space<vmem>>)
      %dma_wait3A_342 = arith.constant 1280 : i32
      %dma_wait3A_343 = arith.constant 0 : i32
      %dma_wait3A_344 = tpu.memref_slice %arg7[%dma_wait3A_342, %dma_wait3A_343] : memref<1920x16xf32, #tpu.memory_space<vmem>> -> memref<128x16xf32, #tpu.memory_space<vmem>>
      %dma_wait3A_345 = arith.constant 1280 : i32
      %dma_wait3A_346 = tpu.memref_slice %arg5[%dma_wait3A_345] : memref<1920xi32, #tpu.memory_space<vmem>> -> memref<128xi32, #tpu.memory_space<vmem>>
      %dma_wait3A_347 = arith.constant 0 : i32
      %dma_wait3A_348 = arith.constant 0 : i32
      %dma_wait3A_349 = tpu.memref_slice %arg3[%dma_wait3A_347, %dma_wait3A_348] : memref<10614792x16xf32, #tpu.memory_space<hbm>> -> memref<10614792x16xf32, #tpu.memory_space<hbm>>
      tpu.wait_indirect_dma semaphore(%arg10 : memref<!tpu.dma_semaphore, #tpu.memory_space<semaphore_mem>>) src(%dma_wait3A_349 : memref<10614792x16xf32, #tpu.memory_space<hbm>>) dst(%dma_wait3A_344 : memref<128x16xf32, #tpu.memory_space<vmem>>)
      %dma_wait3A_350 = arith.constant 1408 : i32
      %dma_wait3A_351 = arith.constant 0 : i32
      %dma_wait3A_352 = tpu.memref_slice %arg7[%dma_wait3A_350, %dma_wait3A_351] : memref<1920x16xf32, #tpu.memory_space<vmem>> -> memref<128x16xf32, #tpu.memory_space<vmem>>
      %dma_wait3A_353 = arith.constant 1408 : i32
      %dma_wait3A_354 = tpu.memref_slice %arg5[%dma_wait3A_353] : memref<1920xi32, #tpu.memory_space<vmem>> -> memref<128xi32, #tpu.memory_space<vmem>>
      %dma_wait3A_355 = arith.constant 0 : i32
      %dma_wait3A_356 = arith.constant 0 : i32
      %dma_wait3A_357 = tpu.memref_slice %arg3[%dma_wait3A_355, %dma_wait3A_356] : memref<10614792x16xf32, #tpu.memory_space<hbm>> -> memref<10614792x16xf32, #tpu.memory_space<hbm>>
      tpu.wait_indirect_dma semaphore(%arg10 : memref<!tpu.dma_semaphore, #tpu.memory_space<semaphore_mem>>) src(%dma_wait3A_357 : memref<10614792x16xf32, #tpu.memory_space<hbm>>) dst(%dma_wait3A_352 : memref<128x16xf32, #tpu.memory_space<vmem>>)
      %dma_wait3A_358 = arith.constant 1536 : i32
      %dma_wait3A_359 = arith.constant 0 : i32
      %dma_wait3A_360 = tpu.memref_slice %arg7[%dma_wait3A_358, %dma_wait3A_359] : memref<1920x16xf32, #tpu.memory_space<vmem>> -> memref<128x16xf32, #tpu.memory_space<vmem>>
      %dma_wait3A_361 = arith.constant 1536 : i32
      %dma_wait3A_362 = tpu.memref_slice %arg5[%dma_wait3A_361] : memref<1920xi32, #tpu.memory_space<vmem>> -> memref<128xi32, #tpu.memory_space<vmem>>
      %dma_wait3A_363 = arith.constant 0 : i32
      %dma_wait3A_364 = arith.constant 0 : i32
      %dma_wait3A_365 = tpu.memref_slice %arg3[%dma_wait3A_363, %dma_wait3A_364] : memref<10614792x16xf32, #tpu.memory_space<hbm>> -> memref<10614792x16xf32, #tpu.memory_space<hbm>>
      tpu.wait_indirect_dma semaphore(%arg10 : memref<!tpu.dma_semaphore, #tpu.memory_space<semaphore_mem>>) src(%dma_wait3A_365 : memref<10614792x16xf32, #tpu.memory_space<hbm>>) dst(%dma_wait3A_360 : memref<128x16xf32, #tpu.memory_space<vmem>>)
      %dma_wait3A_366 = arith.constant 1664 : i32
      %dma_wait3A_367 = arith.constant 0 : i32
      %dma_wait3A_368 = tpu.memref_slice %arg7[%dma_wait3A_366, %dma_wait3A_367] : memref<1920x16xf32, #tpu.memory_space<vmem>> -> memref<128x16xf32, #tpu.memory_space<vmem>>
      %dma_wait3A_369 = arith.constant 1664 : i32
      %dma_wait3A_370 = tpu.memref_slice %arg5[%dma_wait3A_369] : memref<1920xi32, #tpu.memory_space<vmem>> -> memref<128xi32, #tpu.memory_space<vmem>>
      %dma_wait3A_371 = arith.constant 0 : i32
      %dma_wait3A_372 = arith.constant 0 : i32
      %dma_wait3A_373 = tpu.memref_slice %arg3[%dma_wait3A_371, %dma_wait3A_372] : memref<10614792x16xf32, #tpu.memory_space<hbm>> -> memref<10614792x16xf32, #tpu.memory_space<hbm>>
      tpu.wait_indirect_dma semaphore(%arg10 : memref<!tpu.dma_semaphore, #tpu.memory_space<semaphore_mem>>) src(%dma_wait3A_373 : memref<10614792x16xf32, #tpu.memory_space<hbm>>) dst(%dma_wait3A_368 : memref<128x16xf32, #tpu.memory_space<vmem>>)
      %dma_wait3A_374 = arith.constant 1792 : i32
      %dma_wait3A_375 = arith.constant 0 : i32
      %dma_wait3A_376 = tpu.memref_slice %arg7[%dma_wait3A_374, %dma_wait3A_375] : memref<1920x16xf32, #tpu.memory_space<vmem>> -> memref<128x16xf32, #tpu.memory_space<vmem>>
      %dma_wait3A_377 = arith.constant 1792 : i32
      %dma_wait3A_378 = tpu.memref_slice %arg5[%dma_wait3A_377] : memref<1920xi32, #tpu.memory_space<vmem>> -> memref<128xi32, #tpu.memory_space<vmem>>
      %dma_wait3A_379 = arith.constant 0 : i32
      %dma_wait3A_380 = arith.constant 0 : i32
      %dma_wait3A_381 = tpu.memref_slice %arg3[%dma_wait3A_379, %dma_wait3A_380] : memref<10614792x16xf32, #tpu.memory_space<hbm>> -> memref<10614792x16xf32, #tpu.memory_space<hbm>>
      tpu.wait_indirect_dma semaphore(%arg10 : memref<!tpu.dma_semaphore, #tpu.memory_space<semaphore_mem>>) src(%dma_wait3A_381 : memref<10614792x16xf32, #tpu.memory_space<hbm>>) dst(%dma_wait3A_376 : memref<128x16xf32, #tpu.memory_space<vmem>>)
      %scan3A_382 = arith.constant 0 : i32
      %scan3A_383 = arith.constant 0 : i32
      %scan3A_384 = arith.constant 96 : i32
      %scan3A_385 = arith.addi %scan3A_383, %scan3A_384 : i32
      %scan3A_386 = arith.constant 1 : i32
      scf.for %scan3A_528 = %scan3A_383 to %scan3A_385 step %scan3A_386  : i32 {
        %mul3A_529 = arith.constant 20 : i32
        %mul3A_530 = arith.muli %scan3A_528, %mul3A_529 : i32
        %get3A = arith.index_cast %mul3A_530 : i32 to index
        %get3A_531 = arith.constant 0 : index
        %get3A_532 = tpu.vector_load %arg7[%get3A, %get3A_531] {strides = array<i32>} : memref<1920x16xf32, #tpu.memory_space<vmem>>, vector<1x16xf32>,
        %get3A_533 = vector.shape_cast %get3A_532 : vector<1x16xf32> to vector<16xf32>
        %add3A_534 = arith.constant 1 : i32
        %add3A_535 = arith.addi %mul3A_530, %add3A_534 : i32
        %get3A_536 = arith.index_cast %add3A_535 : i32 to index
        %get3A_537 = arith.constant 0 : index
        %get3A_538 = tpu.vector_load %arg7[%get3A_536, %get3A_537] {strides = array<i32>} : memref<1920x16xf32, #tpu.memory_space<vmem>>, vector<1x16xf32>,
        %get3A_539 = vector.shape_cast %get3A_538 : vector<1x16xf32> to vector<16xf32>
        %add3A_540 = arith.addf %get3A_533, %get3A_539 : vector<16xf32>
        %add3A_541 = arith.constant 2 : i32
        %add3A_542 = arith.addi %mul3A_530, %add3A_541 : i32
        %get3A_543 = arith.index_cast %add3A_542 : i32 to index
        %get3A_544 = arith.constant 0 : index
        %get3A_545 = tpu.vector_load %arg7[%get3A_543, %get3A_544] {strides = array<i32>} : memref<1920x16xf32, #tpu.memory_space<vmem>>, vector<1x16xf32>,
        %get3A_546 = vector.shape_cast %get3A_545 : vector<1x16xf32> to vector<16xf32>
        %add3A_547 = arith.addf %add3A_540, %get3A_546 : vector<16xf32>
        %add3A_548 = arith.constant 3 : i32
        %add3A_549 = arith.addi %mul3A_530, %add3A_548 : i32
        %get3A_550 = arith.index_cast %add3A_549 : i32 to index
        %get3A_551 = arith.constant 0 : index
        %get3A_552 = tpu.vector_load %arg7[%get3A_550, %get3A_551] {strides = array<i32>} : memref<1920x16xf32, #tpu.memory_space<vmem>>, vector<1x16xf32>,
        %get3A_553 = vector.shape_cast %get3A_552 : vector<1x16xf32> to vector<16xf32>
        %add3A_554 = arith.addf %add3A_547, %get3A_553 : vector<16xf32>
        %add3A_555 = arith.constant 4 : i32
        %add3A_556 = arith.addi %mul3A_530, %add3A_555 : i32
        %get3A_557 = arith.index_cast %add3A_556 : i32 to index
        %get3A_558 = arith.constant 0 : index
        %get3A_559 = tpu.vector_load %arg7[%get3A_557, %get3A_558] {strides = array<i32>} : memref<1920x16xf32, #tpu.memory_space<vmem>>, vector<1x16xf32>,
        %get3A_560 = vector.shape_cast %get3A_559 : vector<1x16xf32> to vector<16xf32>
        %add3A_561 = arith.addf %add3A_554, %get3A_560 : vector<16xf32>
        %add3A_562 = arith.constant 5 : i32
        %add3A_563 = arith.addi %mul3A_530, %add3A_562 : i32
        %get3A_564 = arith.index_cast %add3A_563 : i32 to index
        %get3A_565 = arith.constant 0 : index
        %get3A_566 = tpu.vector_load %arg7[%get3A_564, %get3A_565] {strides = array<i32>} : memref<1920x16xf32, #tpu.memory_space<vmem>>, vector<1x16xf32>,
        %get3A_567 = vector.shape_cast %get3A_566 : vector<1x16xf32> to vector<16xf32>
        %add3A_568 = arith.addf %add3A_561, %get3A_567 : vector<16xf32>
        %add3A_569 = arith.constant 6 : i32
        %add3A_570 = arith.addi %mul3A_530, %add3A_569 : i32
        %get3A_571 = arith.index_cast %add3A_570 : i32 to index
        %get3A_572 = arith.constant 0 : index
        %get3A_573 = tpu.vector_load %arg7[%get3A_571, %get3A_572] {strides = array<i32>} : memref<1920x16xf32, #tpu.memory_space<vmem>>, vector<1x16xf32>,
        %get3A_574 = vector.shape_cast %get3A_573 : vector<1x16xf32> to vector<16xf32>
        %add3A_575 = arith.addf %add3A_568, %get3A_574 : vector<16xf32>
        %add3A_576 = arith.constant 7 : i32
        %add3A_577 = arith.addi %mul3A_530, %add3A_576 : i32
        %get3A_578 = arith.index_cast %add3A_577 : i32 to index
        %get3A_579 = arith.constant 0 : index
        %get3A_580 = tpu.vector_load %arg7[%get3A_578, %get3A_579] {strides = array<i32>} : memref<1920x16xf32, #tpu.memory_space<vmem>>, vector<1x16xf32>,
        %get3A_581 = vector.shape_cast %get3A_580 : vector<1x16xf32> to vector<16xf32>
        %add3A_582 = arith.addf %add3A_575, %get3A_581 : vector<16xf32>
        %add3A_583 = arith.constant 8 : i32
        %add3A_584 = arith.addi %mul3A_530, %add3A_583 : i32
        %get3A_585 = arith.index_cast %add3A_584 : i32 to index
        %get3A_586 = arith.constant 0 : index
        %get3A_587 = tpu.vector_load %arg7[%get3A_585, %get3A_586] {strides = array<i32>} : memref<1920x16xf32, #tpu.memory_space<vmem>>, vector<1x16xf32>,
        %get3A_588 = vector.shape_cast %get3A_587 : vector<1x16xf32> to vector<16xf32>
        %add3A_589 = arith.addf %add3A_582, %get3A_588 : vector<16xf32>
        %add3A_590 = arith.constant 9 : i32
        %add3A_591 = arith.addi %mul3A_530, %add3A_590 : i32
        %get3A_592 = arith.index_cast %add3A_591 : i32 to index
        %get3A_593 = arith.constant 0 : index
        %get3A_594 = tpu.vector_load %arg7[%get3A_592, %get3A_593] {strides = array<i32>} : memref<1920x16xf32, #tpu.memory_space<vmem>>, vector<1x16xf32>,
        %get3A_595 = vector.shape_cast %get3A_594 : vector<1x16xf32> to vector<16xf32>
        %add3A_596 = arith.addf %add3A_589, %get3A_595 : vector<16xf32>
        %add3A_597 = arith.constant 10 : i32
        %add3A_598 = arith.addi %mul3A_530, %add3A_597 : i32
        %get3A_599 = arith.index_cast %add3A_598 : i32 to index
        %get3A_600 = arith.constant 0 : index
        %get3A_601 = tpu.vector_load %arg7[%get3A_599, %get3A_600] {strides = array<i32>} : memref<1920x16xf32, #tpu.memory_space<vmem>>, vector<1x16xf32>,
        %get3A_602 = vector.shape_cast %get3A_601 : vector<1x16xf32> to vector<16xf32>
        %add3A_603 = arith.addf %add3A_596, %get3A_602 : vector<16xf32>
        %add3A_604 = arith.constant 11 : i32
        %add3A_605 = arith.addi %mul3A_530, %add3A_604 : i32
        %get3A_606 = arith.index_cast %add3A_605 : i32 to index
        %get3A_607 = arith.constant 0 : index
        %get3A_608 = tpu.vector_load %arg7[%get3A_606, %get3A_607] {strides = array<i32>} : memref<1920x16xf32, #tpu.memory_space<vmem>>, vector<1x16xf32>,
        %get3A_609 = vector.shape_cast %get3A_608 : vector<1x16xf32> to vector<16xf32>
        %add3A_610 = arith.addf %add3A_603, %get3A_609 : vector<16xf32>
        %add3A_611 = arith.constant 12 : i32
        %add3A_612 = arith.addi %mul3A_530, %add3A_611 : i32
        %get3A_613 = arith.index_cast %add3A_612 : i32 to index
        %get3A_614 = arith.constant 0 : index
        %get3A_615 = tpu.vector_load %arg7[%get3A_613, %get3A_614] {strides = array<i32>} : memref<1920x16xf32, #tpu.memory_space<vmem>>, vector<1x16xf32>,
        %get3A_616 = vector.shape_cast %get3A_615 : vector<1x16xf32> to vector<16xf32>
        %add3A_617 = arith.addf %add3A_610, %get3A_616 : vector<16xf32>
        %add3A_618 = arith.constant 13 : i32
        %add3A_619 = arith.addi %mul3A_530, %add3A_618 : i32
        %get3A_620 = arith.index_cast %add3A_619 : i32 to index
        %get3A_621 = arith.constant 0 : index
        %get3A_622 = tpu.vector_load %arg7[%get3A_620, %get3A_621] {strides = array<i32>} : memref<1920x16xf32, #tpu.memory_space<vmem>>, vector<1x16xf32>,
        %get3A_623 = vector.shape_cast %get3A_622 : vector<1x16xf32> to vector<16xf32>
        %add3A_624 = arith.addf %add3A_617, %get3A_623 : vector<16xf32>
        %add3A_625 = arith.constant 14 : i32
        %add3A_626 = arith.addi %mul3A_530, %add3A_625 : i32
        %get3A_627 = arith.index_cast %add3A_626 : i32 to index
        %get3A_628 = arith.constant 0 : index
        %get3A_629 = tpu.vector_load %arg7[%get3A_627, %get3A_628] {strides = array<i32>} : memref<1920x16xf32, #tpu.memory_space<vmem>>, vector<1x16xf32>,
        %get3A_630 = vector.shape_cast %get3A_629 : vector<1x16xf32> to vector<16xf32>
        %add3A_631 = arith.addf %add3A_624, %get3A_630 : vector<16xf32>
        %add3A_632 = arith.constant 15 : i32
        %add3A_633 = arith.addi %mul3A_530, %add3A_632 : i32
        %get3A_634 = arith.index_cast %add3A_633 : i32 to index
        %get3A_635 = arith.constant 0 : index
        %get3A_636 = tpu.vector_load %arg7[%get3A_634, %get3A_635] {strides = array<i32>} : memref<1920x16xf32, #tpu.memory_space<vmem>>, vector<1x16xf32>,
        %get3A_637 = vector.shape_cast %get3A_636 : vector<1x16xf32> to vector<16xf32>
        %add3A_638 = arith.addf %add3A_631, %get3A_637 : vector<16xf32>
        %add3A_639 = arith.constant 16 : i32
        %add3A_640 = arith.addi %mul3A_530, %add3A_639 : i32
        %get3A_641 = arith.index_cast %add3A_640 : i32 to index
        %get3A_642 = arith.constant 0 : index
        %get3A_643 = tpu.vector_load %arg7[%get3A_641, %get3A_642] {strides = array<i32>} : memref<1920x16xf32, #tpu.memory_space<vmem>>, vector<1x16xf32>,
        %get3A_644 = vector.shape_cast %get3A_643 : vector<1x16xf32> to vector<16xf32>
        %add3A_645 = arith.addf %add3A_638, %get3A_644 : vector<16xf32>
        %add3A_646 = arith.constant 17 : i32
        %add3A_647 = arith.addi %mul3A_530, %add3A_646 : i32
        %get3A_648 = arith.index_cast %add3A_647 : i32 to index
        %get3A_649 = arith.constant 0 : index
        %get3A_650 = tpu.vector_load %arg7[%get3A_648, %get3A_649] {strides = array<i32>} : memref<1920x16xf32, #tpu.memory_space<vmem>>, vector<1x16xf32>,
        %get3A_651 = vector.shape_cast %get3A_650 : vector<1x16xf32> to vector<16xf32>
        %add3A_652 = arith.addf %add3A_645, %get3A_651 : vector<16xf32>
        %add3A_653 = arith.constant 18 : i32
        %add3A_654 = arith.addi %mul3A_530, %add3A_653 : i32
        %get3A_655 = arith.index_cast %add3A_654 : i32 to index
        %get3A_656 = arith.constant 0 : index
        %get3A_657 = tpu.vector_load %arg7[%get3A_655, %get3A_656] {strides = array<i32>} : memref<1920x16xf32, #tpu.memory_space<vmem>>, vector<1x16xf32>,
        %get3A_658 = vector.shape_cast %get3A_657 : vector<1x16xf32> to vector<16xf32>
        %add3A_659 = arith.addf %add3A_652, %get3A_658 : vector<16xf32>
        %add3A_660 = arith.constant 19 : i32
        %add3A_661 = arith.addi %mul3A_530, %add3A_660 : i32
        %get3A_662 = arith.index_cast %add3A_661 : i32 to index
        %get3A_663 = arith.constant 0 : index
        %get3A_664 = tpu.vector_load %arg7[%get3A_662, %get3A_663] {strides = array<i32>} : memref<1920x16xf32, #tpu.memory_space<vmem>>, vector<1x16xf32>,
        %get3A_665 = vector.shape_cast %get3A_664 : vector<1x16xf32> to vector<16xf32>
        %add3A_666 = arith.addf %add3A_659, %get3A_665 : vector<16xf32>
        %mul3A_667 = arith.constant 16 : i32
        %mul3A_668 = arith.muli %scan3A_528, %mul3A_667 : i32
        %swap3A = arith.index_cast %mul3A_668 : i32 to index
        %swap3A_669 = tpu.vector_load %arg9[%swap3A] {strides = array<i32>} : memref<1536xf32, #tpu.memory_space<vmem>>, vector<16xf32>,
        %swap3A_670 = vector.shape_cast %swap3A_669 : vector<16xf32> to vector<16xf32>
        %swap3A_671 = vector.shape_cast %add3A_666 : vector<16xf32> to vector<16xf32>
        tpu.vector_store %arg9[%swap3A], %swap3A_671 {strides = array<i32>} : memref<1536xf32, #tpu.memory_space<vmem>>, vector<16xf32>,
      }
      %scan3A_387 = arith.constant 96 : i32
      %mul3A_388 = arith.constant 96 : i32
      %mul3A_389 = arith.muli %mul3A_137, %mul3A_388 : i32
      %mul3A_390 = arith.constant 16 : i32
      %mul3A_391 = arith.muli %mul3A_389, %mul3A_390 : i32
      %add3A_392 = arith.addi %mul3A_8, %mul3A_391 : i32
      "tpu.region"() ({
        %run_scoped3A = tpu.sem_alloc : memref<!tpu.dma_semaphore, #tpu.memory_space<semaphore_mem>>
        %dma_start3A_528 = tpu.memref_slice %arg4[%add3A_392] : memref<5406720xf32, #tpu.memory_space<hbm>> -> memref<1536xf32, #tpu.memory_space<hbm>>
        %dma_start3A_529 = tpu.memref_slice %arg4[%add3A_392] : memref<5406720xf32, #tpu.memory_space<hbm>> -> memref<1536xf32, #tpu.memory_space<hbm>>
        tpu.enqueue_dma source(%arg9 : memref<1536xf32, #tpu.memory_space<vmem>>) target(%dma_start3A_529 : memref<1536xf32, #tpu.memory_space<hbm>>) target_semaphore(%run_scoped3A : memref<!tpu.dma_semaphore, #tpu.memory_space<semaphore_mem>>)
        %dma_wait3A_530 = tpu.memref_slice %arg4[%add3A_392] : memref<5406720xf32, #tpu.memory_space<hbm>> -> memref<1536xf32, #tpu.memory_space<hbm>>
        %dma_wait3A_531 = tpu.memref_slice %arg4[%add3A_392] : memref<5406720xf32, #tpu.memory_space<hbm>> -> memref<1536xf32, #tpu.memory_space<hbm>>
        tpu.wait_dma2 semaphore(%run_scoped3A : memref<!tpu.dma_semaphore, #tpu.memory_space<semaphore_mem>>) src(%arg9 : memref<1536xf32, #tpu.memory_space<vmem>>) dst(%dma_wait3A_531 : memref<1536xf32, #tpu.memory_space<hbm>>)
        tpu.yield
      }) : () -> ()
      %lt3A = arith.constant 54 : i32
      %lt3A_393 = arith.cmpi slt, %scan3A_135, %lt3A : i32
      %convert_element_type3A = arith.extui %lt3A_393 : i1 to i32
      %cond3A = arith.constant 0 : i32
      %cond3A_394 = arith.cmpi ne, %convert_element_type3A, %cond3A : i32
      scf.if %cond3A_394 {
        %add3A_528 = arith.constant 2 : i32
        %add3A_529 = arith.addi %mul3A_137, %add3A_528 : i32
        %mul3A_530 = arith.constant 1920 : i32
        %mul3A_531 = arith.muli %add3A_529, %mul3A_530 : i32
        %add3A_532 = arith.addi %mul3A_4, %mul3A_531 : i32
        "tpu.region"() ({
          %run_scoped3A = tpu.sem_alloc : memref<!tpu.dma_semaphore, #tpu.memory_space<semaphore_mem>>
          %dma_start3A_653 = tpu.memref_slice %arg2[%add3A_532] : memref<6758400xi32, #tpu.memory_space<hbm>> -> memref<1920xi32, #tpu.memory_space<hbm>>
          %dma_start3A_654 = tpu.memref_slice %arg2[%add3A_532] : memref<6758400xi32, #tpu.memory_space<hbm>> -> memref<1920xi32, #tpu.memory_space<hbm>>
          tpu.enqueue_dma source(%dma_start3A_654 : memref<1920xi32, #tpu.memory_space<hbm>>) target(%arg5 : memref<1920xi32, #tpu.memory_space<vmem>>) target_semaphore(%run_scoped3A : memref<!tpu.dma_semaphore, #tpu.memory_space<semaphore_mem>>)
          %dma_wait3A_655 = tpu.memref_slice %arg2[%add3A_532] : memref<6758400xi32, #tpu.memory_space<hbm>> -> memref<1920xi32, #tpu.memory_space<hbm>>
          %dma_wait3A_656 = tpu.memref_slice %arg2[%add3A_532] : memref<6758400xi32, #tpu.memory_space<hbm>> -> memref<1920xi32, #tpu.memory_space<hbm>>
          tpu.wait_dma2 semaphore(%run_scoped3A : memref<!tpu.dma_semaphore, #tpu.memory_space<semaphore_mem>>) src(%dma_wait3A_656 : memref<1920xi32, #tpu.memory_space<hbm>>) dst(%arg5 : memref<1920xi32, #tpu.memory_space<vmem>>)
          tpu.yield
        }) : () -> ()
        %dma_start3A_533 = arith.constant 0 : i32
        %dma_start3A_534 = arith.constant 0 : i32
        %dma_start3A_535 = tpu.memref_slice %arg7[%dma_start3A_533, %dma_start3A_534] : memref<1920x16xf32, #tpu.memory_space<vmem>> -> memref<128x16xf32, #tpu.memory_space<vmem>>
        %dma_start3A_536 = arith.constant 0 : i32
        %dma_start3A_537 = tpu.memref_slice %arg5[%dma_start3A_536] : memref<1920xi32, #tpu.memory_space<vmem>> -> memref<128xi32, #tpu.memory_space<vmem>>
        %dma_start3A_538 = arith.constant 0 : i32
        %dma_start3A_539 = arith.constant 0 : i32
        %dma_start3A_540 = tpu.memref_slice %arg3[%dma_start3A_538, %dma_start3A_539] : memref<10614792x16xf32, #tpu.memory_space<hbm>> -> memref<10614792x16xf32, #tpu.memory_space<hbm>>
        tpu.enqueue_indirect_dma source(%dma_start3A_540 : memref<10614792x16xf32, #tpu.memory_space<hbm>>) target(%dma_start3A_535 : memref<128x16xf32, #tpu.memory_space<vmem>>) offsets(%dma_start3A_537 : memref<128xi32, #tpu.memory_space<vmem>>) semaphore(%arg10 : memref<!tpu.dma_semaphore, #tpu.memory_space<semaphore_mem>>)
        %dma_start3A_541 = arith.constant 128 : i32
        %dma_start3A_542 = arith.constant 0 : i32
        %dma_start3A_543 = tpu.memref_slice %arg7[%dma_start3A_541, %dma_start3A_542] : memref<1920x16xf32, #tpu.memory_space<vmem>> -> memref<128x16xf32, #tpu.memory_space<vmem>>
        %dma_start3A_544 = arith.constant 128 : i32
        %dma_start3A_545 = tpu.memref_slice %arg5[%dma_start3A_544] : memref<1920xi32, #tpu.memory_space<vmem>> -> memref<128xi32, #tpu.memory_space<vmem>>
        %dma_start3A_546 = arith.constant 0 : i32
        %dma_start3A_547 = arith.constant 0 : i32
        %dma_start3A_548 = tpu.memref_slice %arg3[%dma_start3A_546, %dma_start3A_547] : memref<10614792x16xf32, #tpu.memory_space<hbm>> -> memref<10614792x16xf32, #tpu.memory_space<hbm>>
        tpu.enqueue_indirect_dma source(%dma_start3A_548 : memref<10614792x16xf32, #tpu.memory_space<hbm>>) target(%dma_start3A_543 : memref<128x16xf32, #tpu.memory_space<vmem>>) offsets(%dma_start3A_545 : memref<128xi32, #tpu.memory_space<vmem>>) semaphore(%arg10 : memref<!tpu.dma_semaphore, #tpu.memory_space<semaphore_mem>>)
        %dma_start3A_549 = arith.constant 256 : i32
        %dma_start3A_550 = arith.constant 0 : i32
        %dma_start3A_551 = tpu.memref_slice %arg7[%dma_start3A_549, %dma_start3A_550] : memref<1920x16xf32, #tpu.memory_space<vmem>> -> memref<128x16xf32, #tpu.memory_space<vmem>>
        %dma_start3A_552 = arith.constant 256 : i32
        %dma_start3A_553 = tpu.memref_slice %arg5[%dma_start3A_552] : memref<1920xi32, #tpu.memory_space<vmem>> -> memref<128xi32, #tpu.memory_space<vmem>>
        %dma_start3A_554 = arith.constant 0 : i32
        %dma_start3A_555 = arith.constant 0 : i32
        %dma_start3A_556 = tpu.memref_slice %arg3[%dma_start3A_554, %dma_start3A_555] : memref<10614792x16xf32, #tpu.memory_space<hbm>> -> memref<10614792x16xf32, #tpu.memory_space<hbm>>
        tpu.enqueue_indirect_dma source(%dma_start3A_556 : memref<10614792x16xf32, #tpu.memory_space<hbm>>) target(%dma_start3A_551 : memref<128x16xf32, #tpu.memory_space<vmem>>) offsets(%dma_start3A_553 : memref<128xi32, #tpu.memory_space<vmem>>) semaphore(%arg10 : memref<!tpu.dma_semaphore, #tpu.memory_space<semaphore_mem>>)
        %dma_start3A_557 = arith.constant 384 : i32
        %dma_start3A_558 = arith.constant 0 : i32
        %dma_start3A_559 = tpu.memref_slice %arg7[%dma_start3A_557, %dma_start3A_558] : memref<1920x16xf32, #tpu.memory_space<vmem>> -> memref<128x16xf32, #tpu.memory_space<vmem>>
        %dma_start3A_560 = arith.constant 384 : i32
        %dma_start3A_561 = tpu.memref_slice %arg5[%dma_start3A_560] : memref<1920xi32, #tpu.memory_space<vmem>> -> memref<128xi32, #tpu.memory_space<vmem>>
        %dma_start3A_562 = arith.constant 0 : i32
        %dma_start3A_563 = arith.constant 0 : i32
        %dma_start3A_564 = tpu.memref_slice %arg3[%dma_start3A_562, %dma_start3A_563] : memref<10614792x16xf32, #tpu.memory_space<hbm>> -> memref<10614792x16xf32, #tpu.memory_space<hbm>>
        tpu.enqueue_indirect_dma source(%dma_start3A_564 : memref<10614792x16xf32, #tpu.memory_space<hbm>>) target(%dma_start3A_559 : memref<128x16xf32, #tpu.memory_space<vmem>>) offsets(%dma_start3A_561 : memref<128xi32, #tpu.memory_space<vmem>>) semaphore(%arg10 : memref<!tpu.dma_semaphore, #tpu.memory_space<semaphore_mem>>)
        %dma_start3A_565 = arith.constant 512 : i32
        %dma_start3A_566 = arith.constant 0 : i32
        %dma_start3A_567 = tpu.memref_slice %arg7[%dma_start3A_565, %dma_start3A_566] : memref<1920x16xf32, #tpu.memory_space<vmem>> -> memref<128x16xf32, #tpu.memory_space<vmem>>
        %dma_start3A_568 = arith.constant 512 : i32
        %dma_start3A_569 = tpu.memref_slice %arg5[%dma_start3A_568] : memref<1920xi32, #tpu.memory_space<vmem>> -> memref<128xi32, #tpu.memory_space<vmem>>
        %dma_start3A_570 = arith.constant 0 : i32
        %dma_start3A_571 = arith.constant 0 : i32
        %dma_start3A_572 = tpu.memref_slice %arg3[%dma_start3A_570, %dma_start3A_571] : memref<10614792x16xf32, #tpu.memory_space<hbm>> -> memref<10614792x16xf32, #tpu.memory_space<hbm>>
        tpu.enqueue_indirect_dma source(%dma_start3A_572 : memref<10614792x16xf32, #tpu.memory_space<hbm>>) target(%dma_start3A_567 : memref<128x16xf32, #tpu.memory_space<vmem>>) offsets(%dma_start3A_569 : memref<128xi32, #tpu.memory_space<vmem>>) semaphore(%arg10 : memref<!tpu.dma_semaphore, #tpu.memory_space<semaphore_mem>>)
        %dma_start3A_573 = arith.constant 640 : i32
        %dma_start3A_574 = arith.constant 0 : i32
        %dma_start3A_575 = tpu.memref_slice %arg7[%dma_start3A_573, %dma_start3A_574] : memref<1920x16xf32, #tpu.memory_space<vmem>> -> memref<128x16xf32, #tpu.memory_space<vmem>>
        %dma_start3A_576 = arith.constant 640 : i32
        %dma_start3A_577 = tpu.memref_slice %arg5[%dma_start3A_576] : memref<1920xi32, #tpu.memory_space<vmem>> -> memref<128xi32, #tpu.memory_space<vmem>>
        %dma_start3A_578 = arith.constant 0 : i32
        %dma_start3A_579 = arith.constant 0 : i32
        %dma_start3A_580 = tpu.memref_slice %arg3[%dma_start3A_578, %dma_start3A_579] : memref<10614792x16xf32, #tpu.memory_space<hbm>> -> memref<10614792x16xf32, #tpu.memory_space<hbm>>
        tpu.enqueue_indirect_dma source(%dma_start3A_580 : memref<10614792x16xf32, #tpu.memory_space<hbm>>) target(%dma_start3A_575 : memref<128x16xf32, #tpu.memory_space<vmem>>) offsets(%dma_start3A_577 : memref<128xi32, #tpu.memory_space<vmem>>) semaphore(%arg10 : memref<!tpu.dma_semaphore, #tpu.memory_space<semaphore_mem>>)
        %dma_start3A_581 = arith.constant 768 : i32
        %dma_start3A_582 = arith.constant 0 : i32
        %dma_start3A_583 = tpu.memref_slice %arg7[%dma_start3A_581, %dma_start3A_582] : memref<1920x16xf32, #tpu.memory_space<vmem>> -> memref<128x16xf32, #tpu.memory_space<vmem>>
        %dma_start3A_584 = arith.constant 768 : i32
        %dma_start3A_585 = tpu.memref_slice %arg5[%dma_start3A_584] : memref<1920xi32, #tpu.memory_space<vmem>> -> memref<128xi32, #tpu.memory_space<vmem>>
        %dma_start3A_586 = arith.constant 0 : i32
        %dma_start3A_587 = arith.constant 0 : i32
        %dma_start3A_588 = tpu.memref_slice %arg3[%dma_start3A_586, %dma_start3A_587] : memref<10614792x16xf32, #tpu.memory_space<hbm>> -> memref<10614792x16xf32, #tpu.memory_space<hbm>>
        tpu.enqueue_indirect_dma source(%dma_start3A_588 : memref<10614792x16xf32, #tpu.memory_space<hbm>>) target(%dma_start3A_583 : memref<128x16xf32, #tpu.memory_space<vmem>>) offsets(%dma_start3A_585 : memref<128xi32, #tpu.memory_space<vmem>>) semaphore(%arg10 : memref<!tpu.dma_semaphore, #tpu.memory_space<semaphore_mem>>)
        %dma_start3A_589 = arith.constant 896 : i32
        %dma_start3A_590 = arith.constant 0 : i32
        %dma_start3A_591 = tpu.memref_slice %arg7[%dma_start3A_589, %dma_start3A_590] : memref<1920x16xf32, #tpu.memory_space<vmem>> -> memref<128x16xf32, #tpu.memory_space<vmem>>
        %dma_start3A_592 = arith.constant 896 : i32
        %dma_start3A_593 = tpu.memref_slice %arg5[%dma_start3A_592] : memref<1920xi32, #tpu.memory_space<vmem>> -> memref<128xi32, #tpu.memory_space<vmem>>
        %dma_start3A_594 = arith.constant 0 : i32
        %dma_start3A_595 = arith.constant 0 : i32
        %dma_start3A_596 = tpu.memref_slice %arg3[%dma_start3A_594, %dma_start3A_595] : memref<10614792x16xf32, #tpu.memory_space<hbm>> -> memref<10614792x16xf32, #tpu.memory_space<hbm>>
        tpu.enqueue_indirect_dma source(%dma_start3A_596 : memref<10614792x16xf32, #tpu.memory_space<hbm>>) target(%dma_start3A_591 : memref<128x16xf32, #tpu.memory_space<vmem>>) offsets(%dma_start3A_593 : memref<128xi32, #tpu.memory_space<vmem>>) semaphore(%arg10 : memref<!tpu.dma_semaphore, #tpu.memory_space<semaphore_mem>>)
        %dma_start3A_597 = arith.constant 1024 : i32
        %dma_start3A_598 = arith.constant 0 : i32
        %dma_start3A_599 = tpu.memref_slice %arg7[%dma_start3A_597, %dma_start3A_598] : memref<1920x16xf32, #tpu.memory_space<vmem>> -> memref<128x16xf32, #tpu.memory_space<vmem>>
        %dma_start3A_600 = arith.constant 1024 : i32
        %dma_start3A_601 = tpu.memref_slice %arg5[%dma_start3A_600] : memref<1920xi32, #tpu.memory_space<vmem>> -> memref<128xi32, #tpu.memory_space<vmem>>
        %dma_start3A_602 = arith.constant 0 : i32
        %dma_start3A_603 = arith.constant 0 : i32
        %dma_start3A_604 = tpu.memref_slice %arg3[%dma_start3A_602, %dma_start3A_603] : memref<10614792x16xf32, #tpu.memory_space<hbm>> -> memref<10614792x16xf32, #tpu.memory_space<hbm>>
        tpu.enqueue_indirect_dma source(%dma_start3A_604 : memref<10614792x16xf32, #tpu.memory_space<hbm>>) target(%dma_start3A_599 : memref<128x16xf32, #tpu.memory_space<vmem>>) offsets(%dma_start3A_601 : memref<128xi32, #tpu.memory_space<vmem>>) semaphore(%arg10 : memref<!tpu.dma_semaphore, #tpu.memory_space<semaphore_mem>>)
        %dma_start3A_605 = arith.constant 1152 : i32
        %dma_start3A_606 = arith.constant 0 : i32
        %dma_start3A_607 = tpu.memref_slice %arg7[%dma_start3A_605, %dma_start3A_606] : memref<1920x16xf32, #tpu.memory_space<vmem>> -> memref<128x16xf32, #tpu.memory_space<vmem>>
        %dma_start3A_608 = arith.constant 1152 : i32
        %dma_start3A_609 = tpu.memref_slice %arg5[%dma_start3A_608] : memref<1920xi32, #tpu.memory_space<vmem>> -> memref<128xi32, #tpu.memory_space<vmem>>
        %dma_start3A_610 = arith.constant 0 : i32
        %dma_start3A_611 = arith.constant 0 : i32
        %dma_start3A_612 = tpu.memref_slice %arg3[%dma_start3A_610, %dma_start3A_611] : memref<10614792x16xf32, #tpu.memory_space<hbm>> -> memref<10614792x16xf32, #tpu.memory_space<hbm>>
        tpu.enqueue_indirect_dma source(%dma_start3A_612 : memref<10614792x16xf32, #tpu.memory_space<hbm>>) target(%dma_start3A_607 : memref<128x16xf32, #tpu.memory_space<vmem>>) offsets(%dma_start3A_609 : memref<128xi32, #tpu.memory_space<vmem>>) semaphore(%arg10 : memref<!tpu.dma_semaphore, #tpu.memory_space<semaphore_mem>>)
        %dma_start3A_613 = arith.constant 1280 : i32
        %dma_start3A_614 = arith.constant 0 : i32
        %dma_start3A_615 = tpu.memref_slice %arg7[%dma_start3A_613, %dma_start3A_614] : memref<1920x16xf32, #tpu.memory_space<vmem>> -> memref<128x16xf32, #tpu.memory_space<vmem>>
        %dma_start3A_616 = arith.constant 1280 : i32
        %dma_start3A_617 = tpu.memref_slice %arg5[%dma_start3A_616] : memref<1920xi32, #tpu.memory_space<vmem>> -> memref<128xi32, #tpu.memory_space<vmem>>
        %dma_start3A_618 = arith.constant 0 : i32
        %dma_start3A_619 = arith.constant 0 : i32
        %dma_start3A_620 = tpu.memref_slice %arg3[%dma_start3A_618, %dma_start3A_619] : memref<10614792x16xf32, #tpu.memory_space<hbm>> -> memref<10614792x16xf32, #tpu.memory_space<hbm>>
        tpu.enqueue_indirect_dma source(%dma_start3A_620 : memref<10614792x16xf32, #tpu.memory_space<hbm>>) target(%dma_start3A_615 : memref<128x16xf32, #tpu.memory_space<vmem>>) offsets(%dma_start3A_617 : memref<128xi32, #tpu.memory_space<vmem>>) semaphore(%arg10 : memref<!tpu.dma_semaphore, #tpu.memory_space<semaphore_mem>>)
        %dma_start3A_621 = arith.constant 1408 : i32
        %dma_start3A_622 = arith.constant 0 : i32
        %dma_start3A_623 = tpu.memref_slice %arg7[%dma_start3A_621, %dma_start3A_622] : memref<1920x16xf32, #tpu.memory_space<vmem>> -> memref<128x16xf32, #tpu.memory_space<vmem>>
        %dma_start3A_624 = arith.constant 1408 : i32
        %dma_start3A_625 = tpu.memref_slice %arg5[%dma_start3A_624] : memref<1920xi32, #tpu.memory_space<vmem>> -> memref<128xi32, #tpu.memory_space<vmem>>
        %dma_start3A_626 = arith.constant 0 : i32
        %dma_start3A_627 = arith.constant 0 : i32
        %dma_start3A_628 = tpu.memref_slice %arg3[%dma_start3A_626, %dma_start3A_627] : memref<10614792x16xf32, #tpu.memory_space<hbm>> -> memref<10614792x16xf32, #tpu.memory_space<hbm>>
        tpu.enqueue_indirect_dma source(%dma_start3A_628 : memref<10614792x16xf32, #tpu.memory_space<hbm>>) target(%dma_start3A_623 : memref<128x16xf32, #tpu.memory_space<vmem>>) offsets(%dma_start3A_625 : memref<128xi32, #tpu.memory_space<vmem>>) semaphore(%arg10 : memref<!tpu.dma_semaphore, #tpu.memory_space<semaphore_mem>>)
        %dma_start3A_629 = arith.constant 1536 : i32
        %dma_start3A_630 = arith.constant 0 : i32
        %dma_start3A_631 = tpu.memref_slice %arg7[%dma_start3A_629, %dma_start3A_630] : memref<1920x16xf32, #tpu.memory_space<vmem>> -> memref<128x16xf32, #tpu.memory_space<vmem>>
        %dma_start3A_632 = arith.constant 1536 : i32
        %dma_start3A_633 = tpu.memref_slice %arg5[%dma_start3A_632] : memref<1920xi32, #tpu.memory_space<vmem>> -> memref<128xi32, #tpu.memory_space<vmem>>
        %dma_start3A_634 = arith.constant 0 : i32
        %dma_start3A_635 = arith.constant 0 : i32
        %dma_start3A_636 = tpu.memref_slice %arg3[%dma_start3A_634, %dma_start3A_635] : memref<10614792x16xf32, #tpu.memory_space<hbm>> -> memref<10614792x16xf32, #tpu.memory_space<hbm>>
        tpu.enqueue_indirect_dma source(%dma_start3A_636 : memref<10614792x16xf32, #tpu.memory_space<hbm>>) target(%dma_start3A_631 : memref<128x16xf32, #tpu.memory_space<vmem>>) offsets(%dma_start3A_633 : memref<128xi32, #tpu.memory_space<vmem>>) semaphore(%arg10 : memref<!tpu.dma_semaphore, #tpu.memory_space<semaphore_mem>>)
        %dma_start3A_637 = arith.constant 1664 : i32
        %dma_start3A_638 = arith.constant 0 : i32
        %dma_start3A_639 = tpu.memref_slice %arg7[%dma_start3A_637, %dma_start3A_638] : memref<1920x16xf32, #tpu.memory_space<vmem>> -> memref<128x16xf32, #tpu.memory_space<vmem>>
        %dma_start3A_640 = arith.constant 1664 : i32
        %dma_start3A_641 = tpu.memref_slice %arg5[%dma_start3A_640] : memref<1920xi32, #tpu.memory_space<vmem>> -> memref<128xi32, #tpu.memory_space<vmem>>
        %dma_start3A_642 = arith.constant 0 : i32
        %dma_start3A_643 = arith.constant 0 : i32
        %dma_start3A_644 = tpu.memref_slice %arg3[%dma_start3A_642, %dma_start3A_643] : memref<10614792x16xf32, #tpu.memory_space<hbm>> -> memref<10614792x16xf32, #tpu.memory_space<hbm>>
        tpu.enqueue_indirect_dma source(%dma_start3A_644 : memref<10614792x16xf32, #tpu.memory_space<hbm>>) target(%dma_start3A_639 : memref<128x16xf32, #tpu.memory_space<vmem>>) offsets(%dma_start3A_641 : memref<128xi32, #tpu.memory_space<vmem>>) semaphore(%arg10 : memref<!tpu.dma_semaphore, #tpu.memory_space<semaphore_mem>>)
        %dma_start3A_645 = arith.constant 1792 : i32
        %dma_start3A_646 = arith.constant 0 : i32
        %dma_start3A_647 = tpu.memref_slice %arg7[%dma_start3A_645, %dma_start3A_646] : memref<1920x16xf32, #tpu.memory_space<vmem>> -> memref<128x16xf32, #tpu.memory_space<vmem>>
        %dma_start3A_648 = arith.constant 1792 : i32
        %dma_start3A_649 = tpu.memref_slice %arg5[%dma_start3A_648] : memref<1920xi32, #tpu.memory_space<vmem>> -> memref<128xi32, #tpu.memory_space<vmem>>
        %dma_start3A_650 = arith.constant 0 : i32
        %dma_start3A_651 = arith.constant 0 : i32
        %dma_start3A_652 = tpu.memref_slice %arg3[%dma_start3A_650, %dma_start3A_651] : memref<10614792x16xf32, #tpu.memory_space<hbm>> -> memref<10614792x16xf32, #tpu.memory_space<hbm>>
        tpu.enqueue_indirect_dma source(%dma_start3A_652 : memref<10614792x16xf32, #tpu.memory_space<hbm>>) target(%dma_start3A_647 : memref<128x16xf32, #tpu.memory_space<vmem>>) offsets(%dma_start3A_649 : memref<128xi32, #tpu.memory_space<vmem>>) semaphore(%arg10 : memref<!tpu.dma_semaphore, #tpu.memory_space<semaphore_mem>>)
      } else {
      }
      %dma_wait3A_395 = arith.constant 0 : i32
      %dma_wait3A_396 = arith.constant 0 : i32
      %dma_wait3A_397 = tpu.memref_slice %arg8[%dma_wait3A_395, %dma_wait3A_396] : memref<1920x16xf32, #tpu.memory_space<vmem>> -> memref<128x16xf32, #tpu.memory_space<vmem>>
      %dma_wait3A_398 = arith.constant 0 : i32
      %dma_wait3A_399 = tpu.memref_slice %arg6[%dma_wait3A_398] : memref<1920xi32, #tpu.memory_space<vmem>> -> memref<128xi32, #tpu.memory_space<vmem>>
      %dma_wait3A_400 = arith.constant 0 : i32
      %dma_wait3A_401 = arith.constant 0 : i32
      %dma_wait3A_402 = tpu.memref_slice %arg3[%dma_wait3A_400, %dma_wait3A_401] : memref<10614792x16xf32, #tpu.memory_space<hbm>> -> memref<10614792x16xf32, #tpu.memory_space<hbm>>
      tpu.wait_indirect_dma semaphore(%arg11 : memref<!tpu.dma_semaphore, #tpu.memory_space<semaphore_mem>>) src(%dma_wait3A_402 : memref<10614792x16xf32, #tpu.memory_space<hbm>>) dst(%dma_wait3A_397 : memref<128x16xf32, #tpu.memory_space<vmem>>)
      %dma_wait3A_403 = arith.constant 128 : i32
      %dma_wait3A_404 = arith.constant 0 : i32
      %dma_wait3A_405 = tpu.memref_slice %arg8[%dma_wait3A_403, %dma_wait3A_404] : memref<1920x16xf32, #tpu.memory_space<vmem>> -> memref<128x16xf32, #tpu.memory_space<vmem>>
      %dma_wait3A_406 = arith.constant 128 : i32
      %dma_wait3A_407 = tpu.memref_slice %arg6[%dma_wait3A_406] : memref<1920xi32, #tpu.memory_space<vmem>> -> memref<128xi32, #tpu.memory_space<vmem>>
      %dma_wait3A_408 = arith.constant 0 : i32
      %dma_wait3A_409 = arith.constant 0 : i32
      %dma_wait3A_410 = tpu.memref_slice %arg3[%dma_wait3A_408, %dma_wait3A_409] : memref<10614792x16xf32, #tpu.memory_space<hbm>> -> memref<10614792x16xf32, #tpu.memory_space<hbm>>
      tpu.wait_indirect_dma semaphore(%arg11 : memref<!tpu.dma_semaphore, #tpu.memory_space<semaphore_mem>>) src(%dma_wait3A_410 : memref<10614792x16xf32, #tpu.memory_space<hbm>>) dst(%dma_wait3A_405 : memref<128x16xf32, #tpu.memory_space<vmem>>)
      %dma_wait3A_411 = arith.constant 256 : i32
      %dma_wait3A_412 = arith.constant 0 : i32
      %dma_wait3A_413 = tpu.memref_slice %arg8[%dma_wait3A_411, %dma_wait3A_412] : memref<1920x16xf32, #tpu.memory_space<vmem>> -> memref<128x16xf32, #tpu.memory_space<vmem>>
      %dma_wait3A_414 = arith.constant 256 : i32
      %dma_wait3A_415 = tpu.memref_slice %arg6[%dma_wait3A_414] : memref<1920xi32, #tpu.memory_space<vmem>> -> memref<128xi32, #tpu.memory_space<vmem>>
      %dma_wait3A_416 = arith.constant 0 : i32
      %dma_wait3A_417 = arith.constant 0 : i32
      %dma_wait3A_418 = tpu.memref_slice %arg3[%dma_wait3A_416, %dma_wait3A_417] : memref<10614792x16xf32, #tpu.memory_space<hbm>> -> memref<10614792x16xf32, #tpu.memory_space<hbm>>
      tpu.wait_indirect_dma semaphore(%arg11 : memref<!tpu.dma_semaphore, #tpu.memory_space<semaphore_mem>>) src(%dma_wait3A_418 : memref<10614792x16xf32, #tpu.memory_space<hbm>>) dst(%dma_wait3A_413 : memref<128x16xf32, #tpu.memory_space<vmem>>)
      %dma_wait3A_419 = arith.constant 384 : i32
      %dma_wait3A_420 = arith.constant 0 : i32
      %dma_wait3A_421 = tpu.memref_slice %arg8[%dma_wait3A_419, %dma_wait3A_420] : memref<1920x16xf32, #tpu.memory_space<vmem>> -> memref<128x16xf32, #tpu.memory_space<vmem>>
      %dma_wait3A_422 = arith.constant 384 : i32
      %dma_wait3A_423 = tpu.memref_slice %arg6[%dma_wait3A_422] : memref<1920xi32, #tpu.memory_space<vmem>> -> memref<128xi32, #tpu.memory_space<vmem>>
      %dma_wait3A_424 = arith.constant 0 : i32
      %dma_wait3A_425 = arith.constant 0 : i32
      %dma_wait3A_426 = tpu.memref_slice %arg3[%dma_wait3A_424, %dma_wait3A_425] : memref<10614792x16xf32, #tpu.memory_space<hbm>> -> memref<10614792x16xf32, #tpu.memory_space<hbm>>
      tpu.wait_indirect_dma semaphore(%arg11 : memref<!tpu.dma_semaphore, #tpu.memory_space<semaphore_mem>>) src(%dma_wait3A_426 : memref<10614792x16xf32, #tpu.memory_space<hbm>>) dst(%dma_wait3A_421 : memref<128x16xf32, #tpu.memory_space<vmem>>)
      %dma_wait3A_427 = arith.constant 512 : i32
      %dma_wait3A_428 = arith.constant 0 : i32
      %dma_wait3A_429 = tpu.memref_slice %arg8[%dma_wait3A_427, %dma_wait3A_428] : memref<1920x16xf32, #tpu.memory_space<vmem>> -> memref<128x16xf32, #tpu.memory_space<vmem>>
      %dma_wait3A_430 = arith.constant 512 : i32
      %dma_wait3A_431 = tpu.memref_slice %arg6[%dma_wait3A_430] : memref<1920xi32, #tpu.memory_space<vmem>> -> memref<128xi32, #tpu.memory_space<vmem>>
      %dma_wait3A_432 = arith.constant 0 : i32
      %dma_wait3A_433 = arith.constant 0 : i32
      %dma_wait3A_434 = tpu.memref_slice %arg3[%dma_wait3A_432, %dma_wait3A_433] : memref<10614792x16xf32, #tpu.memory_space<hbm>> -> memref<10614792x16xf32, #tpu.memory_space<hbm>>
      tpu.wait_indirect_dma semaphore(%arg11 : memref<!tpu.dma_semaphore, #tpu.memory_space<semaphore_mem>>) src(%dma_wait3A_434 : memref<10614792x16xf32, #tpu.memory_space<hbm>>) dst(%dma_wait3A_429 : memref<128x16xf32, #tpu.memory_space<vmem>>)
      %dma_wait3A_435 = arith.constant 640 : i32
      %dma_wait3A_436 = arith.constant 0 : i32
      %dma_wait3A_437 = tpu.memref_slice %arg8[%dma_wait3A_435, %dma_wait3A_436] : memref<1920x16xf32, #tpu.memory_space<vmem>> -> memref<128x16xf32, #tpu.memory_space<vmem>>
      %dma_wait3A_438 = arith.constant 640 : i32
      %dma_wait3A_439 = tpu.memref_slice %arg6[%dma_wait3A_438] : memref<1920xi32, #tpu.memory_space<vmem>> -> memref<128xi32, #tpu.memory_space<vmem>>
      %dma_wait3A_440 = arith.constant 0 : i32
      %dma_wait3A_441 = arith.constant 0 : i32
      %dma_wait3A_442 = tpu.memref_slice %arg3[%dma_wait3A_440, %dma_wait3A_441] : memref<10614792x16xf32, #tpu.memory_space<hbm>> -> memref<10614792x16xf32, #tpu.memory_space<hbm>>
      tpu.wait_indirect_dma semaphore(%arg11 : memref<!tpu.dma_semaphore, #tpu.memory_space<semaphore_mem>>) src(%dma_wait3A_442 : memref<10614792x16xf32, #tpu.memory_space<hbm>>) dst(%dma_wait3A_437 : memref<128x16xf32, #tpu.memory_space<vmem>>)
      %dma_wait3A_443 = arith.constant 768 : i32
      %dma_wait3A_444 = arith.constant 0 : i32
      %dma_wait3A_445 = tpu.memref_slice %arg8[%dma_wait3A_443, %dma_wait3A_444] : memref<1920x16xf32, #tpu.memory_space<vmem>> -> memref<128x16xf32, #tpu.memory_space<vmem>>
      %dma_wait3A_446 = arith.constant 768 : i32
      %dma_wait3A_447 = tpu.memref_slice %arg6[%dma_wait3A_446] : memref<1920xi32, #tpu.memory_space<vmem>> -> memref<128xi32, #tpu.memory_space<vmem>>
      %dma_wait3A_448 = arith.constant 0 : i32
      %dma_wait3A_449 = arith.constant 0 : i32
      %dma_wait3A_450 = tpu.memref_slice %arg3[%dma_wait3A_448, %dma_wait3A_449] : memref<10614792x16xf32, #tpu.memory_space<hbm>> -> memref<10614792x16xf32, #tpu.memory_space<hbm>>
      tpu.wait_indirect_dma semaphore(%arg11 : memref<!tpu.dma_semaphore, #tpu.memory_space<semaphore_mem>>) src(%dma_wait3A_450 : memref<10614792x16xf32, #tpu.memory_space<hbm>>) dst(%dma_wait3A_445 : memref<128x16xf32, #tpu.memory_space<vmem>>)
      %dma_wait3A_451 = arith.constant 896 : i32
      %dma_wait3A_452 = arith.constant 0 : i32
      %dma_wait3A_453 = tpu.memref_slice %arg8[%dma_wait3A_451, %dma_wait3A_452] : memref<1920x16xf32, #tpu.memory_space<vmem>> -> memref<128x16xf32, #tpu.memory_space<vmem>>
      %dma_wait3A_454 = arith.constant 896 : i32
      %dma_wait3A_455 = tpu.memref_slice %arg6[%dma_wait3A_454] : memref<1920xi32, #tpu.memory_space<vmem>> -> memref<128xi32, #tpu.memory_space<vmem>>
      %dma_wait3A_456 = arith.constant 0 : i32
      %dma_wait3A_457 = arith.constant 0 : i32
      %dma_wait3A_458 = tpu.memref_slice %arg3[%dma_wait3A_456, %dma_wait3A_457] : memref<10614792x16xf32, #tpu.memory_space<hbm>> -> memref<10614792x16xf32, #tpu.memory_space<hbm>>
      tpu.wait_indirect_dma semaphore(%arg11 : memref<!tpu.dma_semaphore, #tpu.memory_space<semaphore_mem>>) src(%dma_wait3A_458 : memref<10614792x16xf32, #tpu.memory_space<hbm>>) dst(%dma_wait3A_453 : memref<128x16xf32, #tpu.memory_space<vmem>>)
      %dma_wait3A_459 = arith.constant 1024 : i32
      %dma_wait3A_460 = arith.constant 0 : i32
      %dma_wait3A_461 = tpu.memref_slice %arg8[%dma_wait3A_459, %dma_wait3A_460] : memref<1920x16xf32, #tpu.memory_space<vmem>> -> memref<128x16xf32, #tpu.memory_space<vmem>>
      %dma_wait3A_462 = arith.constant 1024 : i32
      %dma_wait3A_463 = tpu.memref_slice %arg6[%dma_wait3A_462] : memref<1920xi32, #tpu.memory_space<vmem>> -> memref<128xi32, #tpu.memory_space<vmem>>
      %dma_wait3A_464 = arith.constant 0 : i32
      %dma_wait3A_465 = arith.constant 0 : i32
      %dma_wait3A_466 = tpu.memref_slice %arg3[%dma_wait3A_464, %dma_wait3A_465] : memref<10614792x16xf32, #tpu.memory_space<hbm>> -> memref<10614792x16xf32, #tpu.memory_space<hbm>>
      tpu.wait_indirect_dma semaphore(%arg11 : memref<!tpu.dma_semaphore, #tpu.memory_space<semaphore_mem>>) src(%dma_wait3A_466 : memref<10614792x16xf32, #tpu.memory_space<hbm>>) dst(%dma_wait3A_461 : memref<128x16xf32, #tpu.memory_space<vmem>>)
      %dma_wait3A_467 = arith.constant 1152 : i32
      %dma_wait3A_468 = arith.constant 0 : i32
      %dma_wait3A_469 = tpu.memref_slice %arg8[%dma_wait3A_467, %dma_wait3A_468] : memref<1920x16xf32, #tpu.memory_space<vmem>> -> memref<128x16xf32, #tpu.memory_space<vmem>>
      %dma_wait3A_470 = arith.constant 1152 : i32
      %dma_wait3A_471 = tpu.memref_slice %arg6[%dma_wait3A_470] : memref<1920xi32, #tpu.memory_space<vmem>> -> memref<128xi32, #tpu.memory_space<vmem>>
      %dma_wait3A_472 = arith.constant 0 : i32
      %dma_wait3A_473 = arith.constant 0 : i32
      %dma_wait3A_474 = tpu.memref_slice %arg3[%dma_wait3A_472, %dma_wait3A_473] : memref<10614792x16xf32, #tpu.memory_space<hbm>> -> memref<10614792x16xf32, #tpu.memory_space<hbm>>
      tpu.wait_indirect_dma semaphore(%arg11 : memref<!tpu.dma_semaphore, #tpu.memory_space<semaphore_mem>>) src(%dma_wait3A_474 : memref<10614792x16xf32, #tpu.memory_space<hbm>>) dst(%dma_wait3A_469 : memref<128x16xf32, #tpu.memory_space<vmem>>)
      %dma_wait3A_475 = arith.constant 1280 : i32
      %dma_wait3A_476 = arith.constant 0 : i32
      %dma_wait3A_477 = tpu.memref_slice %arg8[%dma_wait3A_475, %dma_wait3A_476] : memref<1920x16xf32, #tpu.memory_space<vmem>> -> memref<128x16xf32, #tpu.memory_space<vmem>>
      %dma_wait3A_478 = arith.constant 1280 : i32
      %dma_wait3A_479 = tpu.memref_slice %arg6[%dma_wait3A_478] : memref<1920xi32, #tpu.memory_space<vmem>> -> memref<128xi32, #tpu.memory_space<vmem>>
      %dma_wait3A_480 = arith.constant 0 : i32
      %dma_wait3A_481 = arith.constant 0 : i32
      %dma_wait3A_482 = tpu.memref_slice %arg3[%dma_wait3A_480, %dma_wait3A_481] : memref<10614792x16xf32, #tpu.memory_space<hbm>> -> memref<10614792x16xf32, #tpu.memory_space<hbm>>
      tpu.wait_indirect_dma semaphore(%arg11 : memref<!tpu.dma_semaphore, #tpu.memory_space<semaphore_mem>>) src(%dma_wait3A_482 : memref<10614792x16xf32, #tpu.memory_space<hbm>>) dst(%dma_wait3A_477 : memref<128x16xf32, #tpu.memory_space<vmem>>)
      %dma_wait3A_483 = arith.constant 1408 : i32
      %dma_wait3A_484 = arith.constant 0 : i32
      %dma_wait3A_485 = tpu.memref_slice %arg8[%dma_wait3A_483, %dma_wait3A_484] : memref<1920x16xf32, #tpu.memory_space<vmem>> -> memref<128x16xf32, #tpu.memory_space<vmem>>
      %dma_wait3A_486 = arith.constant 1408 : i32
      %dma_wait3A_487 = tpu.memref_slice %arg6[%dma_wait3A_486] : memref<1920xi32, #tpu.memory_space<vmem>> -> memref<128xi32, #tpu.memory_space<vmem>>
      %dma_wait3A_488 = arith.constant 0 : i32
      %dma_wait3A_489 = arith.constant 0 : i32
      %dma_wait3A_490 = tpu.memref_slice %arg3[%dma_wait3A_488, %dma_wait3A_489] : memref<10614792x16xf32, #tpu.memory_space<hbm>> -> memref<10614792x16xf32, #tpu.memory_space<hbm>>
      tpu.wait_indirect_dma semaphore(%arg11 : memref<!tpu.dma_semaphore, #tpu.memory_space<semaphore_mem>>) src(%dma_wait3A_490 : memref<10614792x16xf32, #tpu.memory_space<hbm>>) dst(%dma_wait3A_485 : memref<128x16xf32, #tpu.memory_space<vmem>>)
      %dma_wait3A_491 = arith.constant 1536 : i32
      %dma_wait3A_492 = arith.constant 0 : i32
      %dma_wait3A_493 = tpu.memref_slice %arg8[%dma_wait3A_491, %dma_wait3A_492] : memref<1920x16xf32, #tpu.memory_space<vmem>> -> memref<128x16xf32, #tpu.memory_space<vmem>>
      %dma_wait3A_494 = arith.constant 1536 : i32
      %dma_wait3A_495 = tpu.memref_slice %arg6[%dma_wait3A_494] : memref<1920xi32, #tpu.memory_space<vmem>> -> memref<128xi32, #tpu.memory_space<vmem>>
      %dma_wait3A_496 = arith.constant 0 : i32
      %dma_wait3A_497 = arith.constant 0 : i32
      %dma_wait3A_498 = tpu.memref_slice %arg3[%dma_wait3A_496, %dma_wait3A_497] : memref<10614792x16xf32, #tpu.memory_space<hbm>> -> memref<10614792x16xf32, #tpu.memory_space<hbm>>
      tpu.wait_indirect_dma semaphore(%arg11 : memref<!tpu.dma_semaphore, #tpu.memory_space<semaphore_mem>>) src(%dma_wait3A_498 : memref<10614792x16xf32, #tpu.memory_space<hbm>>) dst(%dma_wait3A_493 : memref<128x16xf32, #tpu.memory_space<vmem>>)
      %dma_wait3A_499 = arith.constant 1664 : i32
      %dma_wait3A_500 = arith.constant 0 : i32
      %dma_wait3A_501 = tpu.memref_slice %arg8[%dma_wait3A_499, %dma_wait3A_500] : memref<1920x16xf32, #tpu.memory_space<vmem>> -> memref<128x16xf32, #tpu.memory_space<vmem>>
      %dma_wait3A_502 = arith.constant 1664 : i32
      %dma_wait3A_503 = tpu.memref_slice %arg6[%dma_wait3A_502] : memref<1920xi32, #tpu.memory_space<vmem>> -> memref<128xi32, #tpu.memory_space<vmem>>
      %dma_wait3A_504 = arith.constant 0 : i32
      %dma_wait3A_505 = arith.constant 0 : i32
      %dma_wait3A_506 = tpu.memref_slice %arg3[%dma_wait3A_504, %dma_wait3A_505] : memref<10614792x16xf32, #tpu.memory_space<hbm>> -> memref<10614792x16xf32, #tpu.memory_space<hbm>>
      tpu.wait_indirect_dma semaphore(%arg11 : memref<!tpu.dma_semaphore, #tpu.memory_space<semaphore_mem>>) src(%dma_wait3A_506 : memref<10614792x16xf32, #tpu.memory_space<hbm>>) dst(%dma_wait3A_501 : memref<128x16xf32, #tpu.memory_space<vmem>>)
      %dma_wait3A_507 = arith.constant 1792 : i32
      %dma_wait3A_508 = arith.constant 0 : i32
      %dma_wait3A_509 = tpu.memref_slice %arg8[%dma_wait3A_507, %dma_wait3A_508] : memref<1920x16xf32, #tpu.memory_space<vmem>> -> memref<128x16xf32, #tpu.memory_space<vmem>>
      %dma_wait3A_510 = arith.constant 1792 : i32
      %dma_wait3A_511 = tpu.memref_slice %arg6[%dma_wait3A_510] : memref<1920xi32, #tpu.memory_space<vmem>> -> memref<128xi32, #tpu.memory_space<vmem>>
      %dma_wait3A_512 = arith.constant 0 : i32
      %dma_wait3A_513 = arith.constant 0 : i32
      %dma_wait3A_514 = tpu.memref_slice %arg3[%dma_wait3A_512, %dma_wait3A_513] : memref<10614792x16xf32, #tpu.memory_space<hbm>> -> memref<10614792x16xf32, #tpu.memory_space<hbm>>
      tpu.wait_indirect_dma semaphore(%arg11 : memref<!tpu.dma_semaphore, #tpu.memory_space<semaphore_mem>>) src(%dma_wait3A_514 : memref<10614792x16xf32, #tpu.memory_space<hbm>>) dst(%dma_wait3A_509 : memref<128x16xf32, #tpu.memory_space<vmem>>)
      %add3A_515 = arith.constant 1 : i32
      %add3A_516 = arith.addi %mul3A_137, %add3A_515 : i32
      %scan3A_517 = arith.constant 0 : i32
      %scan3A_518 = arith.constant 0 : i32
      %scan3A_519 = arith.constant 96 : i32
      %scan3A_520 = arith.addi %scan3A_518, %scan3A_519 : i32
      %scan3A_521 = arith.constant 1 : i32
      scf.for %scan3A_528 = %scan3A_518 to %scan3A_520 step %scan3A_521  : i32 {
        %mul3A_529 = arith.constant 20 : i32
        %mul3A_530 = arith.muli %scan3A_528, %mul3A_529 : i32
        %get3A = arith.index_cast %mul3A_530 : i32 to index
        %get3A_531 = arith.constant 0 : index
        %get3A_532 = tpu.vector_load %arg8[%get3A, %get3A_531] {strides = array<i32>} : memref<1920x16xf32, #tpu.memory_space<vmem>>, vector<1x16xf32>,
        %get3A_533 = vector.shape_cast %get3A_532 : vector<1x16xf32> to vector<16xf32>
        %add3A_534 = arith.constant 1 : i32
        %add3A_535 = arith.addi %mul3A_530, %add3A_534 : i32
        %get3A_536 = arith.index_cast %add3A_535 : i32 to index
        %get3A_537 = arith.constant 0 : index
        %get3A_538 = tpu.vector_load %arg8[%get3A_536, %get3A_537] {strides = array<i32>} : memref<1920x16xf32, #tpu.memory_space<vmem>>, vector<1x16xf32>,
        %get3A_539 = vector.shape_cast %get3A_538 : vector<1x16xf32> to vector<16xf32>
        %add3A_540 = arith.addf %get3A_533, %get3A_539 : vector<16xf32>
        %add3A_541 = arith.constant 2 : i32
        %add3A_542 = arith.addi %mul3A_530, %add3A_541 : i32
        %get3A_543 = arith.index_cast %add3A_542 : i32 to index
        %get3A_544 = arith.constant 0 : index
        %get3A_545 = tpu.vector_load %arg8[%get3A_543, %get3A_544] {strides = array<i32>} : memref<1920x16xf32, #tpu.memory_space<vmem>>, vector<1x16xf32>,
        %get3A_546 = vector.shape_cast %get3A_545 : vector<1x16xf32> to vector<16xf32>
        %add3A_547 = arith.addf %add3A_540, %get3A_546 : vector<16xf32>
        %add3A_548 = arith.constant 3 : i32
        %add3A_549 = arith.addi %mul3A_530, %add3A_548 : i32
        %get3A_550 = arith.index_cast %add3A_549 : i32 to index
        %get3A_551 = arith.constant 0 : index
        %get3A_552 = tpu.vector_load %arg8[%get3A_550, %get3A_551] {strides = array<i32>} : memref<1920x16xf32, #tpu.memory_space<vmem>>, vector<1x16xf32>,
        %get3A_553 = vector.shape_cast %get3A_552 : vector<1x16xf32> to vector<16xf32>
        %add3A_554 = arith.addf %add3A_547, %get3A_553 : vector<16xf32>
        %add3A_555 = arith.constant 4 : i32
        %add3A_556 = arith.addi %mul3A_530, %add3A_555 : i32
        %get3A_557 = arith.index_cast %add3A_556 : i32 to index
        %get3A_558 = arith.constant 0 : index
        %get3A_559 = tpu.vector_load %arg8[%get3A_557, %get3A_558] {strides = array<i32>} : memref<1920x16xf32, #tpu.memory_space<vmem>>, vector<1x16xf32>,
        %get3A_560 = vector.shape_cast %get3A_559 : vector<1x16xf32> to vector<16xf32>
        %add3A_561 = arith.addf %add3A_554, %get3A_560 : vector<16xf32>
        %add3A_562 = arith.constant 5 : i32
        %add3A_563 = arith.addi %mul3A_530, %add3A_562 : i32
        %get3A_564 = arith.index_cast %add3A_563 : i32 to index
        %get3A_565 = arith.constant 0 : index
        %get3A_566 = tpu.vector_load %arg8[%get3A_564, %get3A_565] {strides = array<i32>} : memref<1920x16xf32, #tpu.memory_space<vmem>>, vector<1x16xf32>,
        %get3A_567 = vector.shape_cast %get3A_566 : vector<1x16xf32> to vector<16xf32>
        %add3A_568 = arith.addf %add3A_561, %get3A_567 : vector<16xf32>
        %add3A_569 = arith.constant 6 : i32
        %add3A_570 = arith.addi %mul3A_530, %add3A_569 : i32
        %get3A_571 = arith.index_cast %add3A_570 : i32 to index
        %get3A_572 = arith.constant 0 : index
        %get3A_573 = tpu.vector_load %arg8[%get3A_571, %get3A_572] {strides = array<i32>} : memref<1920x16xf32, #tpu.memory_space<vmem>>, vector<1x16xf32>,
        %get3A_574 = vector.shape_cast %get3A_573 : vector<1x16xf32> to vector<16xf32>
        %add3A_575 = arith.addf %add3A_568, %get3A_574 : vector<16xf32>
        %add3A_576 = arith.constant 7 : i32
        %add3A_577 = arith.addi %mul3A_530, %add3A_576 : i32
        %get3A_578 = arith.index_cast %add3A_577 : i32 to index
        %get3A_579 = arith.constant 0 : index
        %get3A_580 = tpu.vector_load %arg8[%get3A_578, %get3A_579] {strides = array<i32>} : memref<1920x16xf32, #tpu.memory_space<vmem>>, vector<1x16xf32>,
        %get3A_581 = vector.shape_cast %get3A_580 : vector<1x16xf32> to vector<16xf32>
        %add3A_582 = arith.addf %add3A_575, %get3A_581 : vector<16xf32>
        %add3A_583 = arith.constant 8 : i32
        %add3A_584 = arith.addi %mul3A_530, %add3A_583 : i32
        %get3A_585 = arith.index_cast %add3A_584 : i32 to index
        %get3A_586 = arith.constant 0 : index
        %get3A_587 = tpu.vector_load %arg8[%get3A_585, %get3A_586] {strides = array<i32>} : memref<1920x16xf32, #tpu.memory_space<vmem>>, vector<1x16xf32>,
        %get3A_588 = vector.shape_cast %get3A_587 : vector<1x16xf32> to vector<16xf32>
        %add3A_589 = arith.addf %add3A_582, %get3A_588 : vector<16xf32>
        %add3A_590 = arith.constant 9 : i32
        %add3A_591 = arith.addi %mul3A_530, %add3A_590 : i32
        %get3A_592 = arith.index_cast %add3A_591 : i32 to index
        %get3A_593 = arith.constant 0 : index
        %get3A_594 = tpu.vector_load %arg8[%get3A_592, %get3A_593] {strides = array<i32>} : memref<1920x16xf32, #tpu.memory_space<vmem>>, vector<1x16xf32>,
        %get3A_595 = vector.shape_cast %get3A_594 : vector<1x16xf32> to vector<16xf32>
        %add3A_596 = arith.addf %add3A_589, %get3A_595 : vector<16xf32>
        %add3A_597 = arith.constant 10 : i32
        %add3A_598 = arith.addi %mul3A_530, %add3A_597 : i32
        %get3A_599 = arith.index_cast %add3A_598 : i32 to index
        %get3A_600 = arith.constant 0 : index
        %get3A_601 = tpu.vector_load %arg8[%get3A_599, %get3A_600] {strides = array<i32>} : memref<1920x16xf32, #tpu.memory_space<vmem>>, vector<1x16xf32>,
        %get3A_602 = vector.shape_cast %get3A_601 : vector<1x16xf32> to vector<16xf32>
        %add3A_603 = arith.addf %add3A_596, %get3A_602 : vector<16xf32>
        %add3A_604 = arith.constant 11 : i32
        %add3A_605 = arith.addi %mul3A_530, %add3A_604 : i32
        %get3A_606 = arith.index_cast %add3A_605 : i32 to index
        %get3A_607 = arith.constant 0 : index
        %get3A_608 = tpu.vector_load %arg8[%get3A_606, %get3A_607] {strides = array<i32>} : memref<1920x16xf32, #tpu.memory_space<vmem>>, vector<1x16xf32>,
        %get3A_609 = vector.shape_cast %get3A_608 : vector<1x16xf32> to vector<16xf32>
        %add3A_610 = arith.addf %add3A_603, %get3A_609 : vector<16xf32>
        %add3A_611 = arith.constant 12 : i32
        %add3A_612 = arith.addi %mul3A_530, %add3A_611 : i32
        %get3A_613 = arith.index_cast %add3A_612 : i32 to index
        %get3A_614 = arith.constant 0 : index
        %get3A_615 = tpu.vector_load %arg8[%get3A_613, %get3A_614] {strides = array<i32>} : memref<1920x16xf32, #tpu.memory_space<vmem>>, vector<1x16xf32>,
        %get3A_616 = vector.shape_cast %get3A_615 : vector<1x16xf32> to vector<16xf32>
        %add3A_617 = arith.addf %add3A_610, %get3A_616 : vector<16xf32>
        %add3A_618 = arith.constant 13 : i32
        %add3A_619 = arith.addi %mul3A_530, %add3A_618 : i32
        %get3A_620 = arith.index_cast %add3A_619 : i32 to index
        %get3A_621 = arith.constant 0 : index
        %get3A_622 = tpu.vector_load %arg8[%get3A_620, %get3A_621] {strides = array<i32>} : memref<1920x16xf32, #tpu.memory_space<vmem>>, vector<1x16xf32>,
        %get3A_623 = vector.shape_cast %get3A_622 : vector<1x16xf32> to vector<16xf32>
        %add3A_624 = arith.addf %add3A_617, %get3A_623 : vector<16xf32>
        %add3A_625 = arith.constant 14 : i32
        %add3A_626 = arith.addi %mul3A_530, %add3A_625 : i32
        %get3A_627 = arith.index_cast %add3A_626 : i32 to index
        %get3A_628 = arith.constant 0 : index
        %get3A_629 = tpu.vector_load %arg8[%get3A_627, %get3A_628] {strides = array<i32>} : memref<1920x16xf32, #tpu.memory_space<vmem>>, vector<1x16xf32>,
        %get3A_630 = vector.shape_cast %get3A_629 : vector<1x16xf32> to vector<16xf32>
        %add3A_631 = arith.addf %add3A_624, %get3A_630 : vector<16xf32>
        %add3A_632 = arith.constant 15 : i32
        %add3A_633 = arith.addi %mul3A_530, %add3A_632 : i32
        %get3A_634 = arith.index_cast %add3A_633 : i32 to index
        %get3A_635 = arith.constant 0 : index
        %get3A_636 = tpu.vector_load %arg8[%get3A_634, %get3A_635] {strides = array<i32>} : memref<1920x16xf32, #tpu.memory_space<vmem>>, vector<1x16xf32>,
        %get3A_637 = vector.shape_cast %get3A_636 : vector<1x16xf32> to vector<16xf32>
        %add3A_638 = arith.addf %add3A_631, %get3A_637 : vector<16xf32>
        %add3A_639 = arith.constant 16 : i32
        %add3A_640 = arith.addi %mul3A_530, %add3A_639 : i32
        %get3A_641 = arith.index_cast %add3A_640 : i32 to index
        %get3A_642 = arith.constant 0 : index
        %get3A_643 = tpu.vector_load %arg8[%get3A_641, %get3A_642] {strides = array<i32>} : memref<1920x16xf32, #tpu.memory_space<vmem>>, vector<1x16xf32>,
        %get3A_644 = vector.shape_cast %get3A_643 : vector<1x16xf32> to vector<16xf32>
        %add3A_645 = arith.addf %add3A_638, %get3A_644 : vector<16xf32>
        %add3A_646 = arith.constant 17 : i32
        %add3A_647 = arith.addi %mul3A_530, %add3A_646 : i32
        %get3A_648 = arith.index_cast %add3A_647 : i32 to index
        %get3A_649 = arith.constant 0 : index
        %get3A_650 = tpu.vector_load %arg8[%get3A_648, %get3A_649] {strides = array<i32>} : memref<1920x16xf32, #tpu.memory_space<vmem>>, vector<1x16xf32>,
        %get3A_651 = vector.shape_cast %get3A_650 : vector<1x16xf32> to vector<16xf32>
        %add3A_652 = arith.addf %add3A_645, %get3A_651 : vector<16xf32>
        %add3A_653 = arith.constant 18 : i32
        %add3A_654 = arith.addi %mul3A_530, %add3A_653 : i32
        %get3A_655 = arith.index_cast %add3A_654 : i32 to index
        %get3A_656 = arith.constant 0 : index
        %get3A_657 = tpu.vector_load %arg8[%get3A_655, %get3A_656] {strides = array<i32>} : memref<1920x16xf32, #tpu.memory_space<vmem>>, vector<1x16xf32>,
        %get3A_658 = vector.shape_cast %get3A_657 : vector<1x16xf32> to vector<16xf32>
        %add3A_659 = arith.addf %add3A_652, %get3A_658 : vector<16xf32>
        %add3A_660 = arith.constant 19 : i32
        %add3A_661 = arith.addi %mul3A_530, %add3A_660 : i32
        %get3A_662 = arith.index_cast %add3A_661 : i32 to index
        %get3A_663 = arith.constant 0 : index
        %get3A_664 = tpu.vector_load %arg8[%get3A_662, %get3A_663] {strides = array<i32>} : memref<1920x16xf32, #tpu.memory_space<vmem>>, vector<1x16xf32>,
        %get3A_665 = vector.shape_cast %get3A_664 : vector<1x16xf32> to vector<16xf32>
        %add3A_666 = arith.addf %add3A_659, %get3A_665 : vector<16xf32>
        %mul3A_667 = arith.constant 16 : i32
        %mul3A_668 = arith.muli %scan3A_528, %mul3A_667 : i32
        %swap3A = arith.index_cast %mul3A_668 : i32 to index
        %swap3A_669 = tpu.vector_load %arg9[%swap3A] {strides = array<i32>} : memref<1536xf32, #tpu.memory_space<vmem>>, vector<16xf32>,
        %swap3A_670 = vector.shape_cast %swap3A_669 : vector<16xf32> to vector<16xf32>
        %swap3A_671 = vector.shape_cast %add3A_666 : vector<16xf32> to vector<16xf32>
        tpu.vector_store %arg9[%swap3A], %swap3A_671 {strides = array<i32>} : memref<1536xf32, #tpu.memory_space<vmem>>, vector<16xf32>,
      }
      %scan3A_522 = arith.constant 96 : i32
      %mul3A_523 = arith.constant 96 : i32
      %mul3A_524 = arith.muli %add3A_516, %mul3A_523 : i32
      %mul3A_525 = arith.constant 16 : i32
      %mul3A_526 = arith.muli %mul3A_524, %mul3A_525 : i32
      %add3A_527 = arith.addi %mul3A_8, %mul3A_526 : i32
      "tpu.region"() ({
        %run_scoped3A = tpu.sem_alloc : memref<!tpu.dma_semaphore, #tpu.memory_space<semaphore_mem>>
        %dma_start3A_528 = tpu.memref_slice %arg4[%add3A_527] : memref<5406720xf32, #tpu.memory_space<hbm>> -> memref<1536xf32, #tpu.memory_space<hbm>>
        %dma_start3A_529 = tpu.memref_slice %arg4[%add3A_527] : memref<5406720xf32, #tpu.memory_space<hbm>> -> memref<1536xf32, #tpu.memory_space<hbm>>
        tpu.enqueue_dma source(%arg9 : memref<1536xf32, #tpu.memory_space<vmem>>) target(%dma_start3A_529 : memref<1536xf32, #tpu.memory_space<hbm>>) target_semaphore(%run_scoped3A : memref<!tpu.dma_semaphore, #tpu.memory_space<semaphore_mem>>)
        %dma_wait3A_530 = tpu.memref_slice %arg4[%add3A_527] : memref<5406720xf32, #tpu.memory_space<hbm>> -> memref<1536xf32, #tpu.memory_space<hbm>>
        %dma_wait3A_531 = tpu.memref_slice %arg4[%add3A_527] : memref<5406720xf32, #tpu.memory_space<hbm>> -> memref<1536xf32, #tpu.memory_space<hbm>>
        tpu.wait_dma2 semaphore(%run_scoped3A : memref<!tpu.dma_semaphore, #tpu.memory_space<semaphore_mem>>) src(%arg9 : memref<1536xf32, #tpu.memory_space<vmem>>) dst(%dma_wait3A_531 : memref<1536xf32, #tpu.memory_space<hbm>>)
        tpu.yield
      }) : () -> ()
    }
    %scan3A_134 = arith.constant 55 : i32
    return
  }
}

#map = affine_map<(d0, d1) -> (0, 0)>
#map1 = affine_map<(d0, d1) -> (0)>
module attributes {stable_mosaic.version = 14 : i64} {
  func.func @_relayout_body(%arg0: i32, %arg1: i32, %arg2: memref<16x10614790xf32, #tpu.memory_space<hbm>>, %arg3: memref<128xf32, #tpu.memory_space<hbm>>, %arg4: memref<169836672xf32, #tpu.memory_space<hbm>>, %arg5: memref<16x256xf32, #tpu.memory_space<vmem>>, %arg6: memref<16x256xf32, #tpu.memory_space<vmem>>, %arg7: memref<4096xf32, #tpu.memory_space<vmem>>, %arg8: memref<4096xf32, #tpu.memory_space<vmem>>, %arg9: memref<128xf32, #tpu.memory_space<vmem>>, %arg10: memref<!tpu.dma_semaphore, #tpu.memory_space<semaphore_mem>>, %arg11: memref<!tpu.dma_semaphore, #tpu.memory_space<semaphore_mem>>, %arg12: memref<!tpu.dma_semaphore, #tpu.memory_space<semaphore_mem>>, %arg13: memref<!tpu.dma_semaphore, #tpu.memory_space<semaphore_mem>>) attributes {dimension_semantics = [#tpu.dimension_semantics<core_parallel>, #tpu.dimension_semantics<subcore_parallel>], iteration_bounds = array<i64: 2, 16>, scalar_prefetch = 0 : i64, scratch_operands = 9 : i64, tpu.core_type = #tpu.core_type<sc_vector_subcore>, window_params = [{transform_indices = #map}, {transform_indices = #map1}, {transform_indices = #map1}]} {
    %mul3A = arith.constant 2 : i32
    %mul3A_0 = arith.muli %arg1, %mul3A : i32
    %add3A = arith.addi %mul3A_0, %arg0 : i32
    %sub3A = arith.constant 41464 : i32
    %sub3A_1 = arith.subi %sub3A, %add3A : i32
    %add3A_2 = arith.constant 32 : i32
    %add3A_3 = arith.addi %sub3A_1, %add3A_2 : i32
    %sub3A_4 = arith.constant 1 : i32
    %sub3A_5 = arith.subi %add3A_3, %sub3A_4 : i32
    %jit3A = arith.constant 32 : i32
    %div3A = arith.divsi %sub3A_5, %jit3A : i32
    %sign3A = arith.constant 0 : i32
    %sign3A_6 = arith.cmpi sgt, %sub3A_5, %sign3A : i32
    %sign3A_7 = arith.extui %sign3A_6 : i1 to i32
    %sign3A_8 = arith.constant 0 : i32
    %sign3A_9 = arith.cmpi slt, %sub3A_5, %sign3A_8 : i32
    %sign3A_10 = arith.extui %sign3A_9 : i1 to i32
    %sign3A_11 = arith.subi %sign3A_7, %sign3A_10 : i32
    %sign3A_12 = arith.constant 0 : i32
    %sign3A_13 = arith.cmpi sgt, %jit3A, %sign3A_12 : i32
    %sign3A_14 = arith.extui %sign3A_13 : i1 to i32
    %sign3A_15 = arith.constant 0 : i32
    %sign3A_16 = arith.cmpi slt, %jit3A, %sign3A_15 : i32
    %sign3A_17 = arith.extui %sign3A_16 : i1 to i32
    %sign3A_18 = arith.subi %sign3A_14, %sign3A_17 : i32
    %ne3A = arith.cmpi ne, %sign3A_11, %sign3A_18 : i32
    %rem3A = arith.remsi %sub3A_5, %jit3A : i32
    %ne3A_19 = arith.constant 0 : i32
    %ne3A_20 = arith.cmpi ne, %rem3A, %ne3A_19 : i32
    %and3A = arith.andi %ne3A, %ne3A_20 : i1
    %sub3A_21 = arith.constant 1 : i32
    %sub3A_22 = arith.subi %div3A, %sub3A_21 : i32
    %select_n3A = arith.select %and3A, %sub3A_22, %div3A : i32
    %iota3A = tpu.iota {dimensions = array<i32: 0>} : vector<16xi32>
    %eq3A = arith.constant 0 : i32
    %eq3A_23 = arith.cmpi eq, %add3A, %eq3A : i32
    %convert_element_type3A = arith.extui %eq3A_23 : i1 to i32
    %cond3A = arith.constant 0 : i32
    %cond3A_24 = arith.cmpi ne, %convert_element_type3A, %cond3A : i32
    scf.if %cond3A_24 {
      "tpu.region"() ({
        %run_scoped3A = tpu.sem_alloc : memref<!tpu.dma_semaphore, #tpu.memory_space<semaphore_mem>>
        tpu.enqueue_dma source(%arg3 : memref<128xf32, #tpu.memory_space<hbm>>) target(%arg9 : memref<128xf32, #tpu.memory_space<vmem>>) target_semaphore(%run_scoped3A : memref<!tpu.dma_semaphore, #tpu.memory_space<semaphore_mem>>)
        tpu.wait_dma2 semaphore(%run_scoped3A : memref<!tpu.dma_semaphore, #tpu.memory_space<semaphore_mem>>) src(%arg3 : memref<128xf32, #tpu.memory_space<hbm>>) dst(%arg9 : memref<128xf32, #tpu.memory_space<vmem>>)
        tpu.yield
      }) : () -> ()
      "tpu.region"() ({
        %run_scoped3A = tpu.sem_alloc : memref<!tpu.dma_semaphore, #tpu.memory_space<semaphore_mem>>
        %dma_start3A_76 = arith.constant 169836544 : i32
        %dma_start3A_77 = tpu.memref_slice %arg4[%dma_start3A_76] : memref<169836672xf32, #tpu.memory_space<hbm>> -> memref<128xf32, #tpu.memory_space<hbm>>
        %dma_start3A_78 = arith.constant 169836544 : i32
        %dma_start3A_79 = tpu.memref_slice %arg4[%dma_start3A_78] : memref<169836672xf32, #tpu.memory_space<hbm>> -> memref<128xf32, #tpu.memory_space<hbm>>
        tpu.enqueue_dma source(%arg9 : memref<128xf32, #tpu.memory_space<vmem>>) target(%dma_start3A_79 : memref<128xf32, #tpu.memory_space<hbm>>) target_semaphore(%run_scoped3A : memref<!tpu.dma_semaphore, #tpu.memory_space<semaphore_mem>>)
        %dma_wait3A_80 = arith.constant 169836544 : i32
        %dma_wait3A_81 = tpu.memref_slice %arg4[%dma_wait3A_80] : memref<169836672xf32, #tpu.memory_space<hbm>> -> memref<128xf32, #tpu.memory_space<hbm>>
        %dma_wait3A_82 = arith.constant 169836544 : i32
        %dma_wait3A_83 = tpu.memref_slice %arg4[%dma_wait3A_82] : memref<169836672xf32, #tpu.memory_space<hbm>> -> memref<128xf32, #tpu.memory_space<hbm>>
        tpu.wait_dma2 semaphore(%run_scoped3A : memref<!tpu.dma_semaphore, #tpu.memory_space<semaphore_mem>>) src(%arg9 : memref<128xf32, #tpu.memory_space<vmem>>) dst(%dma_wait3A_83 : memref<128xf32, #tpu.memory_space<hbm>>)
        tpu.yield
      }) : () -> ()
    } else {
    }
    %add3A_25 = arith.constant 0 : i32
    %add3A_26 = arith.addi %add3A, %add3A_25 : i32
    %mul3A_27 = arith.constant 256 : i32
    %mul3A_28 = arith.muli %add3A_26, %mul3A_27 : i32
    %dma_start3A = arith.constant 0 : i32
    %dma_start3A_29 = tpu.memref_slice %arg2[%dma_start3A, %mul3A_28] : memref<16x10614790xf32, #tpu.memory_space<hbm>> -> memref<16x256xf32, #tpu.memory_space<hbm>>
    %dma_start3A_30 = arith.constant 0 : i32
    %dma_start3A_31 = tpu.memref_slice %arg2[%dma_start3A_30, %mul3A_28] : memref<16x10614790xf32, #tpu.memory_space<hbm>> -> memref<16x256xf32, #tpu.memory_space<hbm>>
    tpu.enqueue_dma source(%dma_start3A_31 : memref<16x256xf32, #tpu.memory_space<hbm>>) target(%arg5 : memref<16x256xf32, #tpu.memory_space<vmem>>) target_semaphore(%arg10 : memref<!tpu.dma_semaphore, #tpu.memory_space<semaphore_mem>>)
    %add3A_32 = arith.constant 1 : i32
    %add3A_33 = arith.addi %select_n3A, %add3A_32 : i32
    %jit3A_34 = arith.constant 2 : i32
    %div3A_35 = arith.divsi %add3A_33, %jit3A_34 : i32
    %sign3A_36 = arith.constant 0 : i32
    %sign3A_37 = arith.cmpi sgt, %add3A_33, %sign3A_36 : i32
    %sign3A_38 = arith.extui %sign3A_37 : i1 to i32
    %sign3A_39 = arith.constant 0 : i32
    %sign3A_40 = arith.cmpi slt, %add3A_33, %sign3A_39 : i32
    %sign3A_41 = arith.extui %sign3A_40 : i1 to i32
    %sign3A_42 = arith.subi %sign3A_38, %sign3A_41 : i32
    %sign3A_43 = arith.constant 0 : i32
    %sign3A_44 = arith.cmpi sgt, %jit3A_34, %sign3A_43 : i32
    %sign3A_45 = arith.extui %sign3A_44 : i1 to i32
    %sign3A_46 = arith.constant 0 : i32
    %sign3A_47 = arith.cmpi slt, %jit3A_34, %sign3A_46 : i32
    %sign3A_48 = arith.extui %sign3A_47 : i1 to i32
    %sign3A_49 = arith.subi %sign3A_45, %sign3A_48 : i32
    %ne3A_50 = arith.cmpi ne, %sign3A_42, %sign3A_49 : i32
    %rem3A_51 = arith.remsi %add3A_33, %jit3A_34 : i32
    %ne3A_52 = arith.constant 0 : i32
    %ne3A_53 = arith.cmpi ne, %rem3A_51, %ne3A_52 : i32
    %and3A_54 = arith.andi %ne3A_50, %ne3A_53 : i1
    %sub3A_55 = arith.constant 1 : i32
    %sub3A_56 = arith.subi %div3A_35, %sub3A_55 : i32
    %select_n3A_57 = arith.select %and3A_54, %sub3A_56, %div3A_35 : i32
    %while3A = arith.constant 0 : i32
    %while3A_58 = arith.constant 0 : i32
    %while3A_59 = arith.subi %select_n3A_57, %while3A_58 : i32
    %while3A_60 = arith.addi %while3A_58, %while3A_59 : i32
    %while3A_61 = arith.constant 1 : i32
    %while3A_62 = arith.divsi %while3A_59, %while3A_61 : i32
    %while3A_63 = arith.muli %while3A_62, %while3A_61 : i32
    %while3A_64 = arith.addi %while3A_58, %while3A_63 : i32
    %while3A_65 = arith.constant 1 : i32
    scf.for %while3A_76 = %while3A_58 to %while3A_64 step %while3A_65  : i32 {
      %mul3A_77 = arith.constant 2 : i32
      %mul3A_78 = arith.muli %mul3A_77, %while3A_76 : i32
      %add3A_79 = arith.constant 1 : i32
      %add3A_80 = arith.addi %mul3A_78, %add3A_79 : i32
      %lt3A = arith.cmpi slt, %add3A_80, %select_n3A : i32
      %convert_element_type3A_81 = arith.extui %lt3A : i1 to i32
      %cond3A_82 = arith.constant 0 : i32
      %cond3A_83 = arith.cmpi ne, %convert_element_type3A_81, %cond3A_82 : i32
      scf.if %cond3A_83 {
        %add3A_119 = arith.constant 1 : i32
        %add3A_120 = arith.addi %mul3A_78, %add3A_119 : i32
        %mul3A_121 = arith.constant 32 : i32
        %mul3A_122 = arith.muli %add3A_120, %mul3A_121 : i32
        %add3A_123 = arith.addi %add3A, %mul3A_122 : i32
        %mul3A_124 = arith.constant 256 : i32
        %mul3A_125 = arith.muli %add3A_123, %mul3A_124 : i32
        %dma_start3A_126 = arith.constant 0 : i32
        %dma_start3A_127 = tpu.memref_slice %arg2[%dma_start3A_126, %mul3A_125] : memref<16x10614790xf32, #tpu.memory_space<hbm>> -> memref<16x256xf32, #tpu.memory_space<hbm>>
        %dma_start3A_128 = arith.constant 0 : i32
        %dma_start3A_129 = tpu.memref_slice %arg2[%dma_start3A_128, %mul3A_125] : memref<16x10614790xf32, #tpu.memory_space<hbm>> -> memref<16x256xf32, #tpu.memory_space<hbm>>
        tpu.enqueue_dma source(%dma_start3A_129 : memref<16x256xf32, #tpu.memory_space<hbm>>) target(%arg6 : memref<16x256xf32, #tpu.memory_space<vmem>>) target_semaphore(%arg11 : memref<!tpu.dma_semaphore, #tpu.memory_space<semaphore_mem>>)
      } else {
      }
      %mul3A_84 = arith.constant 32 : i32
      %mul3A_85 = arith.muli %mul3A_78, %mul3A_84 : i32
      %add3A_86 = arith.addi %add3A, %mul3A_85 : i32
      %mul3A_87 = arith.constant 256 : i32
      %mul3A_88 = arith.muli %add3A_86, %mul3A_87 : i32
      %dma_wait3A_89 = arith.constant 0 : i32
      %dma_wait3A_90 = tpu.memref_slice %arg2[%dma_wait3A_89, %mul3A_88] : memref<16x10614790xf32, #tpu.memory_space<hbm>> -> memref<16x256xf32, #tpu.memory_space<hbm>>
      %dma_wait3A_91 = arith.constant 0 : i32
      %dma_wait3A_92 = tpu.memref_slice %arg2[%dma_wait3A_91, %mul3A_88] : memref<16x10614790xf32, #tpu.memory_space<hbm>> -> memref<16x256xf32, #tpu.memory_space<hbm>>
      tpu.wait_dma2 semaphore(%arg10 : memref<!tpu.dma_semaphore, #tpu.memory_space<semaphore_mem>>) src(%dma_wait3A_92 : memref<16x256xf32, #tpu.memory_space<hbm>>) dst(%arg5 : memref<16x256xf32, #tpu.memory_space<vmem>>)
      %ge3A_93 = arith.constant 2 : i32
      %ge3A_94 = arith.cmpi sge, %mul3A_78, %ge3A_93 : i32
      %convert_element_type3A_95 = arith.extui %ge3A_94 : i1 to i32
      %cond3A_96 = arith.constant 0 : i32
      %cond3A_97 = arith.cmpi ne, %convert_element_type3A_95, %cond3A_96 : i32
      scf.if %cond3A_97 {
        %sub3A_119 = arith.constant 2 : i32
        %sub3A_120 = arith.subi %mul3A_78, %sub3A_119 : i32
        %mul3A_121 = arith.constant 32 : i32
        %mul3A_122 = arith.muli %sub3A_120, %mul3A_121 : i32
        %add3A_123 = arith.addi %add3A, %mul3A_122 : i32
        %mul3A_124 = arith.constant 4096 : i32
        %mul3A_125 = arith.muli %add3A_123, %mul3A_124 : i32
        %dma_wait3A_126 = tpu.memref_slice %arg4[%mul3A_125] : memref<169836672xf32, #tpu.memory_space<hbm>> -> memref<4096xf32, #tpu.memory_space<hbm>>
        %dma_wait3A_127 = tpu.memref_slice %arg4[%mul3A_125] : memref<169836672xf32, #tpu.memory_space<hbm>> -> memref<4096xf32, #tpu.memory_space<hbm>>
        tpu.wait_dma2 semaphore(%arg12 : memref<!tpu.dma_semaphore, #tpu.memory_space<semaphore_mem>>) src(%arg7 : memref<4096xf32, #tpu.memory_space<vmem>>) dst(%dma_wait3A_127 : memref<4096xf32, #tpu.memory_space<hbm>>)
      } else {
      }
      %parallel_loop3A = arith.constant 0 : i32
      %parallel_loop3A_98 = arith.constant 256 : i32
      %parallel_loop3A_99 = arith.constant 1 : i32
      scf.for %parallel_loop3A_119 = %parallel_loop3A to %parallel_loop3A_98 step %parallel_loop3A_99  : i32 {
        %parallel_loop3A_120 = vector.broadcast %parallel_loop3A_119 : i32 to vector<16xi32>
        %parallel_loop3A_121 = arith.addi %parallel_loop3A_120, %iota3A : vector<16xi32>
        %parallel_loop3A_122 = arith.constant 255 : i32
        %parallel_loop3A_123 = vector.broadcast %parallel_loop3A_122 : i32 to vector<16xi32>
        %parallel_loop3A_124 = arith.andi %parallel_loop3A_121, %parallel_loop3A_123 : vector<16xi32>
        %parallel_loop3A_125 = tpu.vector_load_idx %arg5[%iota3A, %parallel_loop3A_124] : memref<16x256xf32, #tpu.memory_space<vmem>>[vector<16xi32>, vector<16xi32>], vector<16xf32>,
        %parallel_loop3A_126 = arith.constant 4 : i32
        %parallel_loop3A_127 = vector.broadcast %parallel_loop3A_126 : i32 to vector<16xi32>
        %parallel_loop3A_128 = arith.shli %parallel_loop3A_124, %parallel_loop3A_127 : vector<16xi32>
        %parallel_loop3A_129 = arith.addi %parallel_loop3A_128, %iota3A : vector<16xi32>
        tpu.vector_store_idx %arg7[%parallel_loop3A_129], %parallel_loop3A_125 : memref<4096xf32, #tpu.memory_space<vmem>>[vector<16xi32>], vector<16xf32>,
      } {sc.loop_unroll_factor = 32 : i64, sc.parallel_access}
      %mul3A_100 = arith.constant 32 : i32
      %mul3A_101 = arith.muli %mul3A_78, %mul3A_100 : i32
      %add3A_102 = arith.addi %add3A, %mul3A_101 : i32
      %mul3A_103 = arith.constant 4096 : i32
      %mul3A_104 = arith.muli %add3A_102, %mul3A_103 : i32
      %dma_start3A_105 = tpu.memref_slice %arg4[%mul3A_104] : memref<169836672xf32, #tpu.memory_space<hbm>> -> memref<4096xf32, #tpu.memory_space<hbm>>
      %dma_start3A_106 = tpu.memref_slice %arg4[%mul3A_104] : memref<169836672xf32, #tpu.memory_space<hbm>> -> memref<4096xf32, #tpu.memory_space<hbm>>
      tpu.enqueue_dma source(%arg7 : memref<4096xf32, #tpu.memory_space<vmem>>) target(%dma_start3A_106 : memref<4096xf32, #tpu.memory_space<hbm>>) target_semaphore(%arg12 : memref<!tpu.dma_semaphore, #tpu.memory_space<semaphore_mem>>)
      %add3A_107 = arith.constant 2 : i32
      %add3A_108 = arith.addi %mul3A_78, %add3A_107 : i32
      %lt3A_109 = arith.cmpi slt, %add3A_108, %select_n3A : i32
      %convert_element_type3A_110 = arith.extui %lt3A_109 : i1 to i32
      %cond3A_111 = arith.constant 0 : i32
      %cond3A_112 = arith.cmpi ne, %convert_element_type3A_110, %cond3A_111 : i32
      scf.if %cond3A_112 {
        %add3A_119 = arith.constant 2 : i32
        %add3A_120 = arith.addi %mul3A_78, %add3A_119 : i32
        %mul3A_121 = arith.constant 32 : i32
        %mul3A_122 = arith.muli %add3A_120, %mul3A_121 : i32
        %add3A_123 = arith.addi %add3A, %mul3A_122 : i32
        %mul3A_124 = arith.constant 256 : i32
        %mul3A_125 = arith.muli %add3A_123, %mul3A_124 : i32
        %dma_start3A_126 = arith.constant 0 : i32
        %dma_start3A_127 = tpu.memref_slice %arg2[%dma_start3A_126, %mul3A_125] : memref<16x10614790xf32, #tpu.memory_space<hbm>> -> memref<16x256xf32, #tpu.memory_space<hbm>>
        %dma_start3A_128 = arith.constant 0 : i32
        %dma_start3A_129 = tpu.memref_slice %arg2[%dma_start3A_128, %mul3A_125] : memref<16x10614790xf32, #tpu.memory_space<hbm>> -> memref<16x256xf32, #tpu.memory_space<hbm>>
        tpu.enqueue_dma source(%dma_start3A_129 : memref<16x256xf32, #tpu.memory_space<hbm>>) target(%arg5 : memref<16x256xf32, #tpu.memory_space<vmem>>) target_semaphore(%arg10 : memref<!tpu.dma_semaphore, #tpu.memory_space<semaphore_mem>>)
      } else {
      }
      %add3A_113 = arith.constant 1 : i32
      %add3A_114 = arith.addi %mul3A_78, %add3A_113 : i32
      %lt3A_115 = arith.cmpi slt, %add3A_114, %select_n3A : i32
      %convert_element_type3A_116 = arith.extui %lt3A_115 : i1 to i32
      %cond3A_117 = arith.constant 0 : i32
      %cond3A_118 = arith.cmpi ne, %convert_element_type3A_116, %cond3A_117 : i32
      scf.if %cond3A_118 {
        %add3A_119 = arith.constant 1 : i32
        %add3A_120 = arith.addi %mul3A_78, %add3A_119 : i32
        %mul3A_121 = arith.constant 32 : i32
        %mul3A_122 = arith.muli %add3A_120, %mul3A_121 : i32
        %add3A_123 = arith.addi %add3A, %mul3A_122 : i32
        %mul3A_124 = arith.constant 256 : i32
        %mul3A_125 = arith.muli %add3A_123, %mul3A_124 : i32
        %dma_wait3A_126 = arith.constant 0 : i32
        %dma_wait3A_127 = tpu.memref_slice %arg2[%dma_wait3A_126, %mul3A_125] : memref<16x10614790xf32, #tpu.memory_space<hbm>> -> memref<16x256xf32, #tpu.memory_space<hbm>>
        %dma_wait3A_128 = arith.constant 0 : i32
        %dma_wait3A_129 = tpu.memref_slice %arg2[%dma_wait3A_128, %mul3A_125] : memref<16x10614790xf32, #tpu.memory_space<hbm>> -> memref<16x256xf32, #tpu.memory_space<hbm>>
        tpu.wait_dma2 semaphore(%arg11 : memref<!tpu.dma_semaphore, #tpu.memory_space<semaphore_mem>>) src(%dma_wait3A_129 : memref<16x256xf32, #tpu.memory_space<hbm>>) dst(%arg6 : memref<16x256xf32, #tpu.memory_space<vmem>>)
        %ge3A_130 = arith.constant 2 : i32
        %ge3A_131 = arith.cmpi sge, %mul3A_78, %ge3A_130 : i32
        %convert_element_type3A_132 = arith.extui %ge3A_131 : i1 to i32
        %cond3A_133 = arith.constant 0 : i32
        %cond3A_134 = arith.cmpi ne, %convert_element_type3A_132, %cond3A_133 : i32
        scf.if %cond3A_134 {
          %sub3A_147 = arith.constant 1 : i32
          %sub3A_148 = arith.subi %mul3A_78, %sub3A_147 : i32
          %mul3A_149 = arith.constant 32 : i32
          %mul3A_150 = arith.muli %sub3A_148, %mul3A_149 : i32
          %add3A_151 = arith.addi %add3A, %mul3A_150 : i32
          %mul3A_152 = arith.constant 4096 : i32
          %mul3A_153 = arith.muli %add3A_151, %mul3A_152 : i32
          %dma_wait3A_154 = tpu.memref_slice %arg4[%mul3A_153] : memref<169836672xf32, #tpu.memory_space<hbm>> -> memref<4096xf32, #tpu.memory_space<hbm>>
          %dma_wait3A_155 = tpu.memref_slice %arg4[%mul3A_153] : memref<169836672xf32, #tpu.memory_space<hbm>> -> memref<4096xf32, #tpu.memory_space<hbm>>
          tpu.wait_dma2 semaphore(%arg13 : memref<!tpu.dma_semaphore, #tpu.memory_space<semaphore_mem>>) src(%arg8 : memref<4096xf32, #tpu.memory_space<vmem>>) dst(%dma_wait3A_155 : memref<4096xf32, #tpu.memory_space<hbm>>)
        } else {
        }
        %parallel_loop3A_135 = arith.constant 0 : i32
        %parallel_loop3A_136 = arith.constant 256 : i32
        %parallel_loop3A_137 = arith.constant 1 : i32
        scf.for %parallel_loop3A_147 = %parallel_loop3A_135 to %parallel_loop3A_136 step %parallel_loop3A_137  : i32 {
          %parallel_loop3A_148 = vector.broadcast %parallel_loop3A_147 : i32 to vector<16xi32>
          %parallel_loop3A_149 = arith.addi %parallel_loop3A_148, %iota3A : vector<16xi32>
          %parallel_loop3A_150 = arith.constant 255 : i32
          %parallel_loop3A_151 = vector.broadcast %parallel_loop3A_150 : i32 to vector<16xi32>
          %parallel_loop3A_152 = arith.andi %parallel_loop3A_149, %parallel_loop3A_151 : vector<16xi32>
          %parallel_loop3A_153 = tpu.vector_load_idx %arg6[%iota3A, %parallel_loop3A_152] : memref<16x256xf32, #tpu.memory_space<vmem>>[vector<16xi32>, vector<16xi32>], vector<16xf32>,
          %parallel_loop3A_154 = arith.constant 4 : i32
          %parallel_loop3A_155 = vector.broadcast %parallel_loop3A_154 : i32 to vector<16xi32>
          %parallel_loop3A_156 = arith.shli %parallel_loop3A_152, %parallel_loop3A_155 : vector<16xi32>
          %parallel_loop3A_157 = arith.addi %parallel_loop3A_156, %iota3A : vector<16xi32>
          tpu.vector_store_idx %arg8[%parallel_loop3A_157], %parallel_loop3A_153 : memref<4096xf32, #tpu.memory_space<vmem>>[vector<16xi32>], vector<16xf32>,
        } {sc.loop_unroll_factor = 32 : i64, sc.parallel_access}
        %add3A_138 = arith.constant 1 : i32
        %add3A_139 = arith.addi %mul3A_78, %add3A_138 : i32
        %mul3A_140 = arith.constant 32 : i32
        %mul3A_141 = arith.muli %add3A_139, %mul3A_140 : i32
        %add3A_142 = arith.addi %add3A, %mul3A_141 : i32
        %mul3A_143 = arith.constant 4096 : i32
        %mul3A_144 = arith.muli %add3A_142, %mul3A_143 : i32
        %dma_start3A_145 = tpu.memref_slice %arg4[%mul3A_144] : memref<169836672xf32, #tpu.memory_space<hbm>> -> memref<4096xf32, #tpu.memory_space<hbm>>
        %dma_start3A_146 = tpu.memref_slice %arg4[%mul3A_144] : memref<169836672xf32, #tpu.memory_space<hbm>> -> memref<4096xf32, #tpu.memory_space<hbm>>
        tpu.enqueue_dma source(%arg8 : memref<4096xf32, #tpu.memory_space<vmem>>) target(%dma_start3A_146 : memref<4096xf32, #tpu.memory_space<hbm>>) target_semaphore(%arg13 : memref<!tpu.dma_semaphore, #tpu.memory_space<semaphore_mem>>)
      } else {
      }
    }
    %while3A_66 = arith.constant 1 : i32
    scf.for %while3A_76 = %while3A_64 to %while3A_60 step %while3A_66  : i32 {
      %mul3A_77 = arith.constant 2 : i32
      %mul3A_78 = arith.muli %mul3A_77, %while3A_76 : i32
      %add3A_79 = arith.constant 1 : i32
      %add3A_80 = arith.addi %mul3A_78, %add3A_79 : i32
      %lt3A = arith.cmpi slt, %add3A_80, %select_n3A : i32
      %convert_element_type3A_81 = arith.extui %lt3A : i1 to i32
      %cond3A_82 = arith.constant 0 : i32
      %cond3A_83 = arith.cmpi ne, %convert_element_type3A_81, %cond3A_82 : i32
      scf.if %cond3A_83 {
        %add3A_119 = arith.constant 1 : i32
        %add3A_120 = arith.addi %mul3A_78, %add3A_119 : i32
        %mul3A_121 = arith.constant 32 : i32
        %mul3A_122 = arith.muli %add3A_120, %mul3A_121 : i32
        %add3A_123 = arith.addi %add3A, %mul3A_122 : i32
        %mul3A_124 = arith.constant 256 : i32
        %mul3A_125 = arith.muli %add3A_123, %mul3A_124 : i32
        %dma_start3A_126 = arith.constant 0 : i32
        %dma_start3A_127 = tpu.memref_slice %arg2[%dma_start3A_126, %mul3A_125] : memref<16x10614790xf32, #tpu.memory_space<hbm>> -> memref<16x256xf32, #tpu.memory_space<hbm>>
        %dma_start3A_128 = arith.constant 0 : i32
        %dma_start3A_129 = tpu.memref_slice %arg2[%dma_start3A_128, %mul3A_125] : memref<16x10614790xf32, #tpu.memory_space<hbm>> -> memref<16x256xf32, #tpu.memory_space<hbm>>
        tpu.enqueue_dma source(%dma_start3A_129 : memref<16x256xf32, #tpu.memory_space<hbm>>) target(%arg6 : memref<16x256xf32, #tpu.memory_space<vmem>>) target_semaphore(%arg11 : memref<!tpu.dma_semaphore, #tpu.memory_space<semaphore_mem>>)
      } else {
      }
      %mul3A_84 = arith.constant 32 : i32
      %mul3A_85 = arith.muli %mul3A_78, %mul3A_84 : i32
      %add3A_86 = arith.addi %add3A, %mul3A_85 : i32
      %mul3A_87 = arith.constant 256 : i32
      %mul3A_88 = arith.muli %add3A_86, %mul3A_87 : i32
      %dma_wait3A_89 = arith.constant 0 : i32
      %dma_wait3A_90 = tpu.memref_slice %arg2[%dma_wait3A_89, %mul3A_88] : memref<16x10614790xf32, #tpu.memory_space<hbm>> -> memref<16x256xf32, #tpu.memory_space<hbm>>
      %dma_wait3A_91 = arith.constant 0 : i32
      %dma_wait3A_92 = tpu.memref_slice %arg2[%dma_wait3A_91, %mul3A_88] : memref<16x10614790xf32, #tpu.memory_space<hbm>> -> memref<16x256xf32, #tpu.memory_space<hbm>>
      tpu.wait_dma2 semaphore(%arg10 : memref<!tpu.dma_semaphore, #tpu.memory_space<semaphore_mem>>) src(%dma_wait3A_92 : memref<16x256xf32, #tpu.memory_space<hbm>>) dst(%arg5 : memref<16x256xf32, #tpu.memory_space<vmem>>)
      %ge3A_93 = arith.constant 2 : i32
      %ge3A_94 = arith.cmpi sge, %mul3A_78, %ge3A_93 : i32
      %convert_element_type3A_95 = arith.extui %ge3A_94 : i1 to i32
      %cond3A_96 = arith.constant 0 : i32
      %cond3A_97 = arith.cmpi ne, %convert_element_type3A_95, %cond3A_96 : i32
      scf.if %cond3A_97 {
        %sub3A_119 = arith.constant 2 : i32
        %sub3A_120 = arith.subi %mul3A_78, %sub3A_119 : i32
        %mul3A_121 = arith.constant 32 : i32
        %mul3A_122 = arith.muli %sub3A_120, %mul3A_121 : i32
        %add3A_123 = arith.addi %add3A, %mul3A_122 : i32
        %mul3A_124 = arith.constant 4096 : i32
        %mul3A_125 = arith.muli %add3A_123, %mul3A_124 : i32
        %dma_wait3A_126 = tpu.memref_slice %arg4[%mul3A_125] : memref<169836672xf32, #tpu.memory_space<hbm>> -> memref<4096xf32, #tpu.memory_space<hbm>>
        %dma_wait3A_127 = tpu.memref_slice %arg4[%mul3A_125] : memref<169836672xf32, #tpu.memory_space<hbm>> -> memref<4096xf32, #tpu.memory_space<hbm>>
        tpu.wait_dma2 semaphore(%arg12 : memref<!tpu.dma_semaphore, #tpu.memory_space<semaphore_mem>>) src(%arg7 : memref<4096xf32, #tpu.memory_space<vmem>>) dst(%dma_wait3A_127 : memref<4096xf32, #tpu.memory_space<hbm>>)
      } else {
      }
      %parallel_loop3A = arith.constant 0 : i32
      %parallel_loop3A_98 = arith.constant 256 : i32
      %parallel_loop3A_99 = arith.constant 1 : i32
      scf.for %parallel_loop3A_119 = %parallel_loop3A to %parallel_loop3A_98 step %parallel_loop3A_99  : i32 {
        %parallel_loop3A_120 = vector.broadcast %parallel_loop3A_119 : i32 to vector<16xi32>
        %parallel_loop3A_121 = arith.addi %parallel_loop3A_120, %iota3A : vector<16xi32>
        %parallel_loop3A_122 = arith.constant 255 : i32
        %parallel_loop3A_123 = vector.broadcast %parallel_loop3A_122 : i32 to vector<16xi32>
        %parallel_loop3A_124 = arith.andi %parallel_loop3A_121, %parallel_loop3A_123 : vector<16xi32>
        %parallel_loop3A_125 = tpu.vector_load_idx %arg5[%iota3A, %parallel_loop3A_124] : memref<16x256xf32, #tpu.memory_space<vmem>>[vector<16xi32>, vector<16xi32>], vector<16xf32>,
        %parallel_loop3A_126 = arith.constant 4 : i32
        %parallel_loop3A_127 = vector.broadcast %parallel_loop3A_126 : i32 to vector<16xi32>
        %parallel_loop3A_128 = arith.shli %parallel_loop3A_124, %parallel_loop3A_127 : vector<16xi32>
        %parallel_loop3A_129 = arith.addi %parallel_loop3A_128, %iota3A : vector<16xi32>
        tpu.vector_store_idx %arg7[%parallel_loop3A_129], %parallel_loop3A_125 : memref<4096xf32, #tpu.memory_space<vmem>>[vector<16xi32>], vector<16xf32>,
      } {sc.loop_unroll_factor = 32 : i64, sc.parallel_access}
      %mul3A_100 = arith.constant 32 : i32
      %mul3A_101 = arith.muli %mul3A_78, %mul3A_100 : i32
      %add3A_102 = arith.addi %add3A, %mul3A_101 : i32
      %mul3A_103 = arith.constant 4096 : i32
      %mul3A_104 = arith.muli %add3A_102, %mul3A_103 : i32
      %dma_start3A_105 = tpu.memref_slice %arg4[%mul3A_104] : memref<169836672xf32, #tpu.memory_space<hbm>> -> memref<4096xf32, #tpu.memory_space<hbm>>
      %dma_start3A_106 = tpu.memref_slice %arg4[%mul3A_104] : memref<169836672xf32, #tpu.memory_space<hbm>> -> memref<4096xf32, #tpu.memory_space<hbm>>
      tpu.enqueue_dma source(%arg7 : memref<4096xf32, #tpu.memory_space<vmem>>) target(%dma_start3A_106 : memref<4096xf32, #tpu.memory_space<hbm>>) target_semaphore(%arg12 : memref<!tpu.dma_semaphore, #tpu.memory_space<semaphore_mem>>)
      %add3A_107 = arith.constant 2 : i32
      %add3A_108 = arith.addi %mul3A_78, %add3A_107 : i32
      %lt3A_109 = arith.cmpi slt, %add3A_108, %select_n3A : i32
      %convert_element_type3A_110 = arith.extui %lt3A_109 : i1 to i32
      %cond3A_111 = arith.constant 0 : i32
      %cond3A_112 = arith.cmpi ne, %convert_element_type3A_110, %cond3A_111 : i32
      scf.if %cond3A_112 {
        %add3A_119 = arith.constant 2 : i32
        %add3A_120 = arith.addi %mul3A_78, %add3A_119 : i32
        %mul3A_121 = arith.constant 32 : i32
        %mul3A_122 = arith.muli %add3A_120, %mul3A_121 : i32
        %add3A_123 = arith.addi %add3A, %mul3A_122 : i32
        %mul3A_124 = arith.constant 256 : i32
        %mul3A_125 = arith.muli %add3A_123, %mul3A_124 : i32
        %dma_start3A_126 = arith.constant 0 : i32
        %dma_start3A_127 = tpu.memref_slice %arg2[%dma_start3A_126, %mul3A_125] : memref<16x10614790xf32, #tpu.memory_space<hbm>> -> memref<16x256xf32, #tpu.memory_space<hbm>>
        %dma_start3A_128 = arith.constant 0 : i32
        %dma_start3A_129 = tpu.memref_slice %arg2[%dma_start3A_128, %mul3A_125] : memref<16x10614790xf32, #tpu.memory_space<hbm>> -> memref<16x256xf32, #tpu.memory_space<hbm>>
        tpu.enqueue_dma source(%dma_start3A_129 : memref<16x256xf32, #tpu.memory_space<hbm>>) target(%arg5 : memref<16x256xf32, #tpu.memory_space<vmem>>) target_semaphore(%arg10 : memref<!tpu.dma_semaphore, #tpu.memory_space<semaphore_mem>>)
      } else {
      }
      %add3A_113 = arith.constant 1 : i32
      %add3A_114 = arith.addi %mul3A_78, %add3A_113 : i32
      %lt3A_115 = arith.cmpi slt, %add3A_114, %select_n3A : i32
      %convert_element_type3A_116 = arith.extui %lt3A_115 : i1 to i32
      %cond3A_117 = arith.constant 0 : i32
      %cond3A_118 = arith.cmpi ne, %convert_element_type3A_116, %cond3A_117 : i32
      scf.if %cond3A_118 {
        %add3A_119 = arith.constant 1 : i32
        %add3A_120 = arith.addi %mul3A_78, %add3A_119 : i32
        %mul3A_121 = arith.constant 32 : i32
        %mul3A_122 = arith.muli %add3A_120, %mul3A_121 : i32
        %add3A_123 = arith.addi %add3A, %mul3A_122 : i32
        %mul3A_124 = arith.constant 256 : i32
        %mul3A_125 = arith.muli %add3A_123, %mul3A_124 : i32
        %dma_wait3A_126 = arith.constant 0 : i32
        %dma_wait3A_127 = tpu.memref_slice %arg2[%dma_wait3A_126, %mul3A_125] : memref<16x10614790xf32, #tpu.memory_space<hbm>> -> memref<16x256xf32, #tpu.memory_space<hbm>>
        %dma_wait3A_128 = arith.constant 0 : i32
        %dma_wait3A_129 = tpu.memref_slice %arg2[%dma_wait3A_128, %mul3A_125] : memref<16x10614790xf32, #tpu.memory_space<hbm>> -> memref<16x256xf32, #tpu.memory_space<hbm>>
        tpu.wait_dma2 semaphore(%arg11 : memref<!tpu.dma_semaphore, #tpu.memory_space<semaphore_mem>>) src(%dma_wait3A_129 : memref<16x256xf32, #tpu.memory_space<hbm>>) dst(%arg6 : memref<16x256xf32, #tpu.memory_space<vmem>>)
        %ge3A_130 = arith.constant 2 : i32
        %ge3A_131 = arith.cmpi sge, %mul3A_78, %ge3A_130 : i32
        %convert_element_type3A_132 = arith.extui %ge3A_131 : i1 to i32
        %cond3A_133 = arith.constant 0 : i32
        %cond3A_134 = arith.cmpi ne, %convert_element_type3A_132, %cond3A_133 : i32
        scf.if %cond3A_134 {
          %sub3A_147 = arith.constant 1 : i32
          %sub3A_148 = arith.subi %mul3A_78, %sub3A_147 : i32
          %mul3A_149 = arith.constant 32 : i32
          %mul3A_150 = arith.muli %sub3A_148, %mul3A_149 : i32
          %add3A_151 = arith.addi %add3A, %mul3A_150 : i32
          %mul3A_152 = arith.constant 4096 : i32
          %mul3A_153 = arith.muli %add3A_151, %mul3A_152 : i32
          %dma_wait3A_154 = tpu.memref_slice %arg4[%mul3A_153] : memref<169836672xf32, #tpu.memory_space<hbm>> -> memref<4096xf32, #tpu.memory_space<hbm>>
          %dma_wait3A_155 = tpu.memref_slice %arg4[%mul3A_153] : memref<169836672xf32, #tpu.memory_space<hbm>> -> memref<4096xf32, #tpu.memory_space<hbm>>
          tpu.wait_dma2 semaphore(%arg13 : memref<!tpu.dma_semaphore, #tpu.memory_space<semaphore_mem>>) src(%arg8 : memref<4096xf32, #tpu.memory_space<vmem>>) dst(%dma_wait3A_155 : memref<4096xf32, #tpu.memory_space<hbm>>)
        } else {
        }
        %parallel_loop3A_135 = arith.constant 0 : i32
        %parallel_loop3A_136 = arith.constant 256 : i32
        %parallel_loop3A_137 = arith.constant 1 : i32
        scf.for %parallel_loop3A_147 = %parallel_loop3A_135 to %parallel_loop3A_136 step %parallel_loop3A_137  : i32 {
          %parallel_loop3A_148 = vector.broadcast %parallel_loop3A_147 : i32 to vector<16xi32>
          %parallel_loop3A_149 = arith.addi %parallel_loop3A_148, %iota3A : vector<16xi32>
          %parallel_loop3A_150 = arith.constant 255 : i32
          %parallel_loop3A_151 = vector.broadcast %parallel_loop3A_150 : i32 to vector<16xi32>
          %parallel_loop3A_152 = arith.andi %parallel_loop3A_149, %parallel_loop3A_151 : vector<16xi32>
          %parallel_loop3A_153 = tpu.vector_load_idx %arg6[%iota3A, %parallel_loop3A_152] : memref<16x256xf32, #tpu.memory_space<vmem>>[vector<16xi32>, vector<16xi32>], vector<16xf32>,
          %parallel_loop3A_154 = arith.constant 4 : i32
          %parallel_loop3A_155 = vector.broadcast %parallel_loop3A_154 : i32 to vector<16xi32>
          %parallel_loop3A_156 = arith.shli %parallel_loop3A_152, %parallel_loop3A_155 : vector<16xi32>
          %parallel_loop3A_157 = arith.addi %parallel_loop3A_156, %iota3A : vector<16xi32>
          tpu.vector_store_idx %arg8[%parallel_loop3A_157], %parallel_loop3A_153 : memref<4096xf32, #tpu.memory_space<vmem>>[vector<16xi32>], vector<16xf32>,
        } {sc.loop_unroll_factor = 32 : i64, sc.parallel_access}
        %add3A_138 = arith.constant 1 : i32
        %add3A_139 = arith.addi %mul3A_78, %add3A_138 : i32
        %mul3A_140 = arith.constant 32 : i32
        %mul3A_141 = arith.muli %add3A_139, %mul3A_140 : i32
        %add3A_142 = arith.addi %add3A, %mul3A_141 : i32
        %mul3A_143 = arith.constant 4096 : i32
        %mul3A_144 = arith.muli %add3A_142, %mul3A_143 : i32
        %dma_start3A_145 = tpu.memref_slice %arg4[%mul3A_144] : memref<169836672xf32, #tpu.memory_space<hbm>> -> memref<4096xf32, #tpu.memory_space<hbm>>
        %dma_start3A_146 = tpu.memref_slice %arg4[%mul3A_144] : memref<169836672xf32, #tpu.memory_space<hbm>> -> memref<4096xf32, #tpu.memory_space<hbm>>
        tpu.enqueue_dma source(%arg8 : memref<4096xf32, #tpu.memory_space<vmem>>) target(%dma_start3A_146 : memref<4096xf32, #tpu.memory_space<hbm>>) target_semaphore(%arg13 : memref<!tpu.dma_semaphore, #tpu.memory_space<semaphore_mem>>)
      } else {
      }
    }
    %add3A_67 = arith.constant 0 : i32
    %add3A_68 = arith.addi %add3A, %add3A_67 : i32
    %mul3A_69 = arith.constant 4096 : i32
    %mul3A_70 = arith.muli %add3A_68, %mul3A_69 : i32
    %dma_wait3A = tpu.memref_slice %arg4[%mul3A_70] : memref<169836672xf32, #tpu.memory_space<hbm>> -> memref<4096xf32, #tpu.memory_space<hbm>>
    %dma_wait3A_71 = tpu.memref_slice %arg4[%mul3A_70] : memref<169836672xf32, #tpu.memory_space<hbm>> -> memref<4096xf32, #tpu.memory_space<hbm>>
    tpu.wait_dma2 semaphore(%arg12 : memref<!tpu.dma_semaphore, #tpu.memory_space<semaphore_mem>>) src(%arg7 : memref<4096xf32, #tpu.memory_space<vmem>>) dst(%dma_wait3A_71 : memref<4096xf32, #tpu.memory_space<hbm>>)
    %ge3A = arith.constant 2 : i32
    %ge3A_72 = arith.cmpi sge, %select_n3A, %ge3A : i32
    %convert_element_type3A_73 = arith.extui %ge3A_72 : i1 to i32
    %cond3A_74 = arith.constant 0 : i32
    %cond3A_75 = arith.cmpi ne, %convert_element_type3A_73, %cond3A_74 : i32
    scf.if %cond3A_75 {
      %add3A_76 = arith.constant 32 : i32
      %add3A_77 = arith.addi %add3A, %add3A_76 : i32
      %mul3A_78 = arith.constant 4096 : i32
      %mul3A_79 = arith.muli %add3A_77, %mul3A_78 : i32
      %dma_wait3A_80 = tpu.memref_slice %arg4[%mul3A_79] : memref<169836672xf32, #tpu.memory_space<hbm>> -> memref<4096xf32, #tpu.memory_space<hbm>>
      %dma_wait3A_81 = tpu.memref_slice %arg4[%mul3A_79] : memref<169836672xf32, #tpu.memory_space<hbm>> -> memref<4096xf32, #tpu.memory_space<hbm>>
      tpu.wait_dma2 semaphore(%arg13 : memref<!tpu.dma_semaphore, #tpu.memory_space<semaphore_mem>>) src(%arg8 : memref<4096xf32, #tpu.memory_space<vmem>>) dst(%dma_wait3A_81 : memref<4096xf32, #tpu.memory_space<hbm>>)
    } else {
    }
    return
  }
}

</mosaic_0001>

<sc_bundles>
// kernel: _emb_lookup.4.cloned.1.call-start
scs
__scs_entry_jumppad:
0x0: {  	(pc) =	sbr.rel $0x88, $3  }
0x1: {  	(tag) =	ssettag $0x0;
	lr =	simm.s32 $0x1  }
0x2: {  	[smem:$0x3F9F] =	sst lr;
	_ =	strace $0xD0000000  }
0x3: {  	_ = 	snop  }
0x4: {  	_ = 	snop  }
0x5: {  	_ = 	snop  }
0x6: {  	_ = 	snop  }
0x7: {  	_ = 	snop  }
__scs_overlays_trampoline_lowered:
0x8: {  	[smem:$0x3FAE] =	sst s0  }
0x9: {  	[smem:$0x3FAF] =	sst s1  }
0xa: {  	[smem:$0x3FB0] =	sst s2  }
0xb: {  	[smem:$0x3FB1] =	sst s3  }
0xc: {  	[smem:$0x3FB2] =	sst s4  }
0xd: {  	[smem:$0x3FB3] =	sst s5  }
0xe: {  	[smem:$0x3FB4] =	sst s6  }
0xf: {  	[smem:$0x3FB5] =	sst s7  }
0x10: {  	[smem:$0x3FB6] =	sst s8  }
0x11: {  	[smem:$0x3FB7] =	sst s9;
	s0 =	simm.s32 @!p0 $0x0  }
0x12: {  	s1 =	sld [smem:$0x3F9D];
	s0 =	simm.s32 @p0 $0x1  }
0x13: {  	[smem:$0x3FB8] =	sst s0;
	s0 =	simm.s32 @!p1 $0x0  }
0x14: {  	s2 =	sld [smem:$0x3F9C];
	s0 =	simm.s32 @p1 $0x1  }
0x15: {  	[smem:$0x3FB9] =	sst s0;
	s0 =	simm.s32 @!p2 $0x0  }
0x16: {  	s3 =	sld [smem:$0x3FDB];
	s0 =	simm.s32 @p2 $0x1  }
0x17: {  	s4 =	simm.s32 $0x1BF5;
	[smem:$0x3FBB] =	sst s0  }
0x18: {  	s0 =	sld [smem:$0x3F9E];
	_ =	swait.ge [sflag:s4], $0x0  }
0x19: {  	s7 =	sld [smem:$0x3F9F]  }
0x1a: {  	s8 =	sadd.s32 $0xFFFFE003, lr  }
0x1b: {  	s9 =	sadd.s32 $0xFFFFFEF7, lr;
	s5 =	simm.s32 $0xFFFFFFFF;
	p2 =	slt.u32 s8, $0xFFFFF086  }
0x1c: {  	p1 =	slt.u32 s9, $0xF7A;
	s5 =	simm.s32 @!p2 $0x0  }
0x1d: {  	s5 =	simm.s32 @p1 $0x1;
	p0 =	seq.s32 s7, s2  }
0x1e: {  	s7 =	smul.u32 @!p0 $0xF7A, s2;
	p2 =	seq.s32 @!p0 s5, $0x0  }
0x1f: {  	s9 =	smul.u32 $0xF7A, s1;
	s8 =	simm.s32 @!p0 $0x1BF5;
	p2 =	por !p2, p0  }
0x20: {  	[sflag:s8] =	ssyncset.s32 @!p0 $0xFFFFF086;
	s6 =	sadd.s32 @!p0 s3, s7;
	s7 =	simm.s32 @!p0 $0x108  }
0x21: {  	s3 =	sadd.s32 s3, s9;
	s6 =	sadd.s32 @!p0 $0x88, s6;
	s7 =	simm.s32 @p2 $0x1082  }
0x22: {  	[simem:s7], [sflag:s8] =	dma.local @!p0 [hbm:s6], $0xF7A  }
0x23: {  	s9 =	sor.u32 $0xD0000000, s2;
	s6 =	simm.s32 $0x108;
	_ =	swait.ge @!p0 [sflag:s8], $0x0  }
0x24: {  	s3 =	sadd.s32 $0x88, s3;
	s6 =	simm.s32 @!p1 $0x1082;
	[sflag:s4] =	ssyncset.s32 $0xFFFFF086  }
0x25: {  	[simem:s6], [sflag:s4] =	dma.local [hbm:s3], $0xF7A  }
0x26: {  	[smem:$0x3F9F] =	sst s1;
	(tag) =	ssettag s2;
	_ =	strace s9  }
0x27: {  	s1 =	sld [smem:$0x3FAF]  }
0x28: {  	s2 =	sld [smem:$0x3FB0]  }
0x29: {  	s4 =	sld [smem:$0x3FB2]  }
0x2a: {  	p0 =	seq.s32 s5, $0x0;
	s5 =	sld [smem:$0x3FB3]  }
0x2b: {  	s6 =	sld [smem:$0x3FB4]  }
0x2c: {  	s7 =	sld [smem:$0x3FB5]  }
0x2d: {  	s3 =	simm.s32 $0x108;
	s8 =	sld [smem:$0x3FB6]  }
0x2e: {  	s3 =	simm.s32 @!p0 $0x1082;
	s9 =	sld [smem:$0x3FB7]  }
0x2f: {  	lr =	sadd.s32 s0, s3;
	s0 =	sld [smem:$0x3FAE]  }
0x30: {  	s3 =	sld [smem:$0x3FB1]  }
0x31: {  	[smem:$0x3FBA] =	sst s10  }
0x32: {  	s10 =	sld [smem:$0x3FB8];
	_ =	sdelay $0x3  }
0x33: {  	p0 =	seq.s32 s10, $0x1;
	s10 =	sld [smem:$0x3FBA];
	_ =	sdelay $0x3  }
0x34: {  	[smem:$0x3FBA] =	sst s10  }
0x35: {  	s10 =	sld [smem:$0x3FB9];
	_ =	sdelay $0x3  }
0x36: {  	p1 =	seq.s32 s10, $0x1;
	s10 =	sld [smem:$0x3FBA];
	_ =	sdelay $0x3  }
0x37: {  	[smem:$0x3FBA] =	sst s10  }
0x38: {  	s10 =	sld [smem:$0x3FBB]  }
0x39: {  	_ = 	snop;
	(pc) =	sbr.ind lr, $3  }
0x3a: {  	_ = 	snop  }
0x3b: {  	_ = 	snop  }
0x3c: {  	p2 =	seq.s32 s10, $0x1;
	s10 =	sld [smem:$0x3FBA]  }
0x3d: {  	_ =	shalt  }
0x3e: {  	_ =	shalt  }
0x3f: {  	_ =	shalt  }
0x40: {  	_ =	shalt  }
0x41: {  	_ =	shalt  }
0x42: {  	_ =	shalt  }
0x43: {  	_ =	shalt  }
0x44: {  	_ =	shalt  }
0x45: {  	_ =	shalt  }
0x46: {  	_ =	shalt  }
0x47: {  	_ =	shalt  }
0x48: {  	_ =	shalt  }
0x49: {  	_ =	shalt  }
0x4a: {  	_ =	shalt  }
0x4b: {  	_ =	shalt  }
0x4c: {  	_ =	shalt  }
0x4d: {  	_ =	shalt  }
0x4e: {  	_ =	shalt  }
0x4f: {  	_ =	shalt  }
0x50: {  	_ =	shalt  }
0x51: {  	_ =	shalt  }
0x52: {  	_ =	shalt  }
0x53: {  	_ =	shalt  }
0x54: {  	_ =	shalt  }
0x55: {  	_ =	shalt  }
0x56: {  	_ =	shalt  }
0x57: {  	_ =	shalt  }
0x58: {  	_ =	shalt  }
0x59: {  	_ =	shalt  }
0x5a: {  	_ =	shalt  }
0x5b: {  	_ =	shalt  }
0x5c: {  	_ =	shalt  }
0x5d: {  	_ =	shalt  }
0x5e: {  	_ =	shalt  }
0x5f: {  	_ =	shalt  }
0x60: {  	_ =	shalt  }
0x61: {  	_ =	shalt  }
0x62: {  	_ =	shalt  }
0x63: {  	_ =	shalt  }
0x64: {  	_ =	shalt  }
0x65: {  	_ =	shalt  }
0x66: {  	_ =	shalt  }
0x67: {  	_ =	shalt  }
0x68: {  	_ =	shalt  }
0x69: {  	_ =	shalt  }
0x6a: {  	_ =	shalt  }
0x6b: {  	_ =	shalt  }
0x6c: {  	_ =	shalt  }
0x6d: {  	_ =	shalt  }
0x6e: {  	_ =	shalt  }
0x6f: {  	_ =	shalt  }
0x70: {  	_ =	shalt  }
0x71: {  	_ =	shalt  }
0x72: {  	_ =	shalt  }
0x73: {  	_ =	shalt  }
0x74: {  	_ =	shalt  }
0x75: {  	_ =	shalt  }
0x76: {  	_ =	shalt  }
0x77: {  	_ =	shalt  }
0x78: {  	_ =	shalt  }
0x79: {  	_ =	shalt  }
0x7a: {  	_ =	shalt  }
0x7b: {  	_ =	shalt  }
0x7c: {  	_ =	shalt  }
0x7d: {  	_ =	shalt  }
0x7e: {  	_ =	shalt  }
0x7f: {  	_ =	shalt  }
0x80: {  	_ =	shalt  }
0x81: {  	_ =	shalt  }
0x82: {  	_ =	shalt  }
0x83: {  	_ =	shalt  }
0x84: {  	_ =	shalt  }
0x85: {  	_ =	shalt  }
0x86: {  	_ =	shalt  }
0x87: {  	_ =	shalt  }
.Lfunc_end0:
.L_simem_size_0:
called_computation_lowered:
.L_overlay_start_0:
0x88: {  	s2 =	sld [smem:$0x3FD9]  }
0x89: {  	s3 =	sld [smem:$0x3FFE];
	_ =	sdelay $0x1  }
0x8a: {  	s1 =	srdreg.scid  }
0x8b: {  	s0 =	sand.u32 $0x1, s1  }
0x8c: {  	s17 =	sshll.u32 s0, $0xA;
	s2 =	sadd.s32 s3, s2  }
0x8d: {  	s2 =	sadd.s32 s2, s17  }
0x8e: {  	[smem:$0x3FC6] =	sst s2  }
0x8f: {  	_ = 	snop  }
0x90: {  	s2 =	sld [smem:$0x3FC8]  }
0x91: {  	s18 =	sld [smem:$0x3FD0];
	(tm) =	ssettm $0x1  }
0x92: {  	s4 =	sld [smem:$0x3FFB];
	_ =	sdelay $0x3  }
0x93: {  	_ =	strace s4  }
0x94: {  	s4 =	sld [smem:$0x3FFC];
	_ =	sdelay $0x3  }
0x95: {  	_ =	strace s4  }
0x96: {  	s4 =	sld [smem:$0x3FFD];
	_ =	sdelay $0x3  }
0x97: {  	_ =	strace s4  }
0x98: {  	_ =	strace $0x8FFFFFFF  }
0x99: {  	s19 =	sld [smem:$0x3FDB];
	_ =	sdelay $0x1  }
0x9a: {  	s5 =	simm.s32 $_scs_section_size  }
0x9b: {  	s6 =	simm.s32 $_size__tile_overlayer_lowered;
	s7 =	simm.s32 $_tile_overlayer_lowered  }
0x9c: {  	s22 =	simm.s32 $0x1BFF;
	s21 =	sshll.u32 s7, $0x1;
	s4 =	sadd.s32 s5, s19  }
0x9d: {  	s8 =	simm.s32 $0x0;
	s20 =	sshll.u32 s6, $0x1;
	s6 =	sadd.s32 s21, s4  }
0x9e: {  	[timem:s8], [sflag:s22] =	dma.local [hbm:s6], s20  }
0x9f: {  	_ =	swait.ge [sflag:s22], s20  }
0xa0: {  	s5 =	ssub.s32 $0x0, s20;
	[sflag:s22] =	ssyncset.done $0x0  }
0xa1: {  	[sflag:s22] =	ssyncadd.s32 s5;
	_ =	sdelay $0x1  }
0xa2: {  	s23 =	simm.s32 $0x1B8B  }
0xa3: {  	_ =	swait.ge [sflag:s23], $0x1  }
0xa4: {  	[sflag:s23] =	ssyncset.done $0x0  }
0xa5: {  	s25 =	simm.s32 $0x1B8E;
	s24 =	sld [smem:$0x3FFE];
	[sflag:s23] =	ssyncadd.s32 $0xFFFFFFFF  }
0xa6: {  	s26 =	simm.s32 $execute0_lowered;
	[smem:$0x3FD2] =	sst s25  }
0xa7: {  	s6 =	sshll.u32 s26, $0x1;
	_ =	strace $0x80000046;
	[dreg:$0x1] =	wrdreg $0xFFFFFFFF  }
0xa8: {  	s28 =	simm.s32 $_size_execute0_lowered;
	s4 =	sadd.s32 s4, s6;
	[dreg:$0x0] =	wrdreg $0x0  }
0xa9: {  	s6 =	sshll.u32 s28, $0x1;
	[dreg:$0x2] =	wrdreg s4  }
0xaa: {  	[dreg:$0x3] =	wrdreg s6  }
0xab: {  	[dreg:$0x4] =	wrdreg $0xC0  }
0xac: {  	_ =	task [dreg:s8], $0x5FFFF  }
0xad: {  	[dreg:$0x1] =	wrdreg $0xFFFFFFFF  }
0xae: {  	[dreg:$0x0] =	wrdreg $0x60  }
0xaf: {  	[dreg:$0x2] =	wrdreg s2  }
0xb0: {  	[dreg:$0x3] =	wrdreg s18  }
0xb1: {  	[dreg:$0x4] =	wrdreg s24  }
0xb2: {  	[dreg:$0x5] =	wrdreg $0x9  }
0xb3: {  	_ =	task.clear_ibuf [dreg:s8], $0x6FFFF;
	_ =	strace $0x90000046  }
0xb4: {  	s29 =	simm.s32 $0x9;
	_ =	strace $0x80000048  }
0xb5: {  	_ =	swait.ge [sflag:s29], $0x1  }
0xb6: {  	[sflag:s29] =	ssyncadd.s32 $0xFFFFFFFF  }
0xb7: {  	_ =	strace $0x90000048  }
0xb8: {  	_ =	sfence  }
0xb9: {  	s30 =	sld [smem:$0x0];
	_ =	sdelay $0x2  }
0xba: {  	s31 =	sshll.u32 s1, $0xD;
	s1 =	sshrl.u32 s1, $0x2  }
0xbb: {  	s3 =	sand.u32 $0x4000, s31;
	s1 =	sadd.s32 s1, s30  }
0xbc: {  	s0 =	sor.u32 s3, s0;
	s1 =	sshll.u32 s1, $0x11  }
0xbd: {  	s0 =	sor.u32 s1, s0  }
0xbe: {  	s0 =	sadd.s32 $0x8F2B, s0  }
0xbf: {  	[sflag:s0] =	ssyncadd.remote.s32 $0x1  }
0xc0: {  	_ =	sfence.sel $0xFFFF  }
0xc1: {  	[dreg:$0x0] =	wrdreg $0xFFFFFFFF;
	(pc) =	sbr.abs _section_cstart, $3  }
0xc2: {  	[dreg:$0x1] =	wrdreg $0xFFFFFFFF  }
0xc3: {  	_ =	task.clear_ibuf [dreg:s8], $0x2FFFF;
	_ =	strace $0x9FFFFFFF  }
0xc4: {  	(tm) =	ssettm $0x7FFFFFFF  }
0xc5: {  	_ =	shalt  }
tec
execute0_lowered:
.L_overlay_start_1:
0x0: {  	(tag) =	ssettag $0x1  }
0x1: {  	v0 =	vimm.s32 $0xB80;
	vm0 =	vcmask $0x300  }
0x2: {  	vm13 =	vcmask $0x704;
	s7 =	rddreg [dreg:$0x0];
	v0 =	vsel vm0, $0x0, v0  }
0x3: {  	vm14 =	vcmask $0xB08;
	s1 =	rddreg [dreg:$0x1];
	v0 =	vsel vm13, $0x80, v0  }
0x4: {  	vm15 =	vcmask $0xF0C;
	s4 =	rddreg [dreg:$0x2];
	v0 =	vsel vm14, $0x100, v0  }
0x5: {  	vm4 =	vcmask $0x1310;
	vm5 =	vcmask $0x1714;
	s0 =	rddreg [dreg:$0x3];
	v0 =	vsel vm15, $0x180, v0  }
0x6: {  	vm6 =	vcmask $0x1B18;
	vm7 =	vcmask $0x1F1C;
	s5 =	srdreg.scid;
	s2 =	stileid.u32;
	s3 =	simm.s32 $0x0;
	v0 =	vsel vm4, $0x200, v0  }
0x7: {  	vm8 =	vcmask $0x2320;
	vm9 =	vcmask $0x2724;
	s12 =	simm.s32 $0x2000;
	s13 =	simm.s32 $0x2;
	s14 =	simm.s32 $0x1000;
	v0 =	vsel vm5, $0x280, v0  }
0x8: {  	vm10 =	vcmask $0x2B28;
	v1 =	vimm.s32 $0x3B2A1908;
	s15 =	simm.s32 $0x3000;
	s16 =	simm.s32 $0x3;
	s17 =	simm.s32 $0x4;
	v0 =	vsel vm6, $0x300, v0  }
0x9: {  	v2 =	vimm.s32 $0x7F6E5D4C;
	v3 =	vimm.s32 $0x33221100;
	s18 =	simm.s32 $0x0;
	s5 =	sand.u32 $0x1, s5;
	s6 =	sshll.u32 s2, $0x1;
	v0 =	vsel vm7, $0x380, v0  }
0xa: {  	vm11 =	vcmask $0x2F2C;
	v4 =	vimm.s32 $0x77665544;
	s25 =	simm.s32 $0x1E;
	[smem:$0x7FF] =	sst s3;
	s9 =	sor.u32 s5, s6;
	v0 =	vsel vm8, $0x800, v0  }
0xb: {  	vm12 =	vcmask $0x3330;
	v1 =	vunpack.c.0.s8.s32 v1;
	_ =	strace $0x80000047;
	s8 =	ssub.s32 $0x2, s5;
	s6 =	sshll.u32 s9, $0x9;
	v0 =	vsel vm9, $0x880, v0  }
.Ltmp0:
0xc: {  	v2 =	vunpack.c.0.s8.s32 v2;
	v3 =	vunpack.c.0.s8.s32 v3;
	s31 =	sshrl.u32 s8, $0x1;
	s10 =	ssub.s32 $0xA217, s9;
	v0 =	vsel vm10, $0x900, v0;
	(pc) =	sbr.rel .LBB2_1-.Ltmp0, $4  }
0xd: {  	v4 =	vunpack.c.0.s8.s32 v4;
	s11 =	sshll.u32 s9, $0x8;
	p0 =	sne.s32 s9, $0x0;
	s9 =	simm.s32 $0x800;
	vm14 =	vcmask $0x1F10;
	v0 =	vsel vm11, $0x980, v0  }
0xe: {  	vm13 =	vcmask $0x3734;
	s30 =	sadd.s32 s6, s4;
	s4 =	sadd.s32 $0x143FA00, s4;
	s8 =	ssub.s32 s8, s31;
	v2 =	vsel vm14, v2, v1;
	v0 =	vsel vm12, $0xA00, v0  }
0xf: {  	s6 =	sshrl.u32 s10, $0x5;
	s7 =	sadd.s32 s7, s11;
	s10 =	simm.s32 $0x50FC400;
	v3 =	vsel vm14, v4, v3;
	vm15 =	vcmask $0x3B38;
	v5 =	vsel vm13, $0xA80, v0  }
0x10: {  	s11 =	simm.s32 $0x1;
	s5 =	sadd.s32 $0xA00, s30;
	s8 =	smax.u32 s8, $0x1;
	v2 =	vcombine.low v3, v2;
	v0 =	vlaneseq.u32;
	v1 =	vsel vm15, $0xB00, v5  }
.LBB2_9:
0x11: {  	s18 =	sadd.s32 $0x1, s18  }
0x12: {  	_ =	swait.ge [sflag:s16], $0x1000;
	p1 =	sne.s32 s18, s8  }
.Ltmp1:
0x13: {  	[sflag:s16] =	ssyncset.done $0x0;
	(pc) =	sbr.rel @!p1 .LBB2_10-.Ltmp1, $4  }
0x14: {  	[sflag:s16] =	ssyncadd.s32 $0xFFFFF000  }
0x15: {  	_ =	swait.ge [sflag:s17], $0x1000  }
0x16: {  	[sflag:s17] =	ssyncset.done $0x0  }
0x17: {  	[sflag:s17] =	ssyncadd.s32 $0xFFFFF000  }
.LBB2_1:
0x18: {  	s19 =	simm.s32 @!p0 $0x0;
	s20 =	simm.s32 @!p0 $0x4000;
	s21 =	simm.s32 @!p0 $0x5  }
0x19: {  	[tilespmem:s20], [sflag:$0x5] =	stream.linear.gather @!p0 [hbm4b:s1+s19], $0x80, $0x38;
	[tilespmem:$0x4080] =	vst v63  }
0x1a: {  	_ =	swait.ge @!p0 [sflag:s21], $0x80  }
0x1b: {  	[sflag:s21] =	ssyncset.done @!p0 $0x0  }
0x1c: {  	[sflag:s21] =	ssyncadd.s32 @!p0 $0xFFFFFF80  }
0x1d: {  	[hbm4b:s4+s19] =	stream.linear.scatter @!p0 [tilespmem:s20], [sflag:$0x5], $0x80, $0x38;
	[tilespmem:$0x4080] =	vst v63  }
.Ltmp2:
0x1e: {  	_ = 	snop;
	(pc) =	sbr.rel .LBB2_2-.Ltmp2, $4  }
0x1f: {  	_ =	swait.ge @!p0 [sflag:s21], $0x80  }
0x20: {  	[sflag:s21] =	ssyncset.done @!p0 $0x0  }
0x21: {  	s19 =	simm.s32 $0x0;
	[sflag:s21] =	ssyncadd.s32 @!p0 $0xFFFFFF80  }
0x22: {  	[tilespmem:s3], [sflag:$0x1] =	stream.strided.gather [hbm4b:s7+s9], $0x1000, s10, s9, $0x38;
	[tilespmem:$0x4080] =	vst v63  }
.LBB2_8:
0x23: {  	s19 =	sadd.s32 $0x1, s19  }
0x24: {  	p1 =	sne.s32 s19, $0x288  }
.Ltmp3:
0x25: {  	_ = 	snop;
	(pc) =	sbr.rel @!p1 .LBB2_9-.Ltmp3, $1  }
0x26: {  	_ =	sdelay $0x3  }
.LBB2_2:
0x27: {  	s20 =	simm.s32 $0x0  }
0x28: {  	s30 =	simm.s32 $0xF;
	s31 =	simm.s32 $0xE;
	v50 =	vadd.s32 s25, v0;
	v3 =	vmov s20  }
0x29: {  	s24 =	simm.s32 $0xA;
	v4 =	vor.u32 s20, v0;
	v6 =	vadd.s32 s30, v0;
	v9 =	vadd.s32 s31, v0  }
0x2a: {  	v14 =	vadd.s32 s24, v0;
	v5 =	vand.u32 $0x6F, v4;
	v3 =	vshll.u32 v3, $0x3  }
0x2b: {  	s24 =	simm.s32 $0x1;
	v4 =	vshll.u32 v4, $0x4;
	v10 =	vshll.u32 v9, $0x3;
	v15 =	vshll.u32 v14, $0x4  }
0x2c: {  	v25 =	vadd.s32 s24, v0;
	v3 =	vand.u32 $0x400, v3;
	v4 =	vand.u32 $0xE80, v4  }
0x2d: {  	v3 =	vor.u32 v5, v3;
	v7 =	vor.u32 v2, v4;
	v4 =	vshll.u32 v6, $0x3  }
0x2e: {  	v5 =	vor.u32 v1, v3;
	v3 =	vand.u32 $0x7F, v6;
	v4 =	vand.u32 $0x400, v4  }
0x2f: {  	v15 =	vor.u32 v0, v15;
	v3 =	vor.u32 v4, v3;
	v4 =	vshll.u32 v6, $0x4  }
0x30: {  	v27 =	vshll.u32 v25, $0x4;
	v6 =	vor.u32 v1, v3;
	v8 =	vor.u32 v0, v4  }
0x31: {  	s21 =	simm.s32 $0xD;
	v3 =	vand.u32 $0x7F, v9;
	v4 =	vand.u32 $0x400, v10;
	v9 =	vshll.u32 v9, $0x4  }
0x32: {  	v10 =	vadd.s32 s21, v0;
	v3 =	vor.u32 v4, v3;
	v9 =	vor.u32 v0, v9  }
0x33: {  	s22 =	simm.s32 $0xC;
	v4 =	vshll.u32 v10, $0x3;
	v12 =	vshll.u32 v10, $0x4;
	v10 =	vand.u32 $0x7F, v10  }
0x34: {  	s21 =	simm.s32 $0x4;
	v11 =	vor.u32 v1, v3;
	v3 =	vadd.s32 s22, v0;
	v4 =	vand.u32 $0x400, v4  }
0x35: {  	v20 =	vadd.s32 s21, v0;
	v13 =	vshll.u32 v3, $0x3;
	v4 =	vor.u32 v4, v10  }
0x36: {  	s23 =	simm.s32 $0xB;
	v10 =	vor.u32 v0, v12;
	v12 =	vand.u32 $0x7F, v3;
	v13 =	vand.u32 $0x400, v13  }
0x37: {  	v23 =	vor.u32 v1, v4;
	v4 =	vadd.s32 s23, v0;
	v12 =	vor.u32 v13, v12  }
0x38: {  	v3 =	vshll.u32 v3, $0x4;
	v13 =	vshll.u32 v4, $0x3;
	v24 =	vor.u32 v1, v12  }
0x39: {  	v12 =	vor.u32 v0, v3;
	v3 =	vand.u32 $0x7F, v4;
	v13 =	vand.u32 $0x400, v13  }
0x3a: {  	v21 =	vshll.u32 v20, $0x4;
	v4 =	vshll.u32 v4, $0x4;
	v3 =	vor.u32 v13, v3  }
0x3b: {  	s26 =	simm.s32 $0x9;
	v13 =	vor.u32 v0, v4;
	v4 =	vshll.u32 v14, $0x3;
	v14 =	vand.u32 $0x7F, v14  }
0x3c: {  	s21 =	simm.s32 $0x1F;
	v26 =	vor.u32 v1, v3;
	v3 =	vadd.s32 s26, v0;
	v4 =	vand.u32 $0x400, v4  }
0x3d: {  	v37 =	vadd.s32 s21, v0;
	s26 =	simm.s32 $0x1D;
	v16 =	vshll.u32 v3, $0x3;
	v4 =	vor.u32 v4, v14  }
0x3e: {  	s28 =	simm.s32 $0x8;
	v14 =	vand.u32 $0x7F, v3;
	v3 =	vshll.u32 v3, $0x4;
	v40 =	vadd.s32 s26, v0  }
0x3f: {  	v16 =	vand.u32 $0x400, v16;
	v28 =	vor.u32 v1, v4;
	v4 =	vadd.s32 s28, v0  }
0x40: {  	v17 =	vor.u32 v0, v3;
	v41 =	vshll.u32 v40, $0x3;
	v51 =	vand.u32 $0xFF, v40  }
0x41: {  	v40 =	vand.u32 $0x7F, v40;
	v14 =	vor.u32 v16, v14;
	v16 =	vshll.u32 v4, $0x3  }
0x42: {  	s28 =	simm.s32 $0x1C;
	v3 =	vand.u32 $0x7F, v4;
	v4 =	vshll.u32 v4, $0x4;
	v41 =	vand.u32 $0x400, v41  }
0x43: {  	s29 =	simm.s32 $0x7;
	v42 =	vadd.s32 s28, v0;
	v29 =	vor.u32 v1, v14;
	v14 =	vand.u32 $0x400, v16  }
0x44: {  	v16 =	vadd.s32 s29, v0;
	v40 =	vor.u32 v41, v40;
	v53 =	vand.u32 $0xFF, v42  }
0x45: {  	v43 =	vand.u32 $0x7F, v42;
	v42 =	vshll.u32 v42, $0x3;
	v3 =	vor.u32 v14, v3  }
0x46: {  	s29 =	simm.s32 $0x1B;
	v14 =	vor.u32 v0, v4;
	v4 =	vshll.u32 v16, $0x3;
	v18 =	vshll.u32 v16, $0x4  }
0x47: {  	s30 =	simm.s32 $0x6;
	v16 =	vand.u32 $0x7F, v16;
	v40 =	vor.u32 v1, v40;
	v45 =	vadd.s32 s29, v0  }
0x48: {  	v33 =	vor.u32 v1, v3;
	v3 =	vadd.s32 s30, v0;
	v4 =	vand.u32 $0x400, v4  }
0x49: {  	v19 =	vshll.u32 v3, $0x3;
	v4 =	vor.u32 v4, v16;
	v16 =	vor.u32 v0, v18  }
0x4a: {  	s31 =	simm.s32 $0x5;
	v18 =	vand.u32 $0x7F, v3;
	v3 =	vshll.u32 v3, $0x4;
	v19 =	vand.u32 $0x400, v19  }
0x4b: {  	v31 =	vor.u32 v1, v4;
	v4 =	vadd.s32 s31, v0;
	v18 =	vor.u32 v19, v18  }
0x4c: {  	v19 =	vshll.u32 v4, $0x3;
	v30 =	vor.u32 v1, v18;
	v18 =	vor.u32 v0, v3  }
0x4d: {  	s20 =	sshllo.u32 s19, $0x1;
	v3 =	vand.u32 $0x7F, v4;
	v19 =	vand.u32 $0x400, v19;
	v4 =	vshll.u32 v4, $0x4  }
0x4e: {  	p2 =	sge.u32 s20, s6;
	v3 =	vor.u32 v19, v3;
	v19 =	vor.u32 v0, v4;
	v4 =	vshll.u32 v20, $0x3  }
0x4f: {  	s24 =	simm.s32 @!p2 $0x1000;
	s21 =	sshll.u32 @!p2 s20, $0xD;
	v55 =	vand.u32 $0xFF, v45;
	s30 =	simm.s32 $0x1A;
	v20 =	vand.u32 $0x7F, v20;
	v4 =	vand.u32 $0x400, v4  }
0x50: {  	s22 =	simm.s32 $0x3;
	s21 =	sadd.s32 @!p2 s21, s7;
	s23 =	simm.s32 $0x2;
	v56 =	vadd.s32 s30, v0;
	v32 =	vor.u32 v1, v3;
	v4 =	vor.u32 v4, v20  }
0x51: {  	s31 =	simm.s32 $0x19;
	v3 =	vadd.s32 s22, v0;
	s22 =	simm.s32 @!p2 $0x800;
	v34 =	vor.u32 v1, v4;
	v4 =	vadd.s32 s23, v0;
	s23 =	simm.s32 @!p2 $0x50FC400  }
0x52: {  	v57 =	vand.u32 $0xFF, v56;
	v47 =	vand.u32 $0x7F, v56;
	v58 =	vadd.s32 s31, v0;
	[tilespmem:s24], [sflag:$0x2] =	stream.strided.gather @!p2 [hbm4b:s21+s22], $0x1000, s23, s22, $0x38;
	[tilespmem:$0x4080] =	vst v63  }
0x53: {  	v59 =	vshll.u32 v58, $0x3;
	v60 =	vand.u32 $0x7F, v58;
	v22 =	vshll.u32 v3, $0x3;
	_ =	swait.ge [sflag:s11], $0x1000  }
0x54: {  	p1 =	seq.s32 s19, $0x0;
	v20 =	vor.u32 v0, v21;
	v21 =	vand.u32 $0x7F, v3;
	v22 =	vand.u32 $0x400, v22;
	[sflag:s11] =	ssyncset.done $0x0  }
0x55: {  	v61 =	vand.u32 $0x400, v59;
	v3 =	vshll.u32 v3, $0x4;
	v21 =	vor.u32 v22, v21;
	s21 =	simm.s32 @!p1 $0x3;
	[sflag:s11] =	ssyncadd.s32 $0xFFFFF000  }
0x56: {  	v22 =	vshll.u32 v4, $0x3;
	v35 =	vor.u32 v1, v21;
	v21 =	vor.u32 v0, v3;
	_ =	swait.ge @!p1 [sflag:s21], $0x1000  }
0x57: {  	v3 =	vand.u32 $0x7F, v4;
	v22 =	vand.u32 $0x400, v22;
	v4 =	vshll.u32 v4, $0x4;
	[sflag:s21] =	ssyncset.done @!p1 $0x0  }
0x58: {  	v3 =	vor.u32 v22, v3;
	v22 =	vor.u32 v0, v4;
	v4 =	vshll.u32 v25, $0x3;
	[sflag:s21] =	ssyncadd.s32 @!p1 $0xFFFFF000  }
0x59: {  	v36 =	vor.u32 v1, v3;
	v3 =	vand.u32 $0x7F, v25;
	v4 =	vand.u32 $0x400, v4;
	v44 =	vld.idx.msk [tilespmem:v5+s3+$0x0], $0xffff  }
0x5a: {  	v25 =	vor.u32 v0, v27;
	v3 =	vor.u32 v4, v3;
	v4 =	vshll.u32 v37, $0x3;
	v54 =	vld.idx.msk [tilespmem:v6+s3+$0x0], $0xffff  }
0x5b: {  	v27 =	vand.u32 $0xFF, v37;
	v37 =	vand.u32 $0x7F, v37;
	v4 =	vand.u32 $0x400, v4;
	v11 =	vld.idx.msk [tilespmem:v11+s3+$0x0], $0xffff  }
0x5c: {  	v38 =	vor.u32 v1, v3;
	v3 =	vor.u32 v4, v37;
	v4 =	vshll.u32 v27, $0x4;
	v23 =	vld.idx.msk [tilespmem:v23+s3+$0x0], $0xffff  }
0x5d: {  	v37 =	vshll.u32 v50, $0x3;
	v39 =	vor.u32 v1, v3;
	v27 =	vor.u32 v0, v4;
	v24 =	vld.idx.msk [tilespmem:v24+s3+$0x0], $0xffff  }
0x5e: {  	v3 =	vand.u32 $0xFF, v50;
	v4 =	vand.u32 $0x7F, v50;
	v37 =	vand.u32 $0x400, v37;
	v26 =	vld.idx.msk [tilespmem:v26+s3+$0x0], $0xffff  }
0x5f: {  	v5 =	vand.u32 $0x400, v42;
	v6 =	vshll.u32 v45, $0x3;
	v45 =	vand.u32 $0x7F, v45;
	v29 =	vld.idx.msk [tilespmem:v29+s3+$0x0], $0xffff  }
0x60: {  	v33 =	vld.idx.msk [tilespmem:v33+s3+$0x0], $0xffff;
	v3 =	vshll.u32 v3, $0x4;
	v4 =	vor.u32 v37, v4;
	v37 =	vshll.u32 v51, $0x4  }
0x61: {  	v43 =	vor.u32 v5, v43;
	v6 =	vand.u32 $0x400, v6;
	v3 =	vor.u32 v0, v3;
	[tilespmem:v7+s12+$0x0] =	vst.idx.msk $0xffff, v44  }
0x62: {  	v52 =	vor.u32 v1, v4;
	v4 =	vor.u32 v0, v37;
	v37 =	vshll.u32 v53, $0x4;
	[tilespmem:v8+s12+$0x0] =	vst.idx.msk $0xffff, v54  }
0x63: {  	v6 =	vor.u32 v6, v45;
	v43 =	vor.u32 v1, v43;
	v45 =	vshll.u32 v56, $0x3;
	[tilespmem:v9+s12+$0x0] =	vst.idx.msk $0xffff, v11  }
0x64: {  	v5 =	vor.u32 v0, v37;
	v37 =	vshll.u32 v55, $0x4;
	v46 =	vor.u32 v1, v6;
	[tilespmem:v10+s12+$0x0] =	vst.idx.msk $0xffff, v23  }
0x65: {  	s22 =	simm.s32 $0x18;
	v28 =	vld.idx.msk [tilespmem:v28+s3+$0x0], $0xffff;
	v6 =	vor.u32 v0, v37;
	v37 =	vshll.u32 v57, $0x4;
	v7 =	vand.u32 $0x400, v45;
	[tilespmem:v13+s12+$0x0] =	vst.idx.msk $0xffff, v26  }
0x66: {  	s26 =	simm.s32 $0x15;
	s23 =	simm.s32 $0x17;
	s24 =	simm.s32 $0x16;
	v8 =	vand.u32 $0xFF, v58;
	v9 =	vor.u32 v61, v60;
	v10 =	vadd.s32 s22, v0;
	[tilespmem:v17+s12+$0x0] =	vst.idx.msk $0xffff, v29  }
0x67: {  	v13 =	vadd.s32 s23, v0;
	v29 =	vadd.s32 s24, v0;
	[tilespmem:v14+s12+$0x0] =	vst.idx.msk $0xffff, v33;
	v14 =	vadd.s32 s26, v0  }
0x68: {  	v45 =	vor.u32 v7, v47;
	v7 =	vor.u32 v0, v37;
	v8 =	vshll.u32 v8, $0x4  }
0x69: {  	[tilespmem:v12+s12+$0x0] =	vst.idx.msk $0xffff, v24;
	v12 =	vld.idx.msk [tilespmem:v31+s3+$0x0], $0xffff;
	v11 =	vor.u32 v1, v9;
	v9 =	vand.u32 $0xFF, v10;
	v23 =	vand.u32 $0x7F, v10  }
0x6a: {  	v24 =	vld.idx.msk [tilespmem:v30+s3+$0x0], $0xffff;
	[tilespmem:v15+s12+$0x0] =	vst.idx.msk $0xffff, v28;
	v10 =	vshll.u32 v10, $0x3;
	v15 =	vshll.u32 v13, $0x3;
	v30 =	vand.u32 $0xFF, v29  }
0x6b: {  	v63 =	vld.idx.msk [tilespmem:v38+s3+$0x0], $0xffff;
	v31 =	vand.u32 $0x7F, v29;
	v29 =	vshll.u32 v29, $0x3;
	v62 =	vor.u32 v1, v45  }
0x6c: {  	v17 =	vld.idx.msk [tilespmem:v32+s3+$0x0], $0xffff;
	v10 =	vand.u32 $0x400, v10;
	v9 =	vshll.u32 v9, $0x4;
	v15 =	vand.u32 $0x400, v15  }
0x6d: {  	v26 =	vld.idx.msk [tilespmem:v34+s3+$0x0], $0xffff;
	v10 =	vor.u32 v10, v23;
	v23 =	vand.u32 $0xFF, v13;
	v13 =	vand.u32 $0x7F, v13  }
0x6e: {  	v28 =	vld.idx.msk [tilespmem:v35+s3+$0x0], $0xffff;
	v8 =	vor.u32 v0, v8;
	v9 =	vor.u32 v0, v9;
	v13 =	vor.u32 v15, v13  }
0x6f: {  	v23 =	vshll.u32 v23, $0x4;
	v15 =	vor.u32 v1, v10;
	v13 =	vor.u32 v1, v13;
	[tilespmem:v16+s12+$0x0] =	vst.idx.msk $0xffff, v12  }
0x70: {  	v10 =	vor.u32 v0, v23;
	v12 =	vand.u32 $0x400, v29;
	v16 =	vshll.u32 v30, $0x4;
	[tilespmem:v18+s12+$0x0] =	vst.idx.msk $0xffff, v24  }
0x71: {  	s28 =	simm.s32 $0x14;
	v23 =	vld.idx.msk [tilespmem:v36+s3+$0x0], $0xffff;
	v18 =	vshll.u32 v14, $0x3;
	[tilespmem:v19+s12+$0x0] =	vst.idx.msk $0xffff, v17;
	v17 =	vand.u32 $0x7F, v14;
	v24 =	vor.u32 v12, v31  }
0x72: {  	s30 =	simm.s32 $0x13;
	[tilespmem:v25+s12+$0x0] =	vst.idx.msk $0xffff, v63;
	v29 =	vld.idx.msk [tilespmem:v39+s3+$0x0], $0xffff;
	v12 =	vor.u32 v0, v16;
	v16 =	vadd.s32 s28, v0;
	v18 =	vand.u32 $0x400, v18  }
0x73: {  	[tilespmem:v21+s12+$0x0] =	vst.idx.msk $0xffff, v28;
	v21 =	vadd.s32 s30, v0;
	v19 =	vshll.u32 v16, $0x3;
	v17 =	vor.u32 v18, v17  }
0x74: {  	s29 =	simm.s32 $0x12;
	[tilespmem:v20+s12+$0x0] =	vst.idx.msk $0xffff, v26;
	v18 =	vor.u32 v1, v24;
	v24 =	vand.u32 $0x7F, v16;
	v19 =	vand.u32 $0x400, v19  }
0x75: {  	v26 =	vld.idx.msk [tilespmem:v52+s3+$0x0], $0xffff;
	v20 =	vor.u32 v1, v17;
	v17 =	vadd.s32 s29, v0;
	v19 =	vor.u32 v19, v24  }
0x76: {  	v28 =	vld.idx.msk [tilespmem:v40+s3+$0x0], $0xffff;
	v24 =	vshll.u32 v21, $0x3;
	v30 =	vand.u32 $0x7F, v17;
	[tilespmem:v22+s12+$0x0] =	vst.idx.msk $0xffff, v23;
	v22 =	vshll.u32 v17, $0x3  }
0x77: {  	v25 =	vld.idx.msk [tilespmem:v43+s3+$0x0], $0xffff;
	v23 =	vand.u32 $0x7F, v21;
	v24 =	vand.u32 $0x400, v24;
	[tilespmem:v27+s12+$0x0] =	vst.idx.msk $0xffff, v29;
	v22 =	vand.u32 $0x400, v22  }
0x78: {  	s31 =	simm.s32 $0x11;
	v27 =	vld.idx.msk [tilespmem:v46+s3+$0x0], $0xffff;
	v24 =	vor.u32 v24, v23;
	v23 =	vor.u32 v1, v19;
	v29 =	vor.u32 v22, v30  }
0x79: {  	s21 =	sshll.u32 s19, $0x1;
	s23 =	simm.s32 $0x10;
	s22 =	simm.s32 $0x20;
	v22 =	vadd.s32 s31, v0;
	v24 =	vor.u32 v1, v24;
	v19 =	vor.u32 v1, v29;
	v29 =	vld.idx.msk [tilespmem:v62+s3+$0x0], $0xffff  }
.LBB2_3:
0x7a: {  	p3 =	slt.u32 s22, $0xE0;
	v30 =	vmov s23;
	v31 =	vand.u32 $0x7F, v22;
	v32 =	vshll.u32 v22, $0x3;
	v11 =	vld.idx.msk [tilespmem:v11+s3+$0x0], $0xffff;
	[tilespmem:v3+s12+$0x0] =	vst.idx.msk $0xffff, v26  }
0x7b: {  	v3 =	vor.u32 s23, v0;
	v26 =	vshll.u32 v30, $0x3;
	v30 =	vand.u32 $0x400, v32;
	v15 =	vld.idx.msk [tilespmem:v15+s3+$0x0], $0xffff;
	[tilespmem:v4+s12+$0x0] =	vst.idx.msk $0xffff, v28  }
0x7c: {  	v4 =	vand.u32 $0x7F, v3;
	v26 =	vand.u32 $0x400, v26;
	v28 =	vor.u32 v30, v31;
	v13 =	vld.idx.msk [tilespmem:v13+s3+$0x0], $0xffff;
	[tilespmem:v5+s12+$0x0] =	vst.idx.msk $0xffff, v25  }
0x7d: {  	v14 =	vand.u32 $0xFF, v14;
	v4 =	vor.u32 v4, v26;
	v5 =	vor.u32 v1, v28;
	v18 =	vld.idx.msk [tilespmem:v18+s3+$0x0], $0xffff  }
0x7e: {  	v16 =	vand.u32 $0xFF, v16;
	v14 =	vshll.u32 v14, $0x4;
	v4 =	vor.u32 v1, v4;
	v20 =	vld.idx.msk [tilespmem:v20+s3+$0x0], $0xffff;
	[tilespmem:v6+s12+$0x0] =	vst.idx.msk $0xffff, v27  }
0x7f: {  	v16 =	vshll.u32 v16, $0x4;
	v14 =	vor.u32 v0, v14;
	v6 =	vand.u32 $0xFF, v21;
	v21 =	vld.idx.msk [tilespmem:v23+s3+$0x0], $0xffff;
	[tilespmem:v7+s12+$0x0] =	vst.idx.msk $0xffff, v29  }
0x80: {  	v16 =	vor.u32 v0, v16;
	v7 =	vand.u32 $0xFF, v17;
	v6 =	vshll.u32 v6, $0x4;
	v17 =	vld.idx.msk [tilespmem:v24+s3+$0x0], $0xffff;
	[tilespmem:v8+s12+$0x0] =	vst.idx.msk $0xffff, v11  }
0x81: {  	v8 =	vand.u32 $0xFF, v22;
	v7 =	vshll.u32 v7, $0x4;
	v6 =	vor.u32 v0, v6;
	v11 =	vld.idx.msk [tilespmem:v19+s3+$0x0], $0xffff;
	[tilespmem:v9+s12+$0x0] =	vst.idx.msk $0xffff, v15  }
0x82: {  	v9 =	vld.idx.msk [tilespmem:v5+s3+$0x0], $0xffff;
	v5 =	vshll.u32 v8, $0x4;
	v8 =	vor.u32 v0, v7;
	[tilespmem:v10+s12+$0x0] =	vst.idx.msk $0xffff, v13  }
0x83: {  	v3 =	vshll.u32 v3, $0x4;
	v4 =	vld.idx.msk [tilespmem:v4+s3+$0x0], $0xffff;
	v10 =	vor.u32 v0, v5;
	[tilespmem:v12+s12+$0x0] =	vst.idx.msk $0xffff, v18  }
0x84: {  	v3 =	vor.u32 v0, v3;
	v7 =	vor.u32 s22, v0;
	v5 =	vmov s22;
	[tilespmem:v14+s12+$0x0] =	vst.idx.msk $0xffff, v20  }
0x85: {  	s23 =	sadd.s32 $0xF, s22;
	v12 =	vand.u32 $0x6F, v7;
	v7 =	vshll.u32 v7, $0x4;
	v5 =	vshll.u32 v5, $0x3;
	[tilespmem:v16+s12+$0x0] =	vst.idx.msk $0xffff, v21  }
0x86: {  	v13 =	vadd.s32 s23, v0;
	v7 =	vand.u32 $0xE80, v7;
	v5 =	vand.u32 $0x400, v5;
	[tilespmem:v6+s12+$0x0] =	vst.idx.msk $0xffff, v17  }
0x87: {  	v7 =	vor.u32 v2, v7;
	v5 =	vor.u32 v12, v5;
	v6 =	vshll.u32 v13, $0x3;
	[tilespmem:v8+s12+$0x0] =	vst.idx.msk $0xffff, v11  }
0x88: {  	s23 =	sadd.s32 $0xE, s22;
	v5 =	vor.u32 v1, v5;
	v8 =	vand.u32 $0x7F, v13;
	v6 =	vand.u32 $0x400, v6;
	[tilespmem:v10+s12+$0x0] =	vst.idx.msk $0xffff, v9  }
0x89: {  	v10 =	vadd.s32 s23, v0;
	v6 =	vor.u32 v6, v8;
	v8 =	vshll.u32 v13, $0x4;
	[tilespmem:v3+s12+$0x0] =	vst.idx.msk $0xffff, v4  }
0x8a: {  	v3 =	vshll.u32 v10, $0x3;
	v6 =	vor.u32 v1, v6;
	v9 =	vor.u32 v0, v8  }
0x8b: {  	s23 =	sadd.s32 $0xD, s22;
	v4 =	vand.u32 $0x7F, v10;
	v8 =	vshll.u32 v10, $0x4;
	v3 =	vand.u32 $0x400, v3  }
0x8c: {  	v10 =	vadd.s32 s23, v0;
	v8 =	vor.u32 v0, v8;
	v3 =	vor.u32 v3, v4  }
0x8d: {  	s23 =	sadd.s32 $0xC, s22;
	v11 =	vshll.u32 v10, $0x4;
	v4 =	vshll.u32 v10, $0x3;
	v19 =	vor.u32 v1, v3  }
0x8e: {  	v10 =	vand.u32 $0x7F, v10;
	v3 =	vadd.s32 s23, v0;
	v4 =	vand.u32 $0x400, v4  }
0x8f: {  	v12 =	vshll.u32 v3, $0x3;
	v4 =	vor.u32 v4, v10;
	v10 =	vor.u32 v0, v11  }
0x90: {  	s23 =	sadd.s32 $0xB, s22;
	v11 =	vand.u32 $0x7F, v3;
	v12 =	vand.u32 $0x400, v12;
	v21 =	vor.u32 v1, v4  }
0x91: {  	v3 =	vshll.u32 v3, $0x4;
	v4 =	vadd.s32 s23, v0;
	v11 =	vor.u32 v12, v11  }
0x92: {  	v12 =	vshll.u32 v4, $0x3;
	v22 =	vor.u32 v1, v11;
	v11 =	vor.u32 v0, v3  }
0x93: {  	s23 =	sadd.s32 $0xA, s22;
	v3 =	vand.u32 $0x7F, v4;
	v12 =	vand.u32 $0x400, v12;
	v4 =	vshll.u32 v4, $0x4  }
0x94: {  	v13 =	vadd.s32 s23, v0;
	v3 =	vor.u32 v12, v3;
	v12 =	vor.u32 v0, v4  }
0x95: {  	s23 =	sadd.s32 $0x9, s22;
	v14 =	vshll.u32 v13, $0x4;
	v4 =	vshll.u32 v13, $0x3;
	v26 =	vor.u32 v1, v3  }
0x96: {  	v13 =	vand.u32 $0x7F, v13;
	v3 =	vadd.s32 s23, v0;
	v4 =	vand.u32 $0x400, v4  }
0x97: {  	v15 =	vshll.u32 v3, $0x3;
	v4 =	vor.u32 v4, v13;
	v13 =	vor.u32 v0, v14  }
0x98: {  	s23 =	sadd.s32 $0x8, s22;
	v14 =	vand.u32 $0x7F, v3;
	v15 =	vand.u32 $0x400, v15;
	v28 =	vor.u32 v1, v4  }
0x99: {  	v3 =	vshll.u32 v3, $0x4;
	v4 =	vadd.s32 s23, v0;
	v14 =	vor.u32 v15, v14  }
0x9a: {  	v16 =	vshll.u32 v4, $0x3;
	v15 =	vor.u32 v0, v3;
	v29 =	vor.u32 v1, v14  }
0x9b: {  	s23 =	sadd.s32 $0x7, s22;
	v3 =	vand.u32 $0x7F, v4;
	v4 =	vshll.u32 v4, $0x4;
	v14 =	vand.u32 $0x400, v16  }
0x9c: {  	v16 =	vadd.s32 s23, v0;
	v17 =	vor.u32 v0, v4;
	v3 =	vor.u32 v14, v3  }
0x9d: {  	s23 =	sadd.s32 $0x6, s22;
	v4 =	vshll.u32 v16, $0x3;
	v14 =	vshll.u32 v16, $0x4;
	v33 =	vor.u32 v1, v3  }
0x9e: {  	v16 =	vand.u32 $0x7F, v16;
	v3 =	vadd.s32 s23, v0;
	v4 =	vand.u32 $0x400, v4  }
0x9f: {  	v14 =	vor.u32 v0, v14;
	v18 =	vshll.u32 v3, $0x3;
	v4 =	vor.u32 v4, v16  }
0xa0: {  	s23 =	sadd.s32 $0x5, s22;
	v16 =	vand.u32 $0x7F, v3;
	v18 =	vand.u32 $0x400, v18;
	v31 =	vor.u32 v1, v4  }
0xa1: {  	v3 =	vshll.u32 v3, $0x4;
	v4 =	vadd.s32 s23, v0;
	v16 =	vor.u32 v18, v16  }
0xa2: {  	v20 =	vshll.u32 v4, $0x3;
	v18 =	vor.u32 v0, v3;
	v30 =	vor.u32 v1, v16  }
0xa3: {  	s23 =	sadd.s32 $0x4, s22;
	v3 =	vand.u32 $0x7F, v4;
	v4 =	vshll.u32 v4, $0x4;
	v16 =	vand.u32 $0x400, v20  }
0xa4: {  	v20 =	vadd.s32 s23, v0;
	v3 =	vor.u32 v16, v3;
	v16 =	vor.u32 v0, v4  }
0xa5: {  	s23 =	sadd.s32 $0x3, s22;
	v4 =	vshll.u32 v20, $0x3;
	v23 =	vshll.u32 v20, $0x4;
	v32 =	vor.u32 v1, v3  }
0xa6: {  	v20 =	vand.u32 $0x7F, v20;
	v3 =	vadd.s32 s23, v0;
	v4 =	vand.u32 $0x400, v4  }
0xa7: {  	v24 =	vshll.u32 v3, $0x3;
	v4 =	vor.u32 v4, v20;
	v20 =	vor.u32 v0, v23  }
0xa8: {  	s23 =	sadd.s32 $0x2, s22;
	v23 =	vand.u32 $0x7F, v3;
	v24 =	vand.u32 $0x400, v24;
	v34 =	vor.u32 v1, v4  }
0xa9: {  	v3 =	vshll.u32 v3, $0x4;
	v4 =	vadd.s32 s23, v0;
	v23 =	vor.u32 v24, v23  }
0xaa: {  	v24 =	vshll.u32 v4, $0x3;
	v35 =	vor.u32 v1, v23;
	v23 =	vor.u32 v0, v3  }
0xab: {  	s23 =	sadd.s32 $0x1, s22;
	v3 =	vand.u32 $0x7F, v4;
	v24 =	vand.u32 $0x400, v24;
	v4 =	vshll.u32 v4, $0x4  }
0xac: {  	v25 =	vadd.s32 s23, v0;
	v3 =	vor.u32 v24, v3;
	v24 =	vor.u32 v0, v4  }
0xad: {  	s23 =	sadd.s32 $0x1F, s22;
	v27 =	vshll.u32 v25, $0x4;
	v4 =	vshll.u32 v25, $0x3;
	v36 =	vor.u32 v1, v3  }
0xae: {  	v37 =	vadd.s32 s23, v0;
	v3 =	vand.u32 $0x7F, v25;
	v4 =	vand.u32 $0x400, v4  }
0xaf: {  	v25 =	vor.u32 v0, v27;
	v3 =	vor.u32 v4, v3;
	v4 =	vshll.u32 v37, $0x3  }
0xb0: {  	v27 =	vand.u32 $0xFF, v37;
	v37 =	vand.u32 $0x7F, v37;
	v4 =	vand.u32 $0x400, v4  }
0xb1: {  	s23 =	sadd.s32 $0x1E, s22;
	v39 =	vor.u32 v1, v3;
	v3 =	vor.u32 v4, v37;
	v4 =	vshll.u32 v27, $0x4  }
0xb2: {  	v38 =	vadd.s32 s23, v0;
	v37 =	vor.u32 v1, v3;
	v27 =	vor.u32 v0, v4  }
0xb3: {  	s23 =	sadd.s32 $0x1D, s22;
	v3 =	vand.u32 $0xFF, v38;
	v4 =	vand.u32 $0x7F, v38;
	v38 =	vshll.u32 v38, $0x3  }
0xb4: {  	v40 =	vadd.s32 s23, v0;
	v38 =	vand.u32 $0x400, v38;
	v3 =	vshll.u32 v3, $0x4  }
0xb5: {  	v41 =	vshll.u32 v40, $0x3;
	v4 =	vor.u32 v38, v4;
	v3 =	vor.u32 v0, v3  }
0xb6: {  	v41 =	vand.u32 $0x400, v41;
	v38 =	vand.u32 $0xFF, v40;
	v40 =	vand.u32 $0x7F, v40  }
0xb7: {  	s23 =	sadd.s32 $0x1C, s22;
	v41 =	vor.u32 v41, v40;
	v42 =	vshll.u32 v38, $0x4;
	v40 =	vor.u32 v1, v4  }
0xb8: {  	v43 =	vadd.s32 s23, v0;
	v38 =	vor.u32 v1, v41;
	v4 =	vor.u32 v0, v42  }
0xb9: {  	s23 =	sadd.s32 $0x1B, s22;
	v42 =	vand.u32 $0x7F, v43;
	v41 =	vld.idx.msk [tilespmem:v5+s3+$0x0], $0xffff;
	v5 =	vand.u32 $0xFF, v43;
	v43 =	vshll.u32 v43, $0x3  }
0xba: {  	v44 =	vld.idx.msk [tilespmem:v6+s3+$0x0], $0xffff;
	v6 =	vadd.s32 s23, v0;
	v43 =	vand.u32 $0x400, v43;
	v5 =	vshll.u32 v5, $0x4  }
0xbb: {  	v45 =	vshll.u32 v6, $0x3;
	v42 =	vor.u32 v43, v42;
	v5 =	vor.u32 v0, v5  }
0xbc: {  	v43 =	vld.idx.msk [tilespmem:v19+s3+$0x0], $0xffff;
	v19 =	vand.u32 $0xFF, v6;
	v6 =	vand.u32 $0x7F, v6;
	v45 =	vand.u32 $0x400, v45  }
0xbd: {  	s23 =	sadd.s32 $0x1A, s22;
	v42 =	vor.u32 v1, v42;
	v21 =	vld.idx.msk [tilespmem:v21+s3+$0x0], $0xffff;
	v6 =	vor.u32 v45, v6;
	v45 =	vshll.u32 v19, $0x4  }
0xbe: {  	v46 =	vadd.s32 s23, v0;
	v22 =	vld.idx.msk [tilespmem:v22+s3+$0x0], $0xffff;
	v19 =	vor.u32 v1, v6;
	v6 =	vor.u32 v0, v45  }
0xbf: {  	s23 =	sadd.s32 $0x19, s22;
	v45 =	vshll.u32 v46, $0x3;
	[tilespmem:v7+s12+$0x0] =	vst.idx.msk $0xffff, v41;
	v26 =	vld.idx.msk [tilespmem:v26+s3+$0x0], $0xffff;
	v7 =	vand.u32 $0xFF, v46;
	v41 =	vand.u32 $0x7F, v46  }
0xc0: {  	v28 =	vld.idx.msk [tilespmem:v28+s3+$0x0], $0xffff;
	[tilespmem:v9+s12+$0x0] =	vst.idx.msk $0xffff, v44;
	v9 =	vadd.s32 s23, v0;
	v44 =	vand.u32 $0x400, v45;
	v7 =	vshll.u32 v7, $0x4  }
0xc1: {  	v29 =	vld.idx.msk [tilespmem:v29+s3+$0x0], $0xffff;
	v45 =	vshll.u32 v9, $0x3;
	v41 =	vor.u32 v44, v41;
	v7 =	vor.u32 v0, v7  }
0xc2: {  	v33 =	vld.idx.msk [tilespmem:v33+s3+$0x0], $0xffff;
	[tilespmem:v8+s12+$0x0] =	vst.idx.msk $0xffff, v43;
	v8 =	vand.u32 $0xFF, v9;
	v9 =	vand.u32 $0x7F, v9;
	v43 =	vand.u32 $0x400, v45  }
0xc3: {  	s23 =	sadd.s32 $0x18, s22;
	v41 =	vor.u32 v1, v41;
	[tilespmem:v10+s12+$0x0] =	vst.idx.msk $0xffff, v21;
	v9 =	vor.u32 v43, v9;
	v8 =	vshll.u32 v8, $0x4  }
0xc4: {  	v10 =	vadd.s32 s23, v0;
	[tilespmem:v11+s12+$0x0] =	vst.idx.msk $0xffff, v22;
	v11 =	vor.u32 v1, v9;
	v8 =	vor.u32 v0, v8  }
0xc5: {  	s23 =	sadd.s32 $0x17, s22;
	v9 =	vand.u32 $0xFF, v10;
	v21 =	vld.idx.msk [tilespmem:v31+s3+$0x0], $0xffff;
	[tilespmem:v12+s12+$0x0] =	vst.idx.msk $0xffff, v26;
	v12 =	vand.u32 $0x7F, v10;
	v10 =	vshll.u32 v10, $0x3  }
0xc6: {  	v9 =	vshll.u32 v9, $0x4;
	v22 =	vld.idx.msk [tilespmem:v30+s3+$0x0], $0xffff;
	[tilespmem:v13+s12+$0x0] =	vst.idx.msk $0xffff, v28;
	v13 =	vadd.s32 s23, v0;
	v10 =	vand.u32 $0x400, v10  }
0xc7: {  	v9 =	vor.u32 v0, v9;
	[tilespmem:v15+s12+$0x0] =	vst.idx.msk $0xffff, v29;
	v15 =	vshll.u32 v13, $0x3;
	v10 =	vor.u32 v10, v12  }
0xc8: {  	v12 =	vand.u32 $0xFF, v13;
	v13 =	vand.u32 $0x7F, v13;
	v26 =	vld.idx.msk [tilespmem:v32+s3+$0x0], $0xffff;
	[tilespmem:v17+s12+$0x0] =	vst.idx.msk $0xffff, v33;
	v15 =	vand.u32 $0x400, v15  }
0xc9: {  	s23 =	sadd.s32 $0x16, s22;
	v12 =	vshll.u32 v12, $0x4;
	v17 =	vld.idx.msk [tilespmem:v34+s3+$0x0], $0xffff;
	v13 =	vor.u32 v15, v13;
	v15 =	vor.u32 v1, v10  }
0xca: {  	v29 =	vadd.s32 s23, v0;
	v10 =	vor.u32 v0, v12;
	v28 =	vld.idx.msk [tilespmem:v35+s3+$0x0], $0xffff;
	v13 =	vor.u32 v1, v13  }
0xcb: {  	s23 =	sadd.s32 $0x15, s22;
	v12 =	vand.u32 $0xFF, v29;
	v30 =	vld.idx.msk [tilespmem:v36+s3+$0x0], $0xffff;
	[tilespmem:v14+s12+$0x0] =	vst.idx.msk $0xffff, v21;
	v21 =	vand.u32 $0x7F, v29;
	v29 =	vshll.u32 v29, $0x3  }
0xcc: {  	v12 =	vshll.u32 v12, $0x4;
	v14 =	vadd.s32 s23, v0;
	v31 =	vld.idx.msk [tilespmem:v39+s3+$0x0], $0xffff;
	[tilespmem:v18+s12+$0x0] =	vst.idx.msk $0xffff, v22;
	v18 =	vand.u32 $0x400, v29  }
0xcd: {  	s23 =	sadd.s32 $0x14, s22;
	v12 =	vor.u32 v0, v12;
	v22 =	vshll.u32 v14, $0x3;
	v18 =	vor.u32 v18, v21;
	v29 =	vld.idx.msk [tilespmem:v37+s3+$0x0], $0xffff  }
0xce: {  	v21 =	vand.u32 $0x7F, v14;
	v22 =	vand.u32 $0x400, v22;
	[tilespmem:v16+s12+$0x0] =	vst.idx.msk $0xffff, v26;
	v16 =	vadd.s32 s23, v0  }
0xcf: {  	v18 =	vor.u32 v1, v18;
	[tilespmem:v20+s12+$0x0] =	vst.idx.msk $0xffff, v17;
	v17 =	vshll.u32 v16, $0x3;
	v20 =	vor.u32 v22, v21  }
0xd0: {  	s24 =	sadd.s32 $0x13, s22;
	s23 =	sadd.s32 $0x12, s22;
	v22 =	vand.u32 $0x7F, v16;
	[tilespmem:v23+s12+$0x0] =	vst.idx.msk $0xffff, v28;
	v23 =	vand.u32 $0x400, v17;
	v20 =	vor.u32 v1, v20;
	v26 =	vld.idx.msk [tilespmem:v40+s3+$0x0], $0xffff  }
.Ltmp4:
0xd1: {  	v21 =	vadd.s32 s24, v0;
	v17 =	vadd.s32 s23, v0;
	[tilespmem:v24+s12+$0x0] =	vst.idx.msk $0xffff, v30;
	v22 =	vor.u32 v23, v22;
	v28 =	vld.idx.msk [tilespmem:v38+s3+$0x0], $0xffff;
	(pc) =	sbr.rel @p3 .LBB2_3-.Ltmp4, $4  }
0xd2: {  	v23 =	vshll.u32 v17, $0x3;
	v24 =	vand.u32 $0x7F, v21;
	v30 =	vshll.u32 v21, $0x3;
	[tilespmem:v25+s12+$0x0] =	vst.idx.msk $0xffff, v31;
	v25 =	vld.idx.msk [tilespmem:v42+s3+$0x0], $0xffff  }
0xd3: {  	v31 =	vand.u32 $0x7F, v17;
	v23 =	vand.u32 $0x400, v23;
	v30 =	vand.u32 $0x400, v30;
	[tilespmem:v27+s12+$0x0] =	vst.idx.msk $0xffff, v29  }
0xd4: {  	s24 =	sadd.s32 $0x11, s22;
	v29 =	vor.u32 v23, v31;
	v24 =	vor.u32 v30, v24;
	v23 =	vor.u32 v1, v22;
	v27 =	vld.idx.msk [tilespmem:v19+s3+$0x0], $0xffff  }
0xd5: {  	s23 =	sadd.s32 $0x10, s22;
	s22 =	sadd.s32 $0x20, s22;
	v22 =	vadd.s32 s24, v0;
	v19 =	vor.u32 v1, v29;
	v24 =	vor.u32 v1, v24;
	v29 =	vld.idx.msk [tilespmem:v41+s3+$0x0], $0xffff  }
0xd6: {  	_ =	sdelay $0x3  }
0xd7: {  	v11 =	vld.idx.msk [tilespmem:v11+s3+$0x0], $0xffff  }
0xd8: {  	v30 =	vmov s23;
	v31 =	vand.u32 $0x7F, v22;
	v32 =	vshll.u32 v22, $0x3;
	v15 =	vld.idx.msk [tilespmem:v15+s3+$0x0], $0xffff  }
0xd9: {  	[tilespmem:v3+s12+$0x0] =	vst.idx.msk $0xffff, v26;
	v3 =	vor.u32 s23, v0;
	v13 =	vld.idx.msk [tilespmem:v13+s3+$0x0], $0xffff;
	v14 =	vand.u32 $0xFF, v14;
	v16 =	vand.u32 $0xFF, v16  }
0xda: {  	[tilespmem:v4+s12+$0x0] =	vst.idx.msk $0xffff, v28;
	v18 =	vld.idx.msk [tilespmem:v18+s3+$0x0], $0xffff;
	v57 =	vand.u32 $0xFF, v21;
	v51 =	vshll.u32 v30, $0x3;
	v52 =	vand.u32 $0x400, v32  }
0xdb: {  	v56 =	vld.idx.msk [tilespmem:v20+s3+$0x0], $0xffff;
	v53 =	vand.u32 $0x7F, v3;
	[tilespmem:v5+s12+$0x0] =	vst.idx.msk $0xffff, v25;
	v26 =	vand.u32 $0x400, v51;
	v54 =	vor.u32 v52, v31  }
0xdc: {  	v14 =	vshll.u32 v14, $0x4;
	v4 =	vor.u32 v53, v26;
	v55 =	vor.u32 v1, v54;
	[tilespmem:v6+s12+$0x0] =	vst.idx.msk $0xffff, v27  }
0xdd: {  	v16 =	vshll.u32 v16, $0x4;
	v14 =	vor.u32 v0, v14;
	v4 =	vor.u32 v1, v4;
	[tilespmem:v7+s12+$0x0] =	vst.idx.msk $0xffff, v29  }
0xde: {  	v58 =	vld.idx.msk [tilespmem:v23+s3+$0x0], $0xffff;
	v17 =	vand.u32 $0xFF, v17;
	v20 =	vshll.u32 v57, $0x4;
	v16 =	vor.u32 v0, v16;
	[tilespmem:v8+s12+$0x0] =	vst.idx.msk $0xffff, v11  }
0xdf: {  	v59 =	vld.idx.msk [tilespmem:v24+s3+$0x0], $0xffff;
	v60 =	vand.u32 $0xFF, v22;
	v17 =	vshll.u32 v17, $0x4;
	v20 =	vor.u32 v0, v20;
	[tilespmem:v9+s12+$0x0] =	vst.idx.msk $0xffff, v15  }
0xe0: {  	v61 =	vld.idx.msk [tilespmem:v19+s3+$0x0], $0xffff;
	v62 =	vor.u32 v0, v17;
	v11 =	vshll.u32 v60, $0x4;
	[tilespmem:v10+s12+$0x0] =	vst.idx.msk $0xffff, v13  }
0xe1: {  	v3 =	vshll.u32 v3, $0x4;
	[tilespmem:v12+s12+$0x0] =	vst.idx.msk $0xffff, v18;
	v63 =	vor.u32 v0, v11;
	v5 =	vld.idx.msk [tilespmem:v55+s3+$0x0], $0xffff  }
0xe2: {  	v3 =	vor.u32 v0, v3;
	[tilespmem:v14+s12+$0x0] =	vst.idx.msk $0xffff, v56;
	v4 =	vld.idx.msk [tilespmem:v4+s3+$0x0], $0xffff  }
0xe3: {  	[tilespmem:v16+s12+$0x0] =	vst.idx.msk $0xffff, v58  }
0xe4: {  	[tilespmem:v20+s12+$0x0] =	vst.idx.msk $0xffff, v59  }
0xe5: {  	s21 =	sadd.s32 $0x2, s21;
	[tilespmem:v62+s12+$0x0] =	vst.idx.msk $0xffff, v61  }
.Ltmp5:
0xe6: {  	s22 =	sshll.u32 s19, $0xF;
	p3 =	sge.u32 s21, s6;
	[tilespmem:v63+s12+$0x0] =	vst.idx.msk $0xffff, v5;
	(pc) =	sbr.rel @p2 .LBB2_8-.Ltmp5, $4  }
0xe7: {  	s22 =	sadd.s32 s22, s5;
	s21 =	sshll.u32 @!p3 s21, $0xD;
	s23 =	simm.s32 @!p3 $0x50FC400;
	[tilespmem:v3+s12+$0x0] =	vst.idx.msk $0xffff, v4  }
0xe8: {  	[hbm4b:s22+s3] =	stream.linear.scatter [tilespmem:s12], [sflag:$0x3], $0x1000, $0x38;
	[tilespmem:$0x4080] =	vst v63  }
0xe9: {  	s24 =	simm.s32 @!p3 $0x0;
	s21 =	sadd.s32 @!p3 s21, s7;
	s22 =	simm.s32 @!p3 $0x800  }
0xea: {  	[tilespmem:s24], [sflag:$0x1] =	stream.strided.gather @!p3 [hbm4b:s21+s22], $0x1000, s23, s22, $0x38;
	[tilespmem:$0x4080] =	vst v63  }
0xeb: {  	s21 =	simm.s32 $0x0;
	s26 =	simm.s32 $0xF  }
0xec: {  	s28 =	simm.s32 $0xE;
	s22 =	simm.s32 $0xA;
	v3 =	vmov s21;
	v4 =	vor.u32 s21, v0;
	v6 =	vadd.s32 s26, v0  }
0xed: {  	v9 =	vadd.s32 s28, v0;
	v14 =	vadd.s32 s22, v0;
	v5 =	vand.u32 $0x6F, v4  }
0xee: {  	v3 =	vshll.u32 v3, $0x3;
	v4 =	vshll.u32 v4, $0x4;
	v10 =	vshll.u32 v9, $0x3  }
0xef: {  	v15 =	vshll.u32 v14, $0x4;
	v3 =	vand.u32 $0x400, v3;
	v4 =	vand.u32 $0xE80, v4  }
0xf0: {  	v3 =	vor.u32 v5, v3;
	v7 =	vor.u32 v2, v4;
	v4 =	vshll.u32 v6, $0x3  }
0xf1: {  	v5 =	vor.u32 v1, v3;
	v3 =	vand.u32 $0x7F, v6;
	v4 =	vand.u32 $0x400, v4  }
0xf2: {  	v15 =	vor.u32 v0, v15;
	v3 =	vor.u32 v4, v3;
	v4 =	vshll.u32 v6, $0x4  }
0xf3: {  	s29 =	simm.s32 $0xD;
	v6 =	vor.u32 v1, v3;
	v8 =	vor.u32 v0, v4;
	v3 =	vand.u32 $0x7F, v9  }
0xf4: {  	v4 =	vand.u32 $0x400, v10;
	v9 =	vshll.u32 v9, $0x4;
	v10 =	vadd.s32 s29, v0  }
0xf5: {  	s30 =	simm.s32 $0xC;
	v3 =	vor.u32 v4, v3;
	v9 =	vor.u32 v0, v9;
	v4 =	vshll.u32 v10, $0x3  }
0xf6: {  	v12 =	vshll.u32 v10, $0x4;
	v11 =	vor.u32 v1, v3;
	v3 =	vadd.s32 s30, v0  }
0xf7: {  	v10 =	vand.u32 $0x7F, v10;
	v4 =	vand.u32 $0x400, v4;
	v13 =	vshll.u32 v3, $0x3  }
0xf8: {  	s30 =	simm.s32 $0x4;
	v4 =	vor.u32 v4, v10;
	v10 =	vor.u32 v0, v12;
	v12 =	vand.u32 $0x7F, v3  }
0xf9: {  	s31 =	simm.s32 $0xB;
	v3 =	vshll.u32 v3, $0x4;
	v20 =	vadd.s32 s30, v0;
	v13 =	vand.u32 $0x400, v13  }
0xfa: {  	v23 =	vor.u32 v1, v4;
	v4 =	vadd.s32 s31, v0;
	v12 =	vor.u32 v13, v12  }
0xfb: {  	v21 =	vshll.u32 v20, $0x4;
	v13 =	vshll.u32 v4, $0x3;
	v24 =	vor.u32 v1, v12  }
0xfc: {  	s30 =	simm.s32 $0x1A;
	v12 =	vor.u32 v0, v3;
	v3 =	vand.u32 $0x7F, v4;
	v13 =	vand.u32 $0x400, v13  }
0xfd: {  	v56 =	vadd.s32 s30, v0;
	v4 =	vshll.u32 v4, $0x4;
	v3 =	vor.u32 v13, v3  }
0xfe: {  	s23 =	simm.s32 $0x9;
	v13 =	vor.u32 v0, v4;
	v4 =	vshll.u32 v14, $0x3;
	v14 =	vand.u32 $0x7F, v14  }
0xff: {  	v27 =	vor.u32 v1, v3;
	v3 =	vadd.s32 s23, v0;
	v4 =	vand.u32 $0x400, v4  }
0x100: {  	v47 =	vand.u32 $0x7F, v56;
	s23 =	simm.s32 $0x1;
	v16 =	vshll.u32 v3, $0x3;
	v4 =	vor.u32 v4, v14  }
0x101: {  	s24 =	simm.s32 $0x8;
	v14 =	vand.u32 $0x7F, v3;
	v3 =	vshll.u32 v3, $0x4;
	v25 =	vadd.s32 s23, v0  }
0x102: {  	v16 =	vand.u32 $0x400, v16;
	v28 =	vor.u32 v1, v4;
	v4 =	vadd.s32 s24, v0  }
0x103: {  	v17 =	vor.u32 v0, v3;
	v26 =	vshll.u32 v25, $0x4;
	v14 =	vor.u32 v16, v14  }
0x104: {  	s24 =	simm.s32 $0x1F;
	v16 =	vshll.u32 v4, $0x3;
	v3 =	vand.u32 $0x7F, v4;
	v4 =	vshll.u32 v4, $0x4  }
0x105: {  	s26 =	simm.s32 $0x7;
	v37 =	vadd.s32 s24, v0;
	v29 =	vor.u32 v1, v14;
	v14 =	vand.u32 $0x400, v16  }
0x106: {  	_ =	swait.ge [sflag:s13], $0x1000;
	v16 =	vadd.s32 s26, v0;
	v3 =	vor.u32 v14, v3;
	v14 =	vor.u32 v0, v4  }
0x107: {  	s28 =	simm.s32 $0x6;
	[sflag:s13] =	ssyncset.done $0x0;
	v4 =	vshll.u32 v16, $0x3;
	v18 =	vshll.u32 v16, $0x4;
	v16 =	vand.u32 $0x7F, v16  }
0x108: {  	s21 =	simm.s32 @!p1 $0x4;
	[sflag:s13] =	ssyncadd.s32 $0xFFFFF000;
	s26 =	simm.s32 $0x1E;
	v33 =	vor.u32 v1, v3;
	v3 =	vadd.s32 s28, v0;
	v4 =	vand.u32 $0x400, v4  }
0x109: {  	_ =	swait.ge @!p1 [sflag:s21], $0x1000;
	v50 =	vadd.s32 s26, v0;
	v19 =	vshll.u32 v3, $0x3;
	v4 =	vor.u32 v4, v16  }
0x10a: {  	[sflag:s21] =	ssyncset.done @!p1 $0x0;
	s28 =	simm.s32 $0x1D;
	v16 =	vor.u32 v0, v18;
	v18 =	vand.u32 $0x7F, v3;
	v3 =	vshll.u32 v3, $0x4  }
0x10b: {  	[sflag:s21] =	ssyncadd.s32 @!p1 $0xFFFFF000;
	s29 =	simm.s32 $0x5;
	v40 =	vadd.s32 s28, v0;
	v19 =	vand.u32 $0x400, v19;
	v31 =	vor.u32 v1, v4  }
0x10c: {  	v27 =	vld.idx.msk [tilespmem:v27+s14+$0x0], $0xffff;
	v4 =	vadd.s32 s29, v0;
	v41 =	vshll.u32 v40, $0x3;
	v51 =	vand.u32 $0xFF, v40  }
0x10d: {  	v40 =	vand.u32 $0x7F, v40;
	s29 =	simm.s32 $0x1B;
	v18 =	vor.u32 v19, v18;
	v19 =	vshll.u32 v4, $0x3  }
0x10e: {  	v41 =	vand.u32 $0x400, v41;
	v45 =	vadd.s32 s29, v0;
	v30 =	vor.u32 v1, v18  }
0x10f: {  	v54 =	vld.idx.msk [tilespmem:v6+s14+$0x0], $0xffff;
	v18 =	vor.u32 v0, v3;
	v3 =	vand.u32 $0x7F, v4;
	v19 =	vand.u32 $0x400, v19  }
0x110: {  	s23 =	simm.s32 $0x17;
	v28 =	vld.idx.msk [tilespmem:v28+s14+$0x0], $0xffff;
	v4 =	vshll.u32 v4, $0x4;
	v40 =	vor.u32 v41, v40;
	v6 =	vshll.u32 v45, $0x3  }
0x111: {  	v55 =	vand.u32 $0xFF, v45;
	v45 =	vand.u32 $0x7F, v45;
	[tilespmem:v13+s15+$0x0] =	vst.idx.msk $0xffff, v27;
	v13 =	vadd.s32 s23, v0  }
0x112: {  	v3 =	vor.u32 v19, v3;
	v19 =	vor.u32 v0, v4;
	v4 =	vshll.u32 v20, $0x3  }
0x113: {  	v44 =	vld.idx.msk [tilespmem:v5+s14+$0x0], $0xffff;
	s31 =	simm.s32 $0x3;
	v20 =	vand.u32 $0x7F, v20;
	v40 =	vor.u32 v1, v40;
	v6 =	vand.u32 $0x400, v6  }
0x114: {  	v32 =	vor.u32 v1, v3;
	v3 =	vadd.s32 s31, v0;
	v4 =	vand.u32 $0x400, v4  }
0x115: {  	v6 =	vor.u32 v6, v45;
	v45 =	vshll.u32 v56, $0x3;
	[tilespmem:v15+s15+$0x0] =	vst.idx.msk $0xffff, v28;
	v15 =	vshll.u32 v13, $0x3  }
0x116: {  	v29 =	vld.idx.msk [tilespmem:v29+s14+$0x0], $0xffff;
	v22 =	vshll.u32 v3, $0x3;
	v4 =	vor.u32 v4, v20;
	v20 =	vor.u32 v0, v21  }
0x117: {  	s31 =	simm.s32 $0x19;
	v21 =	vand.u32 $0x7F, v3;
	v3 =	vshll.u32 v3, $0x4;
	v46 =	vor.u32 v1, v6  }
0x118: {  	s22 =	simm.s32 $0x2;
	[tilespmem:v7+s15+$0x0] =	vst.idx.msk $0xffff, v44;
	v24 =	vld.idx.msk [tilespmem:v24+s14+$0x0], $0xffff;
	v58 =	vadd.s32 s31, v0;
	v7 =	vand.u32 $0x400, v45;
	v15 =	vand.u32 $0x400, v15  }
0x119: {  	v22 =	vand.u32 $0x400, v22;
	v34 =	vor.u32 v1, v4;
	v4 =	vadd.s32 s22, v0  }
0x11a: {  	v11 =	vld.idx.msk [tilespmem:v11+s14+$0x0], $0xffff;
	[tilespmem:v8+s15+$0x0] =	vst.idx.msk $0xffff, v54;
	s24 =	simm.s32 $0x16;
	v45 =	vor.u32 v7, v47;
	v59 =	vshll.u32 v58, $0x3;
	v8 =	vand.u32 $0xFF, v58  }
0x11b: {  	v23 =	vld.idx.msk [tilespmem:v23+s14+$0x0], $0xffff;
	s22 =	simm.s32 $0x1C;
	v60 =	vand.u32 $0x7F, v58;
	[tilespmem:v17+s15+$0x0] =	vst.idx.msk $0xffff, v29;
	v29 =	vadd.s32 s24, v0;
	v21 =	vor.u32 v22, v21  }
0x11c: {  	v33 =	vld.idx.msk [tilespmem:v33+s14+$0x0], $0xffff;
	v22 =	vshll.u32 v4, $0x3;
	v42 =	vadd.s32 s22, v0;
	v61 =	vand.u32 $0x400, v59  }
0x11d: {  	[tilespmem:v12+s15+$0x0] =	vst.idx.msk $0xffff, v24;
	v8 =	vshll.u32 v8, $0x4;
	v62 =	vor.u32 v1, v45;
	v24 =	vld.idx.msk [tilespmem:v30+s14+$0x0], $0xffff;
	v30 =	vand.u32 $0xFF, v29  }
0x11e: {  	v12 =	vld.idx.msk [tilespmem:v31+s14+$0x0], $0xffff;
	v31 =	vand.u32 $0x7F, v29;
	v29 =	vshll.u32 v29, $0x3;
	v35 =	vor.u32 v1, v21  }
0x11f: {  	v21 =	vor.u32 v0, v3;
	v3 =	vand.u32 $0x7F, v4;
	v22 =	vand.u32 $0x400, v22  }
0x120: {  	[tilespmem:v9+s15+$0x0] =	vst.idx.msk $0xffff, v11;
	s22 =	simm.s32 $0x18;
	v4 =	vshll.u32 v4, $0x4;
	v53 =	vand.u32 $0xFF, v42;
	v43 =	vand.u32 $0x7F, v42  }
0x121: {  	s26 =	simm.s32 $0x15;
	[tilespmem:v10+s15+$0x0] =	vst.idx.msk $0xffff, v23;
	v42 =	vshll.u32 v42, $0x3;
	v9 =	vor.u32 v61, v60;
	v10 =	vadd.s32 s22, v0  }
0x122: {  	v8 =	vor.u32 v0, v8;
	[tilespmem:v14+s15+$0x0] =	vst.idx.msk $0xffff, v33;
	v14 =	vadd.s32 s26, v0;
	v3 =	vor.u32 v22, v3  }
0x123: {  	v22 =	vor.u32 v0, v4;
	v4 =	vshll.u32 v25, $0x3;
	v5 =	vand.u32 $0x400, v42  }
0x124: {  	v11 =	vor.u32 v1, v9;
	v9 =	vand.u32 $0xFF, v10;
	v23 =	vand.u32 $0x7F, v10  }
0x125: {  	v10 =	vshll.u32 v10, $0x3;
	v36 =	vor.u32 v1, v3;
	v3 =	vand.u32 $0x7F, v25  }
0x126: {  	v4 =	vand.u32 $0x400, v4;
	v25 =	vor.u32 v0, v26;
	v26 =	vand.u32 $0xFF, v37  }
0x127: {  	v43 =	vor.u32 v5, v43;
	v10 =	vand.u32 $0x400, v10;
	v9 =	vshll.u32 v9, $0x4  }
0x128: {  	[tilespmem:v16+s15+$0x0] =	vst.idx.msk $0xffff, v12;
	v12 =	vand.u32 $0x400, v29;
	v16 =	vshll.u32 v30, $0x4;
	v3 =	vor.u32 v4, v3  }
0x129: {  	v4 =	vshll.u32 v37, $0x3;
	v37 =	vand.u32 $0x7F, v37;
	v43 =	vor.u32 v1, v43  }
0x12a: {  	v10 =	vor.u32 v10, v23;
	v9 =	vor.u32 v0, v9;
	v23 =	vand.u32 $0xFF, v13  }
0x12b: {  	v13 =	vand.u32 $0x7F, v13;
	v4 =	vand.u32 $0x400, v4;
	v38 =	vor.u32 v1, v3  }
0x12c: {  	v17 =	vld.idx.msk [tilespmem:v32+s14+$0x0], $0xffff;
	v13 =	vor.u32 v15, v13;
	v23 =	vshll.u32 v23, $0x4;
	v15 =	vor.u32 v1, v10  }
0x12d: {  	s28 =	simm.s32 $0x14;
	[tilespmem:v18+s15+$0x0] =	vst.idx.msk $0xffff, v24;
	v18 =	vshll.u32 v14, $0x3;
	v24 =	vor.u32 v12, v31;
	v12 =	vor.u32 v0, v16  }
0x12e: {  	v16 =	vadd.s32 s28, v0;
	v3 =	vor.u32 v4, v37;
	v4 =	vshll.u32 v26, $0x4  }
0x12f: {  	v37 =	vshll.u32 v50, $0x3;
	v13 =	vor.u32 v1, v13;
	v10 =	vor.u32 v0, v23  }
0x130: {  	v18 =	vand.u32 $0x400, v18;
	v39 =	vor.u32 v1, v3;
	v26 =	vor.u32 v0, v4  }
0x131: {  	v27 =	vld.idx.msk [tilespmem:v34+s14+$0x0], $0xffff;
	v3 =	vand.u32 $0xFF, v50;
	v4 =	vand.u32 $0x7F, v50;
	v37 =	vand.u32 $0x400, v37  }
0x132: {  	[tilespmem:v19+s15+$0x0] =	vst.idx.msk $0xffff, v17;
	v17 =	vand.u32 $0x7F, v14;
	v19 =	vshll.u32 v16, $0x3;
	v3 =	vshll.u32 v3, $0x4  }
0x133: {  	v28 =	vld.idx.msk [tilespmem:v35+s14+$0x0], $0xffff;
	v4 =	vor.u32 v37, v4;
	v37 =	vshll.u32 v51, $0x4;
	v17 =	vor.u32 v18, v17  }
0x134: {  	v23 =	vld.idx.msk [tilespmem:v36+s14+$0x0], $0xffff;
	v18 =	vor.u32 v1, v24;
	v24 =	vand.u32 $0x7F, v16;
	v52 =	vor.u32 v1, v4  }
0x135: {  	s29 =	simm.s32 $0x12;
	v19 =	vand.u32 $0x400, v19;
	v3 =	vor.u32 v0, v3;
	v4 =	vor.u32 v0, v37  }
0x136: {  	v37 =	vshll.u32 v53, $0x4;
	[tilespmem:v20+s15+$0x0] =	vst.idx.msk $0xffff, v27;
	v20 =	vor.u32 v1, v17;
	v17 =	vadd.s32 s29, v0;
	v63 =	vld.idx.msk [tilespmem:v38+s14+$0x0], $0xffff  }
0x137: {  	v19 =	vor.u32 v19, v24;
	v5 =	vor.u32 v0, v37;
	v37 =	vshll.u32 v55, $0x4  }
0x138: {  	s30 =	simm.s32 $0x13;
	v57 =	vand.u32 $0xFF, v56;
	v27 =	vand.u32 $0x7F, v17;
	v6 =	vor.u32 v0, v37;
	[tilespmem:v21+s15+$0x0] =	vst.idx.msk $0xffff, v28;
	v30 =	vld.idx.msk [tilespmem:v39+s14+$0x0], $0xffff  }
0x139: {  	v37 =	vshll.u32 v57, $0x4;
	v21 =	vadd.s32 s30, v0;
	[tilespmem:v22+s15+$0x0] =	vst.idx.msk $0xffff, v23;
	v22 =	vshll.u32 v17, $0x3;
	v28 =	vld.idx.msk [tilespmem:v52+s14+$0x0], $0xffff  }
0x13a: {  	v29 =	vld.idx.msk [tilespmem:v40+s14+$0x0], $0xffff;
	v7 =	vor.u32 v0, v37;
	v24 =	vshll.u32 v21, $0x3;
	v22 =	vand.u32 $0x400, v22  }
0x13b: {  	v23 =	vand.u32 $0x7F, v21;
	v24 =	vand.u32 $0x400, v24;
	[tilespmem:v25+s15+$0x0] =	vst.idx.msk $0xffff, v63;
	v25 =	vld.idx.msk [tilespmem:v43+s14+$0x0], $0xffff;
	v27 =	vor.u32 v22, v27  }
0x13c: {  	s31 =	simm.s32 $0x11;
	v24 =	vor.u32 v24, v23;
	v23 =	vor.u32 v1, v19;
	v19 =	vor.u32 v1, v27;
	v27 =	vld.idx.msk [tilespmem:v62+s14+$0x0], $0xffff  }
0x13d: {  	s21 =	simm.s32 $0x20;
	s22 =	simm.s32 $0x10;
	v22 =	vadd.s32 s31, v0;
	v24 =	vor.u32 v1, v24;
	[tilespmem:v26+s15+$0x0] =	vst.idx.msk $0xffff, v30;
	v26 =	vld.idx.msk [tilespmem:v46+s14+$0x0], $0xffff  }
.LBB2_6:
0x13e: {  	p1 =	slt.u32 s21, $0xE0;
	v30 =	vmov s22;
	v31 =	vand.u32 $0x7F, v22;
	v32 =	vshll.u32 v22, $0x3;
	v11 =	vld.idx.msk [tilespmem:v11+s14+$0x0], $0xffff;
	[tilespmem:v3+s15+$0x0] =	vst.idx.msk $0xffff, v28  }
0x13f: {  	v3 =	vor.u32 s22, v0;
	v28 =	vshll.u32 v30, $0x3;
	v30 =	vand.u32 $0x400, v32;
	v15 =	vld.idx.msk [tilespmem:v15+s14+$0x0], $0xffff;
	[tilespmem:v4+s15+$0x0] =	vst.idx.msk $0xffff, v29  }
0x140: {  	v4 =	vand.u32 $0x7F, v3;
	v28 =	vand.u32 $0x400, v28;
	v29 =	vor.u32 v30, v31;
	v13 =	vld.idx.msk [tilespmem:v13+s14+$0x0], $0xffff;
	[tilespmem:v5+s15+$0x0] =	vst.idx.msk $0xffff, v25  }
0x141: {  	v14 =	vand.u32 $0xFF, v14;
	v4 =	vor.u32 v4, v28;
	v5 =	vor.u32 v1, v29;
	v18 =	vld.idx.msk [tilespmem:v18+s14+$0x0], $0xffff  }
0x142: {  	v16 =	vand.u32 $0xFF, v16;
	v14 =	vshll.u32 v14, $0x4;
	v4 =	vor.u32 v1, v4;
	v20 =	vld.idx.msk [tilespmem:v20+s14+$0x0], $0xffff;
	[tilespmem:v6+s15+$0x0] =	vst.idx.msk $0xffff, v26  }
0x143: {  	v16 =	vshll.u32 v16, $0x4;
	v14 =	vor.u32 v0, v14;
	v6 =	vand.u32 $0xFF, v21;
	v21 =	vld.idx.msk [tilespmem:v23+s14+$0x0], $0xffff;
	[tilespmem:v7+s15+$0x0] =	vst.idx.msk $0xffff, v27  }
0x144: {  	v16 =	vor.u32 v0, v16;
	v7 =	vand.u32 $0xFF, v17;
	v6 =	vshll.u32 v6, $0x4;
	v17 =	vld.idx.msk [tilespmem:v24+s14+$0x0], $0xffff;
	[tilespmem:v8+s15+$0x0] =	vst.idx.msk $0xffff, v11  }
0x145: {  	v8 =	vand.u32 $0xFF, v22;
	v7 =	vshll.u32 v7, $0x4;
	v6 =	vor.u32 v0, v6;
	v11 =	vld.idx.msk [tilespmem:v19+s14+$0x0], $0xffff;
	[tilespmem:v9+s15+$0x0] =	vst.idx.msk $0xffff, v15  }
0x146: {  	v9 =	vld.idx.msk [tilespmem:v5+s14+$0x0], $0xffff;
	v5 =	vshll.u32 v8, $0x4;
	v8 =	vor.u32 v0, v7;
	[tilespmem:v10+s15+$0x0] =	vst.idx.msk $0xffff, v13  }
0x147: {  	v3 =	vshll.u32 v3, $0x4;
	v4 =	vld.idx.msk [tilespmem:v4+s14+$0x0], $0xffff;
	v10 =	vor.u32 v0, v5;
	[tilespmem:v12+s15+$0x0] =	vst.idx.msk $0xffff, v18  }
0x148: {  	v3 =	vor.u32 v0, v3;
	v7 =	vor.u32 s21, v0;
	v5 =	vmov s21;
	[tilespmem:v14+s15+$0x0] =	vst.idx.msk $0xffff, v20  }
0x149: {  	s22 =	sadd.s32 $0xF, s21;
	v12 =	vand.u32 $0x6F, v7;
	v7 =	vshll.u32 v7, $0x4;
	v5 =	vshll.u32 v5, $0x3;
	[tilespmem:v16+s15+$0x0] =	vst.idx.msk $0xffff, v21  }
0x14a: {  	v13 =	vadd.s32 s22, v0;
	v7 =	vand.u32 $0xE80, v7;
	v5 =	vand.u32 $0x400, v5;
	[tilespmem:v6+s15+$0x0] =	vst.idx.msk $0xffff, v17  }
0x14b: {  	v7 =	vor.u32 v2, v7;
	v5 =	vor.u32 v12, v5;
	v6 =	vshll.u32 v13, $0x3;
	[tilespmem:v8+s15+$0x0] =	vst.idx.msk $0xffff, v11  }
0x14c: {  	s22 =	sadd.s32 $0xE, s21;
	v5 =	vor.u32 v1, v5;
	v8 =	vand.u32 $0x7F, v13;
	v6 =	vand.u32 $0x400, v6;
	[tilespmem:v10+s15+$0x0] =	vst.idx.msk $0xffff, v9  }
0x14d: {  	v10 =	vadd.s32 s22, v0;
	v6 =	vor.u32 v6, v8;
	v8 =	vshll.u32 v13, $0x4;
	[tilespmem:v3+s15+$0x0] =	vst.idx.msk $0xffff, v4  }
0x14e: {  	v3 =	vshll.u32 v10, $0x3;
	v6 =	vor.u32 v1, v6;
	v9 =	vor.u32 v0, v8  }
0x14f: {  	s22 =	sadd.s32 $0xD, s21;
	v4 =	vand.u32 $0x7F, v10;
	v8 =	vshll.u32 v10, $0x4;
	v3 =	vand.u32 $0x400, v3  }
0x150: {  	v10 =	vadd.s32 s22, v0;
	v8 =	vor.u32 v0, v8;
	v3 =	vor.u32 v3, v4  }
0x151: {  	s22 =	sadd.s32 $0xC, s21;
	v11 =	vshll.u32 v10, $0x4;
	v4 =	vshll.u32 v10, $0x3;
	v19 =	vor.u32 v1, v3  }
0x152: {  	v10 =	vand.u32 $0x7F, v10;
	v3 =	vadd.s32 s22, v0;
	v4 =	vand.u32 $0x400, v4  }
0x153: {  	v12 =	vshll.u32 v3, $0x3;
	v4 =	vor.u32 v4, v10;
	v10 =	vor.u32 v0, v11  }
0x154: {  	s22 =	sadd.s32 $0xB, s21;
	v11 =	vand.u32 $0x7F, v3;
	v12 =	vand.u32 $0x400, v12;
	v21 =	vor.u32 v1, v4  }
0x155: {  	v3 =	vshll.u32 v3, $0x4;
	v4 =	vadd.s32 s22, v0;
	v11 =	vor.u32 v12, v11  }
0x156: {  	v12 =	vshll.u32 v4, $0x3;
	v22 =	vor.u32 v1, v11;
	v11 =	vor.u32 v0, v3  }
0x157: {  	s22 =	sadd.s32 $0xA, s21;
	v3 =	vand.u32 $0x7F, v4;
	v12 =	vand.u32 $0x400, v12;
	v4 =	vshll.u32 v4, $0x4  }
0x158: {  	v13 =	vadd.s32 s22, v0;
	v3 =	vor.u32 v12, v3;
	v12 =	vor.u32 v0, v4  }
0x159: {  	s22 =	sadd.s32 $0x9, s21;
	v14 =	vshll.u32 v13, $0x4;
	v4 =	vshll.u32 v13, $0x3;
	v26 =	vor.u32 v1, v3  }
0x15a: {  	v13 =	vand.u32 $0x7F, v13;
	v3 =	vadd.s32 s22, v0;
	v4 =	vand.u32 $0x400, v4  }
0x15b: {  	v15 =	vshll.u32 v3, $0x3;
	v4 =	vor.u32 v4, v13;
	v13 =	vor.u32 v0, v14  }
0x15c: {  	s22 =	sadd.s32 $0x8, s21;
	v14 =	vand.u32 $0x7F, v3;
	v15 =	vand.u32 $0x400, v15;
	v28 =	vor.u32 v1, v4  }
0x15d: {  	v3 =	vshll.u32 v3, $0x4;
	v4 =	vadd.s32 s22, v0;
	v14 =	vor.u32 v15, v14  }
0x15e: {  	v16 =	vshll.u32 v4, $0x3;
	v15 =	vor.u32 v0, v3;
	v29 =	vor.u32 v1, v14  }
0x15f: {  	s22 =	sadd.s32 $0x7, s21;
	v3 =	vand.u32 $0x7F, v4;
	v4 =	vshll.u32 v4, $0x4;
	v14 =	vand.u32 $0x400, v16  }
0x160: {  	v16 =	vadd.s32 s22, v0;
	v17 =	vor.u32 v0, v4;
	v3 =	vor.u32 v14, v3  }
0x161: {  	s22 =	sadd.s32 $0x6, s21;
	v4 =	vshll.u32 v16, $0x3;
	v14 =	vshll.u32 v16, $0x4;
	v33 =	vor.u32 v1, v3  }
0x162: {  	v16 =	vand.u32 $0x7F, v16;
	v3 =	vadd.s32 s22, v0;
	v4 =	vand.u32 $0x400, v4  }
0x163: {  	v14 =	vor.u32 v0, v14;
	v18 =	vshll.u32 v3, $0x3;
	v4 =	vor.u32 v4, v16  }
0x164: {  	s22 =	sadd.s32 $0x5, s21;
	v16 =	vand.u32 $0x7F, v3;
	v18 =	vand.u32 $0x400, v18;
	v31 =	vor.u32 v1, v4  }
0x165: {  	v3 =	vshll.u32 v3, $0x4;
	v4 =	vadd.s32 s22, v0;
	v16 =	vor.u32 v18, v16  }
0x166: {  	v20 =	vshll.u32 v4, $0x3;
	v18 =	vor.u32 v0, v3;
	v30 =	vor.u32 v1, v16  }
0x167: {  	s22 =	sadd.s32 $0x4, s21;
	v3 =	vand.u32 $0x7F, v4;
	v4 =	vshll.u32 v4, $0x4;
	v16 =	vand.u32 $0x400, v20  }
0x168: {  	v20 =	vadd.s32 s22, v0;
	v3 =	vor.u32 v16, v3;
	v16 =	vor.u32 v0, v4  }
0x169: {  	s22 =	sadd.s32 $0x3, s21;
	v4 =	vshll.u32 v20, $0x3;
	v23 =	vshll.u32 v20, $0x4;
	v32 =	vor.u32 v1, v3  }
0x16a: {  	v20 =	vand.u32 $0x7F, v20;
	v3 =	vadd.s32 s22, v0;
	v4 =	vand.u32 $0x400, v4  }
0x16b: {  	v24 =	vshll.u32 v3, $0x3;
	v4 =	vor.u32 v4, v20;
	v20 =	vor.u32 v0, v23  }
0x16c: {  	s22 =	sadd.s32 $0x2, s21;
	v23 =	vand.u32 $0x7F, v3;
	v24 =	vand.u32 $0x400, v24;
	v34 =	vor.u32 v1, v4  }
0x16d: {  	v3 =	vshll.u32 v3, $0x4;
	v4 =	vadd.s32 s22, v0;
	v23 =	vor.u32 v24, v23  }
0x16e: {  	v24 =	vshll.u32 v4, $0x3;
	v35 =	vor.u32 v1, v23;
	v23 =	vor.u32 v0, v3  }
0x16f: {  	s22 =	sadd.s32 $0x1, s21;
	v3 =	vand.u32 $0x7F, v4;
	v24 =	vand.u32 $0x400, v24;
	v4 =	vshll.u32 v4, $0x4  }
0x170: {  	v25 =	vadd.s32 s22, v0;
	v3 =	vor.u32 v24, v3;
	v24 =	vor.u32 v0, v4  }
0x171: {  	s22 =	sadd.s32 $0x1F, s21;
	v27 =	vshll.u32 v25, $0x4;
	v4 =	vshll.u32 v25, $0x3;
	v36 =	vor.u32 v1, v3  }
0x172: {  	v37 =	vadd.s32 s22, v0;
	v3 =	vand.u32 $0x7F, v25;
	v4 =	vand.u32 $0x400, v4  }
0x173: {  	v25 =	vor.u32 v0, v27;
	v3 =	vor.u32 v4, v3;
	v4 =	vshll.u32 v37, $0x3  }
0x174: {  	v27 =	vand.u32 $0xFF, v37;
	v37 =	vand.u32 $0x7F, v37;
	v4 =	vand.u32 $0x400, v4  }
0x175: {  	s22 =	sadd.s32 $0x1E, s21;
	v39 =	vor.u32 v1, v3;
	v3 =	vor.u32 v4, v37;
	v4 =	vshll.u32 v27, $0x4  }
0x176: {  	v38 =	vadd.s32 s22, v0;
	v37 =	vor.u32 v1, v3;
	v27 =	vor.u32 v0, v4  }
0x177: {  	s22 =	sadd.s32 $0x1D, s21;
	v3 =	vand.u32 $0xFF, v38;
	v4 =	vand.u32 $0x7F, v38;
	v38 =	vshll.u32 v38, $0x3  }
0x178: {  	v40 =	vadd.s32 s22, v0;
	v38 =	vand.u32 $0x400, v38;
	v3 =	vshll.u32 v3, $0x4  }
0x179: {  	v41 =	vshll.u32 v40, $0x3;
	v4 =	vor.u32 v38, v4;
	v3 =	vor.u32 v0, v3  }
0x17a: {  	v41 =	vand.u32 $0x400, v41;
	v38 =	vand.u32 $0xFF, v40;
	v40 =	vand.u32 $0x7F, v40  }
0x17b: {  	s22 =	sadd.s32 $0x1C, s21;
	v41 =	vor.u32 v41, v40;
	v42 =	vshll.u32 v38, $0x4;
	v40 =	vor.u32 v1, v4  }
0x17c: {  	v43 =	vadd.s32 s22, v0;
	v38 =	vor.u32 v1, v41;
	v4 =	vor.u32 v0, v42  }
0x17d: {  	s22 =	sadd.s32 $0x1B, s21;
	v42 =	vand.u32 $0x7F, v43;
	v41 =	vld.idx.msk [tilespmem:v5+s14+$0x0], $0xffff;
	v5 =	vand.u32 $0xFF, v43;
	v43 =	vshll.u32 v43, $0x3  }
0x17e: {  	v44 =	vld.idx.msk [tilespmem:v6+s14+$0x0], $0xffff;
	v6 =	vadd.s32 s22, v0;
	v43 =	vand.u32 $0x400, v43;
	v5 =	vshll.u32 v5, $0x4  }
0x17f: {  	v45 =	vshll.u32 v6, $0x3;
	v42 =	vor.u32 v43, v42;
	v5 =	vor.u32 v0, v5  }
0x180: {  	v43 =	vld.idx.msk [tilespmem:v19+s14+$0x0], $0xffff;
	v19 =	vand.u32 $0xFF, v6;
	v6 =	vand.u32 $0x7F, v6;
	v45 =	vand.u32 $0x400, v45  }
0x181: {  	s22 =	sadd.s32 $0x1A, s21;
	v42 =	vor.u32 v1, v42;
	v21 =	vld.idx.msk [tilespmem:v21+s14+$0x0], $0xffff;
	v6 =	vor.u32 v45, v6;
	v45 =	vshll.u32 v19, $0x4  }
0x182: {  	v46 =	vadd.s32 s22, v0;
	v22 =	vld.idx.msk [tilespmem:v22+s14+$0x0], $0xffff;
	v19 =	vor.u32 v1, v6;
	v6 =	vor.u32 v0, v45  }
0x183: {  	s22 =	sadd.s32 $0x19, s21;
	v45 =	vshll.u32 v46, $0x3;
	[tilespmem:v7+s15+$0x0] =	vst.idx.msk $0xffff, v41;
	v26 =	vld.idx.msk [tilespmem:v26+s14+$0x0], $0xffff;
	v7 =	vand.u32 $0xFF, v46;
	v41 =	vand.u32 $0x7F, v46  }
0x184: {  	v28 =	vld.idx.msk [tilespmem:v28+s14+$0x0], $0xffff;
	[tilespmem:v9+s15+$0x0] =	vst.idx.msk $0xffff, v44;
	v9 =	vadd.s32 s22, v0;
	v44 =	vand.u32 $0x400, v45;
	v7 =	vshll.u32 v7, $0x4  }
0x185: {  	v29 =	vld.idx.msk [tilespmem:v29+s14+$0x0], $0xffff;
	v45 =	vshll.u32 v9, $0x3;
	v41 =	vor.u32 v44, v41;
	v7 =	vor.u32 v0, v7  }
0x186: {  	v33 =	vld.idx.msk [tilespmem:v33+s14+$0x0], $0xffff;
	[tilespmem:v8+s15+$0x0] =	vst.idx.msk $0xffff, v43;
	v8 =	vand.u32 $0xFF, v9;
	v9 =	vand.u32 $0x7F, v9;
	v43 =	vand.u32 $0x400, v45  }
0x187: {  	s22 =	sadd.s32 $0x18, s21;
	v41 =	vor.u32 v1, v41;
	[tilespmem:v10+s15+$0x0] =	vst.idx.msk $0xffff, v21;
	v9 =	vor.u32 v43, v9;
	v8 =	vshll.u32 v8, $0x4  }
0x188: {  	v10 =	vadd.s32 s22, v0;
	[tilespmem:v11+s15+$0x0] =	vst.idx.msk $0xffff, v22;
	v11 =	vor.u32 v1, v9;
	v8 =	vor.u32 v0, v8  }
0x189: {  	s22 =	sadd.s32 $0x17, s21;
	v9 =	vand.u32 $0xFF, v10;
	v21 =	vld.idx.msk [tilespmem:v31+s14+$0x0], $0xffff;
	[tilespmem:v12+s15+$0x0] =	vst.idx.msk $0xffff, v26;
	v12 =	vand.u32 $0x7F, v10;
	v10 =	vshll.u32 v10, $0x3  }
0x18a: {  	v9 =	vshll.u32 v9, $0x4;
	v22 =	vld.idx.msk [tilespmem:v30+s14+$0x0], $0xffff;
	[tilespmem:v13+s15+$0x0] =	vst.idx.msk $0xffff, v28;
	v13 =	vadd.s32 s22, v0;
	v10 =	vand.u32 $0x400, v10  }
0x18b: {  	v9 =	vor.u32 v0, v9;
	[tilespmem:v15+s15+$0x0] =	vst.idx.msk $0xffff, v29;
	v15 =	vshll.u32 v13, $0x3;
	v10 =	vor.u32 v10, v12  }
0x18c: {  	v12 =	vand.u32 $0xFF, v13;
	v13 =	vand.u32 $0x7F, v13;
	v26 =	vld.idx.msk [tilespmem:v32+s14+$0x0], $0xffff;
	[tilespmem:v17+s15+$0x0] =	vst.idx.msk $0xffff, v33;
	v15 =	vand.u32 $0x400, v15  }
0x18d: {  	s22 =	sadd.s32 $0x16, s21;
	v12 =	vshll.u32 v12, $0x4;
	v17 =	vld.idx.msk [tilespmem:v34+s14+$0x0], $0xffff;
	v13 =	vor.u32 v15, v13;
	v15 =	vor.u32 v1, v10  }
0x18e: {  	v29 =	vadd.s32 s22, v0;
	v10 =	vor.u32 v0, v12;
	v28 =	vld.idx.msk [tilespmem:v35+s14+$0x0], $0xffff;
	v13 =	vor.u32 v1, v13  }
0x18f: {  	s22 =	sadd.s32 $0x15, s21;
	v12 =	vand.u32 $0xFF, v29;
	v30 =	vld.idx.msk [tilespmem:v36+s14+$0x0], $0xffff;
	[tilespmem:v14+s15+$0x0] =	vst.idx.msk $0xffff, v21;
	v21 =	vand.u32 $0x7F, v29;
	v29 =	vshll.u32 v29, $0x3  }
0x190: {  	v12 =	vshll.u32 v12, $0x4;
	v14 =	vadd.s32 s22, v0;
	v31 =	vld.idx.msk [tilespmem:v39+s14+$0x0], $0xffff;
	[tilespmem:v18+s15+$0x0] =	vst.idx.msk $0xffff, v22;
	v18 =	vand.u32 $0x400, v29  }
0x191: {  	s22 =	sadd.s32 $0x14, s21;
	v12 =	vor.u32 v0, v12;
	v22 =	vshll.u32 v14, $0x3;
	v18 =	vor.u32 v18, v21;
	v32 =	vld.idx.msk [tilespmem:v37+s14+$0x0], $0xffff  }
0x192: {  	v21 =	vand.u32 $0x7F, v14;
	v22 =	vand.u32 $0x400, v22;
	[tilespmem:v16+s15+$0x0] =	vst.idx.msk $0xffff, v26;
	v16 =	vadd.s32 s22, v0  }
0x193: {  	v18 =	vor.u32 v1, v18;
	[tilespmem:v20+s15+$0x0] =	vst.idx.msk $0xffff, v17;
	v17 =	vshll.u32 v16, $0x3;
	v20 =	vor.u32 v22, v21  }
0x194: {  	s23 =	sadd.s32 $0x13, s21;
	s22 =	sadd.s32 $0x12, s21;
	v22 =	vand.u32 $0x7F, v16;
	[tilespmem:v23+s15+$0x0] =	vst.idx.msk $0xffff, v28;
	v23 =	vand.u32 $0x400, v17;
	v20 =	vor.u32 v1, v20;
	v28 =	vld.idx.msk [tilespmem:v40+s14+$0x0], $0xffff  }
.Ltmp6:
0x195: {  	v21 =	vadd.s32 s23, v0;
	v17 =	vadd.s32 s22, v0;
	[tilespmem:v24+s15+$0x0] =	vst.idx.msk $0xffff, v30;
	v22 =	vor.u32 v23, v22;
	v29 =	vld.idx.msk [tilespmem:v38+s14+$0x0], $0xffff;
	(pc) =	sbr.rel @p1 .LBB2_6-.Ltmp6, $4  }
0x196: {  	v26 =	vshll.u32 v21, $0x3;
	v23 =	vshll.u32 v17, $0x3;
	v24 =	vand.u32 $0x7F, v21;
	[tilespmem:v25+s15+$0x0] =	vst.idx.msk $0xffff, v31;
	v25 =	vld.idx.msk [tilespmem:v42+s14+$0x0], $0xffff  }
0x197: {  	v30 =	vand.u32 $0x7F, v17;
	v26 =	vand.u32 $0x400, v26;
	v23 =	vand.u32 $0x400, v23;
	[tilespmem:v27+s15+$0x0] =	vst.idx.msk $0xffff, v32  }
0x198: {  	s23 =	sadd.s32 $0x11, s21;
	v24 =	vor.u32 v26, v24;
	v27 =	vor.u32 v23, v30;
	v23 =	vor.u32 v1, v22;
	v26 =	vld.idx.msk [tilespmem:v19+s14+$0x0], $0xffff  }
0x199: {  	s22 =	sadd.s32 $0x10, s21;
	s21 =	sadd.s32 $0x20, s21;
	v22 =	vadd.s32 s23, v0;
	v24 =	vor.u32 v1, v24;
	v19 =	vor.u32 v1, v27;
	v27 =	vld.idx.msk [tilespmem:v41+s14+$0x0], $0xffff  }
0x19a: {  	_ =	sdelay $0x3  }
0x19b: {  	v11 =	vld.idx.msk [tilespmem:v11+s14+$0x0], $0xffff  }
0x19c: {  	v30 =	vmov s22;
	v31 =	vand.u32 $0x7F, v22;
	v32 =	vshll.u32 v22, $0x3;
	v15 =	vld.idx.msk [tilespmem:v15+s14+$0x0], $0xffff  }
0x19d: {  	[tilespmem:v3+s15+$0x0] =	vst.idx.msk $0xffff, v28;
	v3 =	vor.u32 s22, v0;
	v13 =	vld.idx.msk [tilespmem:v13+s14+$0x0], $0xffff;
	v14 =	vand.u32 $0xFF, v14;
	v16 =	vand.u32 $0xFF, v16  }
0x19e: {  	[tilespmem:v4+s15+$0x0] =	vst.idx.msk $0xffff, v29;
	v18 =	vld.idx.msk [tilespmem:v18+s14+$0x0], $0xffff;
	v57 =	vand.u32 $0xFF, v21;
	v51 =	vshll.u32 v30, $0x3;
	v52 =	vand.u32 $0x400, v32  }
0x19f: {  	v56 =	vld.idx.msk [tilespmem:v20+s14+$0x0], $0xffff;
	v53 =	vand.u32 $0x7F, v3;
	[tilespmem:v5+s15+$0x0] =	vst.idx.msk $0xffff, v25;
	v28 =	vand.u32 $0x400, v51;
	v54 =	vor.u32 v52, v31  }
0x1a0: {  	v14 =	vshll.u32 v14, $0x4;
	v4 =	vor.u32 v53, v28;
	v55 =	vor.u32 v1, v54;
	[tilespmem:v6+s15+$0x0] =	vst.idx.msk $0xffff, v26  }
0x1a1: {  	v16 =	vshll.u32 v16, $0x4;
	v14 =	vor.u32 v0, v14;
	v4 =	vor.u32 v1, v4;
	[tilespmem:v7+s15+$0x0] =	vst.idx.msk $0xffff, v27  }
0x1a2: {  	v58 =	vld.idx.msk [tilespmem:v23+s14+$0x0], $0xffff;
	v17 =	vand.u32 $0xFF, v17;
	v20 =	vshll.u32 v57, $0x4;
	v16 =	vor.u32 v0, v16;
	[tilespmem:v8+s15+$0x0] =	vst.idx.msk $0xffff, v11  }
0x1a3: {  	v59 =	vld.idx.msk [tilespmem:v24+s14+$0x0], $0xffff;
	v60 =	vand.u32 $0xFF, v22;
	v17 =	vshll.u32 v17, $0x4;
	v20 =	vor.u32 v0, v20;
	[tilespmem:v9+s15+$0x0] =	vst.idx.msk $0xffff, v15  }
0x1a4: {  	v61 =	vld.idx.msk [tilespmem:v19+s14+$0x0], $0xffff;
	v62 =	vor.u32 v0, v17;
	v11 =	vshll.u32 v60, $0x4;
	[tilespmem:v10+s15+$0x0] =	vst.idx.msk $0xffff, v13  }
0x1a5: {  	v3 =	vshll.u32 v3, $0x4;
	[tilespmem:v12+s15+$0x0] =	vst.idx.msk $0xffff, v18;
	v63 =	vor.u32 v0, v11;
	v5 =	vld.idx.msk [tilespmem:v55+s14+$0x0], $0xffff  }
0x1a6: {  	v3 =	vor.u32 v0, v3;
	[tilespmem:v14+s15+$0x0] =	vst.idx.msk $0xffff, v56;
	v4 =	vld.idx.msk [tilespmem:v4+s14+$0x0], $0xffff  }
0x1a7: {  	[tilespmem:v16+s15+$0x0] =	vst.idx.msk $0xffff, v58  }
.Ltmp7:
0x1a8: {  	[tilespmem:v20+s15+$0x0] =	vst.idx.msk $0xffff, v59;
	(pc) =	sbr.rel .LBB2_8-.Ltmp7, $4  }
0x1a9: {  	[tilespmem:v62+s15+$0x0] =	vst.idx.msk $0xffff, v61  }
0x1aa: {  	s20 =	sshll.u32 s20, $0xE;
	[tilespmem:v63+s15+$0x0] =	vst.idx.msk $0xffff, v5  }
0x1ab: {  	s20 =	sadd.s32 s20, s5;
	[tilespmem:v3+s15+$0x0] =	vst.idx.msk $0xffff, v4  }
0x1ac: {  	[hbm4b:s20+s3] =	stream.linear.scatter [tilespmem:s15], [sflag:$0x4], $0x1000, $0x38;
	[tilespmem:$0x4080] =	vst v63  }
.LBB2_10:
0x1ad: {  	_ =	sfence.sel $0x180000  }
0x1ae: {  	[bflag:$0x0] =	sbarrier.arrive $0xFFFF  }
0x1af: {  	p0 =	sne.s32 s2, $0x0;
	_ =	strace $0x90000047  }
0x1b0: {  	s0 =	sadd.s32 @!p0 $0x100000, s0;
	[bflag:$0x2] =	sbarrier.arrive $0xFFFF  }
0x1b1: {  	[sflag:s0] =	ssyncadd.tile.s32 @!p0 $0x1;
	_ =	shalt  }
.Lfunc_end2:
_tile_overlayer_lowered:
.L_overlay_start_2:
0x1b2: {  	(tag) =	ssettag $0x2  }
0x1b3: {  	s0 =	rddreg [dreg:$0x0];
	s2 =	stileid.u32  }
0x1b4: {  	s1 =	rddreg [dreg:$0x1];
	p0 =	sne.s32 s2, $0x0  }
0x1b5: {  	s3 =	rddreg [dreg:$0x2];
	[bflag:$0x3] =	sbarrier.arrive $0xFFFF;
	s2 =	simm.s32 @!p0 $0x1C05  }
0x1b6: {  	[timem:s3], [sflag:s2] =	dma.local @!p0 [hbm:s0], s1  }
0x1b7: {  	s0 =	simm.s32 @!p0 $0x5  }
0x1b8: {  	_ =	swait.ge @!p0 [sflag:s0], s1  }
0x1b9: {  	s1 =	ssub.s32 @!p0 $0x0, s1;
	[sflag:s0] =	ssyncset.done @!p0 $0x0  }
0x1ba: {  	[sflag:s0] =	ssyncadd.s32 @!p0 s1  }
0x1bb: {  	[bflag:$0x3] =	sbarrier.arrive $0xFFFF  }
0x1bc: {  	_ =	shalt  }

// kernel: _emb_lookup.7.cloned.1.call-start
scs
__scs_entry_jumppad:
0x0: {  	(pc) =	sbr.rel $0x88, $3  }
0x1: {  	(tag) =	ssettag $0x0;
	lr =	simm.s32 $0x1  }
0x2: {  	[smem:$0x3F9F] =	sst lr;
	_ =	strace $0xD0000000  }
0x3: {  	_ = 	snop  }
0x4: {  	_ = 	snop  }
0x5: {  	_ = 	snop  }
0x6: {  	_ = 	snop  }
0x7: {  	_ = 	snop  }
__scs_overlays_trampoline_lowered:
0x8: {  	[smem:$0x3FAE] =	sst s0  }
0x9: {  	[smem:$0x3FAF] =	sst s1  }
0xa: {  	[smem:$0x3FB0] =	sst s2  }
0xb: {  	[smem:$0x3FB1] =	sst s3  }
0xc: {  	[smem:$0x3FB2] =	sst s4  }
0xd: {  	[smem:$0x3FB3] =	sst s5  }
0xe: {  	[smem:$0x3FB4] =	sst s6  }
0xf: {  	[smem:$0x3FB5] =	sst s7  }
0x10: {  	[smem:$0x3FB6] =	sst s8  }
0x11: {  	[smem:$0x3FB7] =	sst s9;
	s0 =	simm.s32 @!p0 $0x0  }
0x12: {  	s1 =	sld [smem:$0x3F9D];
	s0 =	simm.s32 @p0 $0x1  }
0x13: {  	[smem:$0x3FB8] =	sst s0;
	s0 =	simm.s32 @!p1 $0x0  }
0x14: {  	s2 =	sld [smem:$0x3F9C];
	s0 =	simm.s32 @p1 $0x1  }
0x15: {  	[smem:$0x3FB9] =	sst s0;
	s0 =	simm.s32 @!p2 $0x0  }
0x16: {  	s3 =	sld [smem:$0x3FDB];
	s0 =	simm.s32 @p2 $0x1  }
0x17: {  	s4 =	simm.s32 $0x1BF5;
	[smem:$0x3FBB] =	sst s0  }
0x18: {  	s0 =	sld [smem:$0x3F9E];
	_ =	swait.ge [sflag:s4], $0x0  }
0x19: {  	s7 =	sld [smem:$0x3F9F]  }
0x1a: {  	s8 =	sadd.s32 $0xFFFFE003, lr  }
0x1b: {  	s9 =	sadd.s32 $0xFFFFFEF7, lr;
	s5 =	simm.s32 $0xFFFFFFFF;
	p2 =	slt.u32 s8, $0xFFFFF086  }
0x1c: {  	p1 =	slt.u32 s9, $0xF7A;
	s5 =	simm.s32 @!p2 $0x0  }
0x1d: {  	s5 =	simm.s32 @p1 $0x1;
	p0 =	seq.s32 s7, s2  }
0x1e: {  	s7 =	smul.u32 @!p0 $0xF7A, s2;
	p2 =	seq.s32 @!p0 s5, $0x0  }
0x1f: {  	s9 =	smul.u32 $0xF7A, s1;
	s8 =	simm.s32 @!p0 $0x1BF5;
	p2 =	por !p2, p0  }
0x20: {  	[sflag:s8] =	ssyncset.s32 @!p0 $0xFFFFF086;
	s6 =	sadd.s32 @!p0 s3, s7;
	s7 =	simm.s32 @!p0 $0x108  }
0x21: {  	s3 =	sadd.s32 s3, s9;
	s6 =	sadd.s32 @!p0 $0x88, s6;
	s7 =	simm.s32 @p2 $0x1082  }
0x22: {  	[simem:s7], [sflag:s8] =	dma.local @!p0 [hbm:s6], $0xF7A  }
0x23: {  	s9 =	sor.u32 $0xD0000000, s2;
	s6 =	simm.s32 $0x108;
	_ =	swait.ge @!p0 [sflag:s8], $0x0  }
0x24: {  	s3 =	sadd.s32 $0x88, s3;
	s6 =	simm.s32 @!p1 $0x1082;
	[sflag:s4] =	ssyncset.s32 $0xFFFFF086  }
0x25: {  	[simem:s6], [sflag:s4] =	dma.local [hbm:s3], $0xF7A  }
0x26: {  	[smem:$0x3F9F] =	sst s1;
	(tag) =	ssettag s2;
	_ =	strace s9  }
0x27: {  	s1 =	sld [smem:$0x3FAF]  }
0x28: {  	s2 =	sld [smem:$0x3FB0]  }
0x29: {  	s4 =	sld [smem:$0x3FB2]  }
0x2a: {  	p0 =	seq.s32 s5, $0x0;
	s5 =	sld [smem:$0x3FB3]  }
0x2b: {  	s6 =	sld [smem:$0x3FB4]  }
0x2c: {  	s7 =	sld [smem:$0x3FB5]  }
0x2d: {  	s3 =	simm.s32 $0x108;
	s8 =	sld [smem:$0x3FB6]  }
0x2e: {  	s3 =	simm.s32 @!p0 $0x1082;
	s9 =	sld [smem:$0x3FB7]  }
0x2f: {  	lr =	sadd.s32 s0, s3;
	s0 =	sld [smem:$0x3FAE]  }
0x30: {  	s3 =	sld [smem:$0x3FB1]  }
0x31: {  	[smem:$0x3FBA] =	sst s10  }
0x32: {  	s10 =	sld [smem:$0x3FB8];
	_ =	sdelay $0x3  }
0x33: {  	p0 =	seq.s32 s10, $0x1;
	s10 =	sld [smem:$0x3FBA];
	_ =	sdelay $0x3  }
0x34: {  	[smem:$0x3FBA] =	sst s10  }
0x35: {  	s10 =	sld [smem:$0x3FB9];
	_ =	sdelay $0x3  }
0x36: {  	p1 =	seq.s32 s10, $0x1;
	s10 =	sld [smem:$0x3FBA];
	_ =	sdelay $0x3  }
0x37: {  	[smem:$0x3FBA] =	sst s10  }
0x38: {  	s10 =	sld [smem:$0x3FBB]  }
0x39: {  	_ = 	snop;
	(pc) =	sbr.ind lr, $3  }
0x3a: {  	_ = 	snop  }
0x3b: {  	_ = 	snop  }
0x3c: {  	p2 =	seq.s32 s10, $0x1;
	s10 =	sld [smem:$0x3FBA]  }
0x3d: {  	_ =	shalt  }
0x3e: {  	_ =	shalt  }
0x3f: {  	_ =	shalt  }
0x40: {  	_ =	shalt  }
0x41: {  	_ =	shalt  }
0x42: {  	_ =	shalt  }
0x43: {  	_ =	shalt  }
0x44: {  	_ =	shalt  }
0x45: {  	_ =	shalt  }
0x46: {  	_ =	shalt  }
0x47: {  	_ =	shalt  }
0x48: {  	_ =	shalt  }
0x49: {  	_ =	shalt  }
0x4a: {  	_ =	shalt  }
0x4b: {  	_ =	shalt  }
0x4c: {  	_ =	shalt  }
0x4d: {  	_ =	shalt  }
0x4e: {  	_ =	shalt  }
0x4f: {  	_ =	shalt  }
0x50: {  	_ =	shalt  }
0x51: {  	_ =	shalt  }
0x52: {  	_ =	shalt  }
0x53: {  	_ =	shalt  }
0x54: {  	_ =	shalt  }
0x55: {  	_ =	shalt  }
0x56: {  	_ =	shalt  }
0x57: {  	_ =	shalt  }
0x58: {  	_ =	shalt  }
0x59: {  	_ =	shalt  }
0x5a: {  	_ =	shalt  }
0x5b: {  	_ =	shalt  }
0x5c: {  	_ =	shalt  }
0x5d: {  	_ =	shalt  }
0x5e: {  	_ =	shalt  }
0x5f: {  	_ =	shalt  }
0x60: {  	_ =	shalt  }
0x61: {  	_ =	shalt  }
0x62: {  	_ =	shalt  }
0x63: {  	_ =	shalt  }
0x64: {  	_ =	shalt  }
0x65: {  	_ =	shalt  }
0x66: {  	_ =	shalt  }
0x67: {  	_ =	shalt  }
0x68: {  	_ =	shalt  }
0x69: {  	_ =	shalt  }
0x6a: {  	_ =	shalt  }
0x6b: {  	_ =	shalt  }
0x6c: {  	_ =	shalt  }
0x6d: {  	_ =	shalt  }
0x6e: {  	_ =	shalt  }
0x6f: {  	_ =	shalt  }
0x70: {  	_ =	shalt  }
0x71: {  	_ =	shalt  }
0x72: {  	_ =	shalt  }
0x73: {  	_ =	shalt  }
0x74: {  	_ =	shalt  }
0x75: {  	_ =	shalt  }
0x76: {  	_ =	shalt  }
0x77: {  	_ =	shalt  }
0x78: {  	_ =	shalt  }
0x79: {  	_ =	shalt  }
0x7a: {  	_ =	shalt  }
0x7b: {  	_ =	shalt  }
0x7c: {  	_ =	shalt  }
0x7d: {  	_ =	shalt  }
0x7e: {  	_ =	shalt  }
0x7f: {  	_ =	shalt  }
0x80: {  	_ =	shalt  }
0x81: {  	_ =	shalt  }
0x82: {  	_ =	shalt  }
0x83: {  	_ =	shalt  }
0x84: {  	_ =	shalt  }
0x85: {  	_ =	shalt  }
0x86: {  	_ =	shalt  }
0x87: {  	_ =	shalt  }
.Lfunc_end0:
.L_simem_size_0:
called_computation.1_lowered:
.L_overlay_start_0:
0x88: {  	s2 =	sld [smem:$0x3FD9]  }
0x89: {  	s3 =	sld [smem:$0x3FFE];
	_ =	sdelay $0x1  }
0x8a: {  	s1 =	srdreg.scid  }
0x8b: {  	s0 =	sand.u32 $0x1, s1  }
0x8c: {  	s17 =	sshll.u32 s0, $0xA;
	s2 =	sadd.s32 s3, s2  }
0x8d: {  	s2 =	sadd.s32 s2, s17  }
0x8e: {  	[smem:$0x3FC6] =	sst s2  }
0x8f: {  	_ = 	snop  }
0x90: {  	s2 =	sld [smem:$0x3FD0];
	(tm) =	ssettm $0x1  }
0x91: {  	s18 =	sld [smem:$0x3FFB];
	_ =	sdelay $0x3  }
0x92: {  	_ =	strace s18  }
0x93: {  	s3 =	sld [smem:$0x3FFC];
	_ =	sdelay $0x3  }
0x94: {  	_ =	strace s3  }
0x95: {  	s3 =	sld [smem:$0x3FFD];
	_ =	sdelay $0x3  }
0x96: {  	_ =	strace s3  }
0x97: {  	_ =	strace $0x8FFFFFFF  }
0x98: {  	s19 =	sld [smem:$0x3FDB];
	_ =	sdelay $0x1  }
0x99: {  	s4 =	simm.s32 $_scs_section_size  }
0x9a: {  	s5 =	simm.s32 $_size__tile_overlayer_lowered;
	s6 =	simm.s32 $_tile_overlayer_lowered  }
0x9b: {  	s22 =	simm.s32 $0x1BFF;
	s21 =	sshll.u32 s6, $0x1;
	s3 =	sadd.s32 s4, s19  }
0x9c: {  	s7 =	simm.s32 $0x0;
	s20 =	sshll.u32 s5, $0x1;
	s5 =	sadd.s32 s21, s3  }
0x9d: {  	[timem:s7], [sflag:s22] =	dma.local [hbm:s5], s20  }
0x9e: {  	_ =	swait.ge [sflag:s22], s20  }
0x9f: {  	s4 =	ssub.s32 $0x0, s20;
	[sflag:s22] =	ssyncset.done $0x0  }
0xa0: {  	[sflag:s22] =	ssyncadd.s32 s4;
	_ =	sdelay $0x1  }
0xa1: {  	s23 =	simm.s32 $0x1B8B  }
0xa2: {  	_ =	swait.ge [sflag:s23], $0x1  }
0xa3: {  	[sflag:s23] =	ssyncset.done $0x0  }
0xa4: {  	s25 =	simm.s32 $0x1B8E;
	s24 =	sld [smem:$0x3FFE];
	[sflag:s23] =	ssyncadd.s32 $0xFFFFFFFF  }
0xa5: {  	s26 =	simm.s32 $execute0_lowered;
	[smem:$0x3FD2] =	sst s25  }
0xa6: {  	s5 =	sshll.u32 s26, $0x1;
	_ =	strace $0x80000049;
	[dreg:$0x1] =	wrdreg $0xFFFFFFFF  }
0xa7: {  	s28 =	simm.s32 $_size_execute0_lowered;
	s3 =	sadd.s32 s3, s5;
	[dreg:$0x0] =	wrdreg $0x0  }
0xa8: {  	s5 =	sshll.u32 s28, $0x1;
	[dreg:$0x2] =	wrdreg s3  }
0xa9: {  	[dreg:$0x3] =	wrdreg s5  }
0xaa: {  	[dreg:$0x4] =	wrdreg $0xC0  }
0xab: {  	_ =	task [dreg:s7], $0x5FFFF  }
0xac: {  	[dreg:$0x1] =	wrdreg $0xFFFFFFFF  }
0xad: {  	[dreg:$0x0] =	wrdreg $0x60  }
0xae: {  	[dreg:$0x2] =	wrdreg s24  }
0xaf: {  	[dreg:$0x3] =	wrdreg s2  }
0xb0: {  	[dreg:$0x4] =	wrdreg $0x9  }
0xb1: {  	_ =	task.clear_ibuf [dreg:s7], $0x5FFFF;
	_ =	strace $0x90000049  }
0xb2: {  	s29 =	simm.s32 $0x9;
	_ =	strace $0x8000004B  }
0xb3: {  	_ =	swait.ge [sflag:s29], $0x1  }
0xb4: {  	[sflag:s29] =	ssyncadd.s32 $0xFFFFFFFF  }
0xb5: {  	_ =	strace $0x9000004B  }
0xb6: {  	_ =	sfence  }
0xb7: {  	s30 =	sld [smem:$0x0];
	_ =	sdelay $0x2  }
0xb8: {  	s31 =	sshll.u32 s1, $0xD;
	s1 =	sshrl.u32 s1, $0x2  }
0xb9: {  	s3 =	sand.u32 $0x4000, s31;
	s1 =	sadd.s32 s1, s30  }
0xba: {  	s0 =	sor.u32 s3, s0;
	s1 =	sshll.u32 s1, $0x11  }
0xbb: {  	s0 =	sor.u32 s1, s0  }
0xbc: {  	s0 =	sadd.s32 $0x8F2B, s0  }
0xbd: {  	[sflag:s0] =	ssyncadd.remote.s32 $0x1  }
0xbe: {  	_ =	sfence.sel $0xFFFF  }
0xbf: {  	[dreg:$0x0] =	wrdreg $0xFFFFFFFF;
	(pc) =	sbr.abs _section_cstart, $3  }
0xc0: {  	[dreg:$0x1] =	wrdreg $0xFFFFFFFF  }
0xc1: {  	_ =	task.clear_ibuf [dreg:s7], $0x2FFFF;
	_ =	strace $0x9FFFFFFF  }
0xc2: {  	(tm) =	ssettm $0x7FFFFFFF  }
0xc3: {  	_ =	shalt  }
tec
execute0_lowered:
.L_overlay_start_1:
0x0: {  	(tag) =	ssettag $0x1  }
0x1: {  	s0 =	rddreg [dreg:$0x0]  }
0x2: {  	s1 =	srdreg.scid;
	s3 =	stileid.u32  }
0x3: {  	s2 =	rddreg [dreg:$0x1];
	s11 =	simm.s32 $0x3;
	s12 =	simm.s32 $0x80  }
0x4: {  	s21 =	simm.s32 $0x780;
	s19 =	simm.s32 $0xC00;
	s20 =	simm.s32 $0xCF00  }
0x5: {  	s10 =	simm.s32 $0xD700;
	s22 =	simm.s32 $0xD00;
	s23 =	simm.s32 $0xDF00  }
0x6: {  	s24 =	simm.s32 $0xD80;
	s28 =	simm.s32 $0xEF00;
	s29 =	simm.s32 $0xE80  }
0x7: {  	s30 =	simm.s32 $0xF700;
	s31 =	simm.s32 $0x1;
	s14 =	simm.s32 $0x0  }
0x8: {  	s1 =	sand.u32 $0x1, s1;
	s4 =	sshll.u32 s3, $0x1;
	s3 =	simm.s32 $0x0  }
0x9: {  	s5 =	sadd.s32 $0x197FC00, s0;
	s6 =	sadd.s32 $0xA00, s0;
	s7 =	sor.u32 s1, s4  }
0xa: {  	[smem:$0x7FF] =	sst s3;
	s1 =	ssub.s32 $0x2, s1;
	s4 =	smul.u32 $0x33900, s7  }
0xb: {  	_ =	strace $0x8000004A;
	s25 =	sshrl.u32 s1, $0x1;
	s7 =	smul.u32 $0x29400, s7  }
0xc: {  	s0 =	ssub.s32 s1, s25;
	s25 =	simm.s32 $0xE700;
	s1 =	simm.s32 $0xFF00  }
0xd: {  	s8 =	sshrl.u32 s4, $0x3;
	s9 =	sadd.s32 $0xF00, s4;
	s0 =	smax.u32 s0, $0x1  }
0xe: {  	s26 =	sadd.s32 s5, s8;
	[dreg:$0x4] =	wrdreg s0;
	s8 =	simm.s32 $0xC80  }
0xf: {  	s0 =	simm.s32 $0x2;
	[dreg:$0x3] =	wrdreg s26;
	s26 =	simm.s32 $0xE00  }
.LBB2_1:
0x10: {  	[dreg:$0x5] =	wrdreg s14  }
0x11: {  	s13 =	rddreg [dreg:$0x3]  }
0x12: {  	[tilespmem:s3], [sflag:$0x3] =	stream.linear.gather [hbm4b:s13+s3], $0x780, $0x38;
	[tilespmem:$0x10500] =	vst v63  }
0x13: {  	_ =	swait.ge [sflag:s11], $0x780  }
0x14: {  	[sflag:s11] =	ssyncset.done $0x0  }
0x15: {  	s15 =	simm.s32 $0xF00;
	[sflag:s11] =	ssyncadd.s32 $0xFFFFF880  }
0x16: {  	[tilespmem:s15], [sflag:$0x1] =	stream.indirect.gather [hbm4b:s6+s12], $0x10, s3, s12, $0xb8;
	[tilespmem:$0x10500] =	vst v63  }
0x17: {  	s16 =	simm.s32 $0x1700  }
0x18: {  	[tilespmem:s16], [sflag:$0x1] =	stream.indirect.gather [hbm4b:s6+s12], $0x10, s12, s12, $0xb8;
	[tilespmem:$0x10500] =	vst v63  }
0x19: {  	s17 =	simm.s32 $0x100;
	s18 =	simm.s32 $0x1F00  }
0x1a: {  	[tilespmem:s18], [sflag:$0x1] =	stream.indirect.gather [hbm4b:s6+s12], $0x10, s17, s12, $0xb8;
	[tilespmem:$0x10500] =	vst v63  }
0x1b: {  	s15 =	simm.s32 $0x180;
	s16 =	simm.s32 $0x2700  }
0x1c: {  	[tilespmem:s16], [sflag:$0x1] =	stream.indirect.gather [hbm4b:s6+s12], $0x10, s15, s12, $0xb8;
	[tilespmem:$0x10500] =	vst v63  }
0x1d: {  	s17 =	simm.s32 $0x200;
	s18 =	simm.s32 $0x2F00  }
0x1e: {  	[tilespmem:s18], [sflag:$0x1] =	stream.indirect.gather [hbm4b:s6+s12], $0x10, s17, s12, $0xb8;
	[tilespmem:$0x10500] =	vst v63  }
0x1f: {  	s15 =	simm.s32 $0x280;
	s16 =	simm.s32 $0x3700  }
0x20: {  	[tilespmem:s16], [sflag:$0x1] =	stream.indirect.gather [hbm4b:s6+s12], $0x10, s15, s12, $0xb8;
	[tilespmem:$0x10500] =	vst v63  }
0x21: {  	s17 =	simm.s32 $0x300;
	s18 =	simm.s32 $0x3F00  }
0x22: {  	[tilespmem:s18], [sflag:$0x1] =	stream.indirect.gather [hbm4b:s6+s12], $0x10, s17, s12, $0xb8;
	[tilespmem:$0x10500] =	vst v63  }
0x23: {  	s15 =	simm.s32 $0x380;
	s16 =	simm.s32 $0x4700  }
0x24: {  	[tilespmem:s16], [sflag:$0x1] =	stream.indirect.gather [hbm4b:s6+s12], $0x10, s15, s12, $0xb8;
	[tilespmem:$0x10500] =	vst v63  }
0x25: {  	s17 =	simm.s32 $0x400;
	s18 =	simm.s32 $0x4F00  }
0x26: {  	[tilespmem:s18], [sflag:$0x1] =	stream.indirect.gather [hbm4b:s6+s12], $0x10, s17, s12, $0xb8;
	[tilespmem:$0x10500] =	vst v63  }
0x27: {  	s15 =	simm.s32 $0x480;
	s16 =	simm.s32 $0x5700  }
0x28: {  	[tilespmem:s16], [sflag:$0x1] =	stream.indirect.gather [hbm4b:s6+s12], $0x10, s15, s12, $0xb8;
	[tilespmem:$0x10500] =	vst v63  }
0x29: {  	s17 =	simm.s32 $0x500;
	s18 =	simm.s32 $0x5F00  }
0x2a: {  	[tilespmem:s18], [sflag:$0x1] =	stream.indirect.gather [hbm4b:s6+s12], $0x10, s17, s12, $0xb8;
	[tilespmem:$0x10500] =	vst v63  }
0x2b: {  	s15 =	simm.s32 $0x580;
	s16 =	simm.s32 $0x6700  }
0x2c: {  	[tilespmem:s16], [sflag:$0x1] =	stream.indirect.gather [hbm4b:s6+s12], $0x10, s15, s12, $0xb8;
	[tilespmem:$0x10500] =	vst v63  }
0x2d: {  	s17 =	simm.s32 $0x600;
	s18 =	simm.s32 $0x6F00  }
0x2e: {  	[tilespmem:s18], [sflag:$0x1] =	stream.indirect.gather [hbm4b:s6+s12], $0x10, s17, s12, $0xb8;
	[tilespmem:$0x10500] =	vst v63  }
0x2f: {  	s15 =	simm.s32 $0x680;
	s16 =	simm.s32 $0x7700  }
0x30: {  	[tilespmem:s16], [sflag:$0x1] =	stream.indirect.gather [hbm4b:s6+s12], $0x10, s15, s12, $0xb8;
	[tilespmem:$0x10500] =	vst v63  }
0x31: {  	s13 =	simm.s32 $0x0;
	s17 =	simm.s32 $0x700;
	s18 =	simm.s32 $0x7F00  }
0x32: {  	[tilespmem:s18], [sflag:$0x1] =	stream.indirect.gather [hbm4b:s6+s12], $0x10, s17, s12, $0xb8;
	[tilespmem:$0x10500] =	vst v63  }
.LBB2_2:
0x33: {  	s14 =	sshllo.u32 s13, $0x1  }
0x34: {  	s15 =	smul.u32 $0x780, s14;
	_ =	sdelay $0x1  }
0x35: {  	s15 =	sadd.s32 s4, s15  }
0x36: {  	s15 =	sshrl.u32 s15, $0x3  }
0x37: {  	s16 =	sadd.s32 s5, s15;
	s15 =	simm.s32 $0x0  }
0x38: {  	[tilespmem:s21], [sflag:$0x3] =	stream.linear.gather [hbm4b:s16+s15], $0x780, $0x38;
	[tilespmem:$0x10500] =	vst v63  }
0x39: {  	_ =	swait.ge [sflag:s11], $0x780  }
0x3a: {  	[sflag:s11] =	ssyncset.done $0x0  }
0x3b: {  	s17 =	simm.s32 $0x8700;
	[sflag:s11] =	ssyncadd.s32 $0xFFFFF880  }
0x3c: {  	[tilespmem:s17], [sflag:$0x2] =	stream.indirect.gather [hbm4b:s6+s12], $0x10, s21, s12, $0xb8;
	[tilespmem:$0x10500] =	vst v63  }
0x3d: {  	s18 =	simm.s32 $0x800;
	s17 =	simm.s32 $0x8F00  }
0x3e: {  	[tilespmem:s17], [sflag:$0x2] =	stream.indirect.gather [hbm4b:s6+s12], $0x10, s18, s12, $0xb8;
	[tilespmem:$0x10500] =	vst v63  }
0x3f: {  	s17 =	simm.s32 $0x880;
	s18 =	simm.s32 $0x9700  }
0x40: {  	[tilespmem:s18], [sflag:$0x2] =	stream.indirect.gather [hbm4b:s6+s12], $0x10, s17, s12, $0xb8;
	[tilespmem:$0x10500] =	vst v63  }
0x41: {  	s17 =	simm.s32 $0x900;
	s18 =	simm.s32 $0x9F00  }
0x42: {  	[tilespmem:s18], [sflag:$0x2] =	stream.indirect.gather [hbm4b:s6+s12], $0x10, s17, s12, $0xb8;
	[tilespmem:$0x10500] =	vst v63  }
0x43: {  	s17 =	simm.s32 $0x980;
	s18 =	simm.s32 $0xA700  }
0x44: {  	[tilespmem:s18], [sflag:$0x2] =	stream.indirect.gather [hbm4b:s6+s12], $0x10, s17, s12, $0xb8;
	[tilespmem:$0x10500] =	vst v63  }
0x45: {  	s17 =	simm.s32 $0xA00;
	s18 =	simm.s32 $0xAF00  }
0x46: {  	[tilespmem:s18], [sflag:$0x2] =	stream.indirect.gather [hbm4b:s6+s12], $0x10, s17, s12, $0xb8;
	[tilespmem:$0x10500] =	vst v63  }
0x47: {  	s17 =	simm.s32 $0xA80;
	s18 =	simm.s32 $0xB700  }
0x48: {  	[tilespmem:s18], [sflag:$0x2] =	stream.indirect.gather [hbm4b:s6+s12], $0x10, s17, s12, $0xb8;
	[tilespmem:$0x10500] =	vst v63  }
0x49: {  	s17 =	simm.s32 $0xB00;
	s18 =	simm.s32 $0xBF00  }
0x4a: {  	[tilespmem:s18], [sflag:$0x2] =	stream.indirect.gather [hbm4b:s6+s12], $0x10, s17, s12, $0xb8;
	[tilespmem:$0x10500] =	vst v63  }
0x4b: {  	s17 =	simm.s32 $0xB80;
	s18 =	simm.s32 $0xC700  }
0x4c: {  	[tilespmem:s18], [sflag:$0x2] =	stream.indirect.gather [hbm4b:s6+s12], $0x10, s17, s12, $0xb8;
	[tilespmem:$0x10500] =	vst v63  }
0x4d: {  	_ = 	snop  }
0x4e: {  	[tilespmem:s20], [sflag:$0x2] =	stream.indirect.gather [hbm4b:s6+s12], $0x10, s19, s12, $0xb8;
	[tilespmem:$0x10500] =	vst v63  }
0x4f: {  	_ = 	snop  }
0x50: {  	[tilespmem:s10], [sflag:$0x2] =	stream.indirect.gather [hbm4b:s6+s12], $0x10, s8, s12, $0xb8;
	[tilespmem:$0x10500] =	vst v63  }
0x51: {  	_ = 	snop  }
0x52: {  	[tilespmem:s23], [sflag:$0x2] =	stream.indirect.gather [hbm4b:s6+s12], $0x10, s22, s12, $0xb8;
	[tilespmem:$0x10500] =	vst v63  }
0x53: {  	_ = 	snop  }
0x54: {  	[tilespmem:s25], [sflag:$0x2] =	stream.indirect.gather [hbm4b:s6+s12], $0x10, s24, s12, $0xb8;
	[tilespmem:$0x10500] =	vst v63  }
0x55: {  	_ = 	snop  }
0x56: {  	[tilespmem:s28], [sflag:$0x2] =	stream.indirect.gather [hbm4b:s6+s12], $0x10, s26, s12, $0xb8;
	[tilespmem:$0x10500] =	vst v63  }
0x57: {  	_ = 	snop  }
0x58: {  	[tilespmem:s30], [sflag:$0x2] =	stream.indirect.gather [hbm4b:s6+s12], $0x10, s29, s12, $0xb8;
	[tilespmem:$0x10500] =	vst v63  }
0x59: {  	_ =	swait.ge [sflag:s31], $0x800  }
0x5a: {  	[sflag:s31] =	ssyncset.done $0x0  }
0x5b: {  	[sflag:s31] =	ssyncadd.s32 $0xFFFFF800  }
0x5c: {  	_ =	swait.ge [sflag:s31], $0x800  }
0x5d: {  	[sflag:s31] =	ssyncset.done $0x0  }
0x5e: {  	[sflag:s31] =	ssyncadd.s32 $0xFFFFF800  }
0x5f: {  	_ =	swait.ge [sflag:s31], $0x800  }
0x60: {  	[sflag:s31] =	ssyncset.done $0x0  }
0x61: {  	[sflag:s31] =	ssyncadd.s32 $0xFFFFF800  }
0x62: {  	_ =	swait.ge [sflag:s31], $0x800  }
0x63: {  	[sflag:s31] =	ssyncset.done $0x0  }
0x64: {  	[sflag:s31] =	ssyncadd.s32 $0xFFFFF800  }
0x65: {  	_ =	swait.ge [sflag:s31], $0x800  }
0x66: {  	[sflag:s31] =	ssyncset.done $0x0  }
0x67: {  	[sflag:s31] =	ssyncadd.s32 $0xFFFFF800  }
0x68: {  	_ =	swait.ge [sflag:s31], $0x800  }
0x69: {  	[sflag:s31] =	ssyncset.done $0x0  }
0x6a: {  	[sflag:s31] =	ssyncadd.s32 $0xFFFFF800  }
0x6b: {  	_ =	swait.ge [sflag:s31], $0x800  }
0x6c: {  	[sflag:s31] =	ssyncset.done $0x0  }
0x6d: {  	[sflag:s31] =	ssyncadd.s32 $0xFFFFF800  }
0x6e: {  	_ =	swait.ge [sflag:s31], $0x800  }
0x6f: {  	[sflag:s31] =	ssyncset.done $0x0  }
0x70: {  	[sflag:s31] =	ssyncadd.s32 $0xFFFFF800  }
0x71: {  	_ =	swait.ge [sflag:s31], $0x800  }
0x72: {  	[sflag:s31] =	ssyncset.done $0x0  }
0x73: {  	[sflag:s31] =	ssyncadd.s32 $0xFFFFF800  }
0x74: {  	_ =	swait.ge [sflag:s31], $0x800  }
0x75: {  	[sflag:s31] =	ssyncset.done $0x0  }
0x76: {  	[sflag:s31] =	ssyncadd.s32 $0xFFFFF800  }
0x77: {  	_ =	swait.ge [sflag:s31], $0x800  }
0x78: {  	[sflag:s31] =	ssyncset.done $0x0  }
0x79: {  	[sflag:s31] =	ssyncadd.s32 $0xFFFFF800  }
0x7a: {  	_ =	swait.ge [sflag:s31], $0x800  }
0x7b: {  	[sflag:s31] =	ssyncset.done $0x0  }
0x7c: {  	[sflag:s31] =	ssyncadd.s32 $0xFFFFF800  }
0x7d: {  	_ =	swait.ge [sflag:s31], $0x800  }
0x7e: {  	[sflag:s31] =	ssyncset.done $0x0  }
0x7f: {  	[sflag:s31] =	ssyncadd.s32 $0xFFFFF800  }
0x80: {  	_ =	swait.ge [sflag:s31], $0x800  }
0x81: {  	[sflag:s31] =	ssyncset.done $0x0  }
0x82: {  	[sflag:s31] =	ssyncadd.s32 $0xFFFFF800  }
0x83: {  	_ =	swait.ge [sflag:s31], $0x800  }
0x84: {  	[sflag:s31] =	ssyncset.done $0x0  }
0x85: {  	s16 =	simm.s32 $0xFA0;
	[sflag:s31] =	ssyncadd.s32 $0xFFFFF800  }
0x86: {  	v0 =	vld [tilespmem:s16+$0xFFFFFF70]  }
0x87: {  	s17 =	simm.s32 $0x40;
	v1 =	vld [tilespmem:s16+$0xFFFFFF60]  }
.LBB2_3:
0x88: {  	p0 =	sne.s32 s17, $0x17C0  }
0x89: {  	v2 =	vld [tilespmem:s16+$0xFFFFFF80];
	_ =	sdelay $0x1  }
0x8a: {  	v3 =	vld [tilespmem:s16+$0xFFFFFF90]  }
0x8b: {  	v0 =	vadd.f32 v0, v1  }
0x8c: {  	v1 =	vld [tilespmem:s16+$0xFFFFFFA0]  }
0x8d: {  	v0 =	vadd.f32 v2, v0  }
0x8e: {  	v2 =	vld [tilespmem:s16+$0xFFFFFFB0]  }
0x8f: {  	v0 =	vadd.f32 v3, v0  }
0x90: {  	v3 =	vld [tilespmem:s16+$0xFFFFFFC0]  }
0x91: {  	v0 =	vadd.f32 v1, v0  }
0x92: {  	v1 =	vld [tilespmem:s16+$0xFFFFFFD0]  }
0x93: {  	v0 =	vadd.f32 v2, v0  }
0x94: {  	v2 =	vld [tilespmem:s16+$0xFFFFFFE0]  }
0x95: {  	v0 =	vadd.f32 v3, v0  }
0x96: {  	v3 =	vld [tilespmem:s16+$0xFFFFFFF0]  }
0x97: {  	v0 =	vadd.f32 v1, v0  }
0x98: {  	v1 =	vld [tilespmem:s16+$0x0]  }
0x99: {  	v0 =	vadd.f32 v2, v0  }
0x9a: {  	v2 =	vld [tilespmem:s16+$0x10]  }
0x9b: {  	v0 =	vadd.f32 v3, v0  }
0x9c: {  	v3 =	vld [tilespmem:s16+$0x20]  }
0x9d: {  	v0 =	vadd.f32 v1, v0  }
0x9e: {  	v1 =	vld [tilespmem:s16+$0x30]  }
0x9f: {  	v0 =	vadd.f32 v2, v0  }
0xa0: {  	v2 =	vld [tilespmem:s16+$0x40]  }
0xa1: {  	v0 =	vadd.f32 v3, v0  }
0xa2: {  	v3 =	vld [tilespmem:s16+$0x50]  }
0xa3: {  	v0 =	vadd.f32 v1, v0  }
0xa4: {  	v1 =	vld [tilespmem:s16+$0x60]  }
0xa5: {  	v0 =	vadd.f32 v2, v0  }
0xa6: {  	v2 =	vld [tilespmem:s16+$0x70]  }
0xa7: {  	v0 =	vadd.f32 v3, v0  }
0xa8: {  	v3 =	vld [tilespmem:s16+$0x80]  }
0xa9: {  	v0 =	vadd.f32 v1, v0  }
0xaa: {  	v1 =	vld [tilespmem:s16+$0x90]  }
0xab: {  	v0 =	vadd.f32 v2, v0;
	_ =	sdelay $0x1  }
0xac: {  	v0 =	vadd.f32 v3, v0;
	_ =	sdelay $0x1  }
.Ltmp0:
0xad: {  	v0 =	vadd.f32 v1, v0;
	(pc) =	sbr.rel @p0 .LBB2_3-.Ltmp0, $4  }
0xae: {  	s18 =	sshra.s32 s15, $0x2;
	s15 =	smov.u32 s17  }
0xaf: {  	s16 =	sadd.s32 $0x140, s16;
	[tilespmem:s18+$0xFF00] =	vst v0  }
0xb0: {  	v0 =	vld [tilespmem:s16+$0xFFFFFF70]  }
0xb1: {  	s17 =	sadd.s32 $0x40, s17;
	v1 =	vld [tilespmem:s16+$0xFFFFFF60]  }
0xb2: {  	_ = 	snop  }
0xb3: {  	v2 =	vld [tilespmem:s16+$0xFFFFFF80];
	_ =	sdelay $0x1  }
0xb4: {  	v3 =	vld [tilespmem:s16+$0xFFFFFF90]  }
0xb5: {  	v0 =	vadd.f32 v0, v1  }
0xb6: {  	v1 =	vld [tilespmem:s16+$0xFFFFFFA0]  }
0xb7: {  	v0 =	vadd.f32 v2, v0  }
0xb8: {  	v2 =	vld [tilespmem:s16+$0xFFFFFFB0]  }
0xb9: {  	v0 =	vadd.f32 v3, v0  }
0xba: {  	v3 =	vld [tilespmem:s16+$0xFFFFFFC0]  }
0xbb: {  	v0 =	vadd.f32 v1, v0  }
0xbc: {  	v1 =	vld [tilespmem:s16+$0xFFFFFFD0]  }
0xbd: {  	v0 =	vadd.f32 v2, v0  }
0xbe: {  	v2 =	vld [tilespmem:s16+$0xFFFFFFE0]  }
0xbf: {  	v0 =	vadd.f32 v3, v0  }
0xc0: {  	v3 =	vld [tilespmem:s16+$0xFFFFFFF0]  }
0xc1: {  	v0 =	vadd.f32 v1, v0  }
0xc2: {  	v1 =	vld [tilespmem:s16+$0x0]  }
0xc3: {  	v0 =	vadd.f32 v2, v0  }
0xc4: {  	v2 =	vld [tilespmem:s16+$0x10]  }
0xc5: {  	v0 =	vadd.f32 v3, v0  }
0xc6: {  	v3 =	vld [tilespmem:s16+$0x20]  }
0xc7: {  	v0 =	vadd.f32 v1, v0  }
0xc8: {  	v1 =	vld [tilespmem:s16+$0x30]  }
0xc9: {  	v0 =	vadd.f32 v2, v0  }
0xca: {  	v2 =	vld [tilespmem:s16+$0x40]  }
0xcb: {  	v0 =	vadd.f32 v3, v0  }
0xcc: {  	v3 =	vld [tilespmem:s16+$0x50]  }
0xcd: {  	v0 =	vadd.f32 v1, v0  }
0xce: {  	v1 =	vld [tilespmem:s16+$0x60]  }
0xcf: {  	v0 =	vadd.f32 v2, v0  }
0xd0: {  	v2 =	vld [tilespmem:s16+$0x70]  }
0xd1: {  	v0 =	vadd.f32 v3, v0  }
0xd2: {  	v3 =	vld [tilespmem:s16+$0x80]  }
0xd3: {  	v0 =	vadd.f32 v1, v0  }
0xd4: {  	v1 =	vld [tilespmem:s16+$0x90]  }
0xd5: {  	v0 =	vadd.f32 v2, v0;
	_ =	sdelay $0x1  }
0xd6: {  	s17 =	smul.u32 $0xC00, s13;
	v0 =	vadd.f32 v3, v0;
	_ =	sdelay $0x1  }
0xd7: {  	s16 =	sadd.s32 s7, s17;
	v0 =	vadd.f32 v1, v0  }
0xd8: {  	s15 =	sshra.s32 s15, $0x2;
	p0 =	seq.s32 s13, $0x36;
	s16 =	sshrl.u32 s16, $0x3  }
0xd9: {  	s18 =	sadd.s32 s2, s16;
	s16 =	smul.u32 @!p0 $0xF00, s13;
	[tilespmem:s15+$0xFF00] =	vst v0  }
0xda: {  	[hbm4b:s18+s3] =	stream.linear.scatter [tilespmem:s1], [sflag:$0x3], $0x600, $0x38;
	[tilespmem:$0x10500] =	vst v63  }
0xdb: {  	s15 =	sadd.s32 @!p0 s16, s9;
	_ =	swait.ge [sflag:s11], $0x600  }
0xdc: {  	s15 =	sshrl.u32 @!p0 s15, $0x3;
	[sflag:s11] =	ssyncset.done $0x0  }
0xdd: {  	s16 =	simm.s32 @!p0 $0x0;
	s15 =	sadd.s32 @!p0 s5, s15;
	[sflag:s11] =	ssyncadd.s32 $0xFFFFFA00  }
0xde: {  	[tilespmem:s16], [sflag:$0x3] =	stream.linear.gather @!p0 [hbm4b:s15+s16], $0x780, $0x38;
	[tilespmem:$0x10500] =	vst v63  }
0xdf: {  	s15 =	simm.s32 @!p0 $0x3  }
0xe0: {  	_ =	swait.ge @!p0 [sflag:s15], $0x780  }
0xe1: {  	[sflag:s15] =	ssyncset.done @!p0 $0x0  }
0xe2: {  	s17 =	simm.s32 @!p0 $0xF00;
	[sflag:s15] =	ssyncadd.s32 @!p0 $0xFFFFF880;
	s15 =	simm.s32 @!p0 $0x80  }
0xe3: {  	[tilespmem:s17], [sflag:$0x1] =	stream.indirect.gather @!p0 [hbm4b:s6+s15], $0x10, s16, s15, $0xb8;
	[tilespmem:$0x10500] =	vst v63  }
0xe4: {  	s16 =	simm.s32 @!p0 $0x1700  }
0xe5: {  	[tilespmem:s16], [sflag:$0x1] =	stream.indirect.gather @!p0 [hbm4b:s6+s15], $0x10, s15, s15, $0xb8;
	[tilespmem:$0x10500] =	vst v63  }
0xe6: {  	s17 =	simm.s32 @!p0 $0x1F00;
	s16 =	simm.s32 @!p0 $0x100  }
0xe7: {  	[tilespmem:s17], [sflag:$0x1] =	stream.indirect.gather @!p0 [hbm4b:s6+s15], $0x10, s16, s15, $0xb8;
	[tilespmem:$0x10500] =	vst v63  }
0xe8: {  	s16 =	simm.s32 @!p0 $0x180;
	s17 =	simm.s32 @!p0 $0x2700  }
0xe9: {  	[tilespmem:s17], [sflag:$0x1] =	stream.indirect.gather @!p0 [hbm4b:s6+s15], $0x10, s16, s15, $0xb8;
	[tilespmem:$0x10500] =	vst v63  }
0xea: {  	s16 =	simm.s32 @!p0 $0x200;
	s17 =	simm.s32 @!p0 $0x2F00  }
0xeb: {  	[tilespmem:s17], [sflag:$0x1] =	stream.indirect.gather @!p0 [hbm4b:s6+s15], $0x10, s16, s15, $0xb8;
	[tilespmem:$0x10500] =	vst v63  }
0xec: {  	s16 =	simm.s32 @!p0 $0x280;
	s17 =	simm.s32 @!p0 $0x3700  }
0xed: {  	[tilespmem:s17], [sflag:$0x1] =	stream.indirect.gather @!p0 [hbm4b:s6+s15], $0x10, s16, s15, $0xb8;
	[tilespmem:$0x10500] =	vst v63  }
0xee: {  	s16 =	simm.s32 @!p0 $0x300;
	s17 =	simm.s32 @!p0 $0x3F00  }
0xef: {  	[tilespmem:s17], [sflag:$0x1] =	stream.indirect.gather @!p0 [hbm4b:s6+s15], $0x10, s16, s15, $0xb8;
	[tilespmem:$0x10500] =	vst v63  }
0xf0: {  	s16 =	simm.s32 @!p0 $0x380;
	s17 =	simm.s32 @!p0 $0x4700  }
0xf1: {  	[tilespmem:s17], [sflag:$0x1] =	stream.indirect.gather @!p0 [hbm4b:s6+s15], $0x10, s16, s15, $0xb8;
	[tilespmem:$0x10500] =	vst v63  }
0xf2: {  	s16 =	simm.s32 @!p0 $0x400;
	s17 =	simm.s32 @!p0 $0x4F00  }
0xf3: {  	[tilespmem:s17], [sflag:$0x1] =	stream.indirect.gather @!p0 [hbm4b:s6+s15], $0x10, s16, s15, $0xb8;
	[tilespmem:$0x10500] =	vst v63  }
0xf4: {  	s16 =	simm.s32 @!p0 $0x480;
	s17 =	simm.s32 @!p0 $0x5700  }
0xf5: {  	[tilespmem:s17], [sflag:$0x1] =	stream.indirect.gather @!p0 [hbm4b:s6+s15], $0x10, s16, s15, $0xb8;
	[tilespmem:$0x10500] =	vst v63  }
0xf6: {  	s16 =	simm.s32 @!p0 $0x500;
	s17 =	simm.s32 @!p0 $0x5F00  }
0xf7: {  	[tilespmem:s17], [sflag:$0x1] =	stream.indirect.gather @!p0 [hbm4b:s6+s15], $0x10, s16, s15, $0xb8;
	[tilespmem:$0x10500] =	vst v63  }
0xf8: {  	s16 =	simm.s32 @!p0 $0x580;
	s17 =	simm.s32 @!p0 $0x6700  }
0xf9: {  	[tilespmem:s17], [sflag:$0x1] =	stream.indirect.gather @!p0 [hbm4b:s6+s15], $0x10, s16, s15, $0xb8;
	[tilespmem:$0x10500] =	vst v63  }
0xfa: {  	s16 =	simm.s32 @!p0 $0x600;
	s17 =	simm.s32 @!p0 $0x6F00  }
0xfb: {  	[tilespmem:s17], [sflag:$0x1] =	stream.indirect.gather @!p0 [hbm4b:s6+s15], $0x10, s16, s15, $0xb8;
	[tilespmem:$0x10500] =	vst v63  }
0xfc: {  	s16 =	simm.s32 @!p0 $0x680;
	s17 =	simm.s32 @!p0 $0x7700  }
0xfd: {  	[tilespmem:s17], [sflag:$0x1] =	stream.indirect.gather @!p0 [hbm4b:s6+s15], $0x10, s16, s15, $0xb8;
	[tilespmem:$0x10500] =	vst v63  }
0xfe: {  	s16 =	simm.s32 @!p0 $0x700;
	s17 =	simm.s32 @!p0 $0x7F00  }
0xff: {  	[tilespmem:s17], [sflag:$0x1] =	stream.indirect.gather @!p0 [hbm4b:s6+s15], $0x10, s16, s15, $0xb8;
	[tilespmem:$0x10500] =	vst v63  }
0x100: {  	_ =	swait.ge [sflag:s0], $0x800  }
0x101: {  	[sflag:s0] =	ssyncset.done $0x0  }
0x102: {  	[sflag:s0] =	ssyncadd.s32 $0xFFFFF800  }
0x103: {  	_ =	swait.ge [sflag:s0], $0x800  }
0x104: {  	[sflag:s0] =	ssyncset.done $0x0  }
0x105: {  	[sflag:s0] =	ssyncadd.s32 $0xFFFFF800  }
0x106: {  	_ =	swait.ge [sflag:s0], $0x800  }
0x107: {  	[sflag:s0] =	ssyncset.done $0x0  }
0x108: {  	[sflag:s0] =	ssyncadd.s32 $0xFFFFF800  }
0x109: {  	_ =	swait.ge [sflag:s0], $0x800  }
0x10a: {  	[sflag:s0] =	ssyncset.done $0x0  }
0x10b: {  	[sflag:s0] =	ssyncadd.s32 $0xFFFFF800  }
0x10c: {  	_ =	swait.ge [sflag:s0], $0x800  }
0x10d: {  	[sflag:s0] =	ssyncset.done $0x0  }
0x10e: {  	[sflag:s0] =	ssyncadd.s32 $0xFFFFF800  }
0x10f: {  	_ =	swait.ge [sflag:s0], $0x800  }
0x110: {  	[sflag:s0] =	ssyncset.done $0x0  }
0x111: {  	[sflag:s0] =	ssyncadd.s32 $0xFFFFF800  }
0x112: {  	_ =	swait.ge [sflag:s0], $0x800  }
0x113: {  	[sflag:s0] =	ssyncset.done $0x0  }
0x114: {  	[sflag:s0] =	ssyncadd.s32 $0xFFFFF800  }
0x115: {  	_ =	swait.ge [sflag:s0], $0x800  }
0x116: {  	[sflag:s0] =	ssyncset.done $0x0  }
0x117: {  	[sflag:s0] =	ssyncadd.s32 $0xFFFFF800  }
0x118: {  	_ =	swait.ge [sflag:s0], $0x800  }
0x119: {  	[sflag:s0] =	ssyncset.done $0x0  }
0x11a: {  	[sflag:s0] =	ssyncadd.s32 $0xFFFFF800  }
0x11b: {  	_ =	swait.ge [sflag:s0], $0x800  }
0x11c: {  	[sflag:s0] =	ssyncset.done $0x0  }
0x11d: {  	[sflag:s0] =	ssyncadd.s32 $0xFFFFF800  }
0x11e: {  	_ =	swait.ge [sflag:s0], $0x800  }
0x11f: {  	[sflag:s0] =	ssyncset.done $0x0  }
0x120: {  	[sflag:s0] =	ssyncadd.s32 $0xFFFFF800  }
0x121: {  	_ =	swait.ge [sflag:s0], $0x800  }
0x122: {  	[sflag:s0] =	ssyncset.done $0x0  }
0x123: {  	[sflag:s0] =	ssyncadd.s32 $0xFFFFF800  }
0x124: {  	_ =	swait.ge [sflag:s0], $0x800  }
0x125: {  	[sflag:s0] =	ssyncset.done $0x0  }
0x126: {  	[sflag:s0] =	ssyncadd.s32 $0xFFFFF800  }
0x127: {  	_ =	swait.ge [sflag:s0], $0x800  }
0x128: {  	[sflag:s0] =	ssyncset.done $0x0  }
0x129: {  	[sflag:s0] =	ssyncadd.s32 $0xFFFFF800  }
0x12a: {  	_ =	swait.ge [sflag:s0], $0x800  }
0x12b: {  	[sflag:s0] =	ssyncset.done $0x0  }
0x12c: {  	s16 =	simm.s32 $0x87A0;
	[sflag:s0] =	ssyncadd.s32 $0xFFFFF800  }
0x12d: {  	v0 =	vld [tilespmem:s16+$0xFFFFFF70]  }
0x12e: {  	s15 =	simm.s32 $0x0;
	s17 =	simm.s32 $0x40;
	v1 =	vld [tilespmem:s16+$0xFFFFFF60]  }
.LBB2_5:
0x12f: {  	p0 =	sne.s32 s17, $0x17C0  }
0x130: {  	v2 =	vld [tilespmem:s16+$0xFFFFFF80];
	_ =	sdelay $0x1  }
0x131: {  	v3 =	vld [tilespmem:s16+$0xFFFFFF90]  }
0x132: {  	v0 =	vadd.f32 v0, v1  }
0x133: {  	v1 =	vld [tilespmem:s16+$0xFFFFFFA0]  }
0x134: {  	v0 =	vadd.f32 v2, v0  }
0x135: {  	v2 =	vld [tilespmem:s16+$0xFFFFFFB0]  }
0x136: {  	v0 =	vadd.f32 v3, v0  }
0x137: {  	v3 =	vld [tilespmem:s16+$0xFFFFFFC0]  }
0x138: {  	v0 =	vadd.f32 v1, v0  }
0x139: {  	v1 =	vld [tilespmem:s16+$0xFFFFFFD0]  }
0x13a: {  	v0 =	vadd.f32 v2, v0  }
0x13b: {  	v2 =	vld [tilespmem:s16+$0xFFFFFFE0]  }
0x13c: {  	v0 =	vadd.f32 v3, v0  }
0x13d: {  	v3 =	vld [tilespmem:s16+$0xFFFFFFF0]  }
0x13e: {  	v0 =	vadd.f32 v1, v0  }
0x13f: {  	v1 =	vld [tilespmem:s16+$0x0]  }
0x140: {  	v0 =	vadd.f32 v2, v0  }
0x141: {  	v2 =	vld [tilespmem:s16+$0x10]  }
0x142: {  	v0 =	vadd.f32 v3, v0  }
0x143: {  	v3 =	vld [tilespmem:s16+$0x20]  }
0x144: {  	v0 =	vadd.f32 v1, v0  }
0x145: {  	v1 =	vld [tilespmem:s16+$0x30]  }
0x146: {  	v0 =	vadd.f32 v2, v0  }
0x147: {  	v2 =	vld [tilespmem:s16+$0x40]  }
0x148: {  	v0 =	vadd.f32 v3, v0  }
0x149: {  	v3 =	vld [tilespmem:s16+$0x50]  }
0x14a: {  	v0 =	vadd.f32 v1, v0  }
0x14b: {  	v1 =	vld [tilespmem:s16+$0x60]  }
0x14c: {  	v0 =	vadd.f32 v2, v0  }
0x14d: {  	v2 =	vld [tilespmem:s16+$0x70]  }
0x14e: {  	v0 =	vadd.f32 v3, v0  }
0x14f: {  	v3 =	vld [tilespmem:s16+$0x80]  }
0x150: {  	v0 =	vadd.f32 v1, v0  }
0x151: {  	v1 =	vld [tilespmem:s16+$0x90]  }
0x152: {  	v0 =	vadd.f32 v2, v0;
	_ =	sdelay $0x1  }
0x153: {  	v0 =	vadd.f32 v3, v0;
	_ =	sdelay $0x1  }
.Ltmp1:
0x154: {  	v0 =	vadd.f32 v1, v0;
	(pc) =	sbr.rel @p0 .LBB2_5-.Ltmp1, $4  }
0x155: {  	s18 =	sshra.s32 s15, $0x2;
	s15 =	smov.u32 s17  }
0x156: {  	s16 =	sadd.s32 $0x140, s16;
	[tilespmem:s18+$0xFF00] =	vst v0  }
0x157: {  	v0 =	vld [tilespmem:s16+$0xFFFFFF70]  }
0x158: {  	s17 =	sadd.s32 $0x40, s17;
	v1 =	vld [tilespmem:s16+$0xFFFFFF60]  }
0x159: {  	_ = 	snop  }
0x15a: {  	v2 =	vld [tilespmem:s16+$0xFFFFFF80];
	_ =	sdelay $0x1  }
0x15b: {  	v3 =	vld [tilespmem:s16+$0xFFFFFF90]  }
0x15c: {  	v0 =	vadd.f32 v0, v1  }
0x15d: {  	v48 =	vld [tilespmem:s16+$0xFFFFFFA0]  }
0x15e: {  	v0 =	vadd.f32 v2, v0  }
0x15f: {  	v49 =	vld [tilespmem:s16+$0xFFFFFFB0]  }
0x160: {  	v0 =	vadd.f32 v3, v0  }
0x161: {  	v50 =	vld [tilespmem:s16+$0xFFFFFFC0]  }
0x162: {  	v0 =	vadd.f32 v48, v0  }
0x163: {  	v51 =	vld [tilespmem:s16+$0xFFFFFFD0]  }
0x164: {  	v0 =	vadd.f32 v49, v0  }
0x165: {  	v52 =	vld [tilespmem:s16+$0xFFFFFFE0]  }
0x166: {  	v0 =	vadd.f32 v50, v0  }
0x167: {  	v53 =	vld [tilespmem:s16+$0xFFFFFFF0]  }
0x168: {  	v0 =	vadd.f32 v51, v0  }
0x169: {  	v54 =	vld [tilespmem:s16+$0x0]  }
0x16a: {  	v0 =	vadd.f32 v52, v0  }
0x16b: {  	v55 =	vld [tilespmem:s16+$0x10]  }
0x16c: {  	v0 =	vadd.f32 v53, v0  }
0x16d: {  	v56 =	vld [tilespmem:s16+$0x20]  }
0x16e: {  	v0 =	vadd.f32 v54, v0  }
0x16f: {  	v57 =	vld [tilespmem:s16+$0x30]  }
0x170: {  	v0 =	vadd.f32 v55, v0  }
0x171: {  	v58 =	vld [tilespmem:s16+$0x40]  }
0x172: {  	v0 =	vadd.f32 v56, v0  }
0x173: {  	v59 =	vld [tilespmem:s16+$0x50]  }
0x174: {  	v0 =	vadd.f32 v57, v0  }
0x175: {  	v60 =	vld [tilespmem:s16+$0x60]  }
0x176: {  	v0 =	vadd.f32 v58, v0  }
0x177: {  	v61 =	vld [tilespmem:s16+$0x70]  }
0x178: {  	v0 =	vadd.f32 v59, v0  }
0x179: {  	v62 =	vld [tilespmem:s16+$0x80]  }
0x17a: {  	v0 =	vadd.f32 v60, v0  }
0x17b: {  	v63 =	vld [tilespmem:s16+$0x90]  }
0x17c: {  	v0 =	vadd.f32 v61, v0;
	_ =	sdelay $0x1  }
0x17d: {  	s14 =	smul.u32 $0x600, s14;
	v0 =	vadd.f32 v62, v0;
	_ =	sdelay $0x1  }
0x17e: {  	s13 =	sadd.s32 $0x1, s13;
	s14 =	sadd.s32 s7, s14;
	v0 =	vadd.f32 v63, v0  }
0x17f: {  	s15 =	sshra.s32 s15, $0x2;
	p0 =	sne.s32 s13, $0x37;
	s14 =	sshrl.u32 s14, $0x3  }
.Ltmp2:
0x180: {  	s14 =	sadd.s32 s2, s14;
	[tilespmem:s15+$0xFF00] =	vst v0;
	(pc) =	sbr.rel @p0 .LBB2_2-.Ltmp2, $4  }
0x181: {  	[hbm4b:s14+s3] =	stream.linear.scatter [tilespmem:s1], [sflag:$0x3], $0x600, $0x38;
	[tilespmem:$0x10500] =	vst v63  }
0x182: {  	_ =	swait.ge [sflag:s11], $0x600  }
0x183: {  	[sflag:s11] =	ssyncset.done $0x0  }
0x184: {  	[sflag:s11] =	ssyncadd.s32 $0xFFFFFA00  }
0x185: {  	s14 =	rddreg [dreg:$0x5]  }
0x186: {  	s13 =	rddreg [dreg:$0x4];
	s14 =	sadd.s32 $0x1, s14  }
0x187: {  	p0 =	sne.s32 s14, s13  }
.Ltmp3:
0x188: {  	_ = 	snop;
	(pc) =	sbr.rel @p0 .LBB2_1-.Ltmp3, $1  }
0x189: {  	_ =	sdelay $0x3  }
0x18a: {  	_ =	sfence.sel $0x180000  }
0x18b: {  	[bflag:$0x0] =	sbarrier.arrive $0xFFFF  }
0x18c: {  	_ =	strace $0x9000004A  }
0x18d: {  	s0 =	stileid.u32;
	[bflag:$0x2] =	sbarrier.arrive $0xFFFF  }
0x18e: {  	p0 =	sne.s32 s0, $0x0;
	s0 =	rddreg [dreg:$0x2]  }
0x18f: {  	s0 =	sadd.s32 @!p0 $0x100000, s0  }
0x190: {  	[sflag:s0] =	ssyncadd.tile.s32 @!p0 $0x1;
	_ =	shalt  }
.Lfunc_end2:
_tile_overlayer_lowered:
.L_overlay_start_2:
0x191: {  	(tag) =	ssettag $0x2  }
0x192: {  	s0 =	rddreg [dreg:$0x0];
	s2 =	stileid.u32  }
0x193: {  	s1 =	rddreg [dreg:$0x1];
	p0 =	sne.s32 s2, $0x0  }
0x194: {  	s3 =	rddreg [dreg:$0x2];
	[bflag:$0x3] =	sbarrier.arrive $0xFFFF;
	s2 =	simm.s32 @!p0 $0x1C03  }
0x195: {  	[timem:s3], [sflag:s2] =	dma.local @!p0 [hbm:s0], s1  }
0x196: {  	s0 =	simm.s32 @!p0 $0x3  }
0x197: {  	_ =	swait.ge @!p0 [sflag:s0], s1  }
0x198: {  	s1 =	ssub.s32 @!p0 $0x0, s1;
	[sflag:s0] =	ssyncset.done @!p0 $0x0  }
0x199: {  	[sflag:s0] =	ssyncadd.s32 @!p0 s1  }
0x19a: {  	[bflag:$0x3] =	sbarrier.arrive $0xFFFF  }
0x19b: {  	_ =	shalt  }

</sc_bundles>
